<compile_context>
chip_gen: v7x
topology: tpu7x:2x2x1
jax: 0.10.2.dev20260603
libtpu: 0.0.44.dev20260713+nightly
codegen_flags: <defaults>
</compile_context>

<pallas_src>
import functools

import jax
import jax.numpy as jnp
from jax import lax
from jax.experimental import pallas as pl
from jax.experimental.pallas import tpu as pltpu
from jax.experimental.pallas import tpu_sc as plsc

N = 10000
E = 320000
H = 128

NC = 2
NS = 16
NW = NC * NS
L = 16

CH = 80
PER_W = E // NW
NCHUNK = PER_W // CH
GCH = 128
GFULL = PER_W // GCH
GTAIL = PER_W - GFULL * GCH
ROWS_PER_TILE = N // 10

_EPS = 1e-5


def _ln(h, g, b):
    m = jnp.mean(h, axis=-1, keepdims=True)
    v = jnp.mean((h - m) * (h - m), axis=-1, keepdims=True)
    return (h - m) * lax.rsqrt(v + _EPS) * g + b



def _bdot(a, b):
    return jnp.dot(a.astype(jnp.bfloat16), b.astype(jnp.bfloat16),
                   preferred_element_type=jnp.float32)


def _pre_body(x_ref, w1a_ref, w1b_ref, b1_ref, xs_ref, xr_ref):
    xb = x_ref[...]
    xs_ref[...] = _bdot(xb, w1a_ref[...])
    xr_ref[...] = _bdot(xb, w1b_ref[...]) + b1_ref[...]


def _edge_body(g_ref, ea_ref, w1c_ref, w2_ref, b2_ref, gam_ref, bet_ref,
               enew_ref, eout_ref):
    ea = ea_ref[...]
    h = jnp.maximum(g_ref[...] + _bdot(ea, w1c_ref[...]), 0.0)
    h2 = _bdot(h, w2_ref[...]) + b2_ref[...]
    en = _ln(h2, gam_ref[...], bet_ref[...])
    enew_ref[...] = en
    eout_ref[...] = ea + en


def _node_body(x_ref, p0_ref, p1_ref, w1x_ref, w1a_ref, b1_ref, w2_ref, b2_ref,
               gam_ref, bet_ref, out_ref):
    xb = x_ref[...]
    agg = p0_ref[...] + p1_ref[...]
    h = jnp.maximum(
        _bdot(xb, w1x_ref[...]) + _bdot(agg, w1a_ref[...]) + b1_ref[...], 0.0)
    h2 = _bdot(h, w2_ref[...]) + b2_ref[...]
    out_ref[...] = xb + _ln(h2, gam_ref[...], bet_ref[...])


def _full(shape):
    return pl.BlockSpec(shape, lambda i: (0,) * len(shape))



_MESH = plsc.VectorSubcoreMesh(core_axis_name="c", subcore_axis_name="s")


@functools.partial(
    pl.kernel,
    out_type=jax.ShapeDtypeStruct((E, H), jnp.float32),
    mesh=_MESH,
    scratch_types=[
        pltpu.VMEM((1, PER_W), jnp.int32),
        pltpu.VMEM((1, PER_W), jnp.int32),
        pltpu.VMEM((2, GCH, H), jnp.float32),
        pltpu.VMEM((2, GCH, H), jnp.float32),
        pltpu.SemaphoreType.DMA,
        pltpu.SemaphoreType.DMA,
    ],
)
def _gather_combine(xs_hbm, xr_hbm, sidx_hbm, ridx_hbm, g_hbm,
                    sidx_v, ridx_v, buf_a, buf_b, gsem, wsem):
    wid = lax.axis_index("s") * NC + lax.axis_index("c")
    base0 = wid * PER_W
    pltpu.sync_copy(sidx_hbm.at[wid], sidx_v)
    pltpu.sync_copy(ridx_hbm.at[wid], ridx_v)

    def fire(j, slot):
        sl = pl.ds(j * GCH, GCH)
        pltpu.async_copy(xs_hbm.at[sidx_v.at[0, sl]], buf_a.at[slot], gsem)
        pltpu.async_copy(xr_hbm.at[ridx_v.at[0, sl]], buf_b.at[slot], gsem)

    def wait_gather(slot):
        pltpu.make_async_copy(xs_hbm.at[pl.ds(0, GCH)], buf_a.at[slot], gsem).wait()
        pltpu.make_async_copy(xs_hbm.at[pl.ds(0, GCH)], buf_b.at[slot], gsem).wait()

    def wait_write(slot):
        pltpu.make_async_copy(buf_a.at[slot], g_hbm.at[pl.ds(0, GCH)], wsem).wait()

    def add_rows(slot, nrows):
        def add_row(i, c):
            for k in range(H // L):
                s = pl.ds(k * L, L)
                buf_a[slot, i, s] = buf_a[slot, i, s] + buf_b[slot, i, s]
            return c
        lax.fori_loop(0, nrows, add_row, 0)

    fire(0, 0)

    def chunk(j, carry):
        r = lax.rem(j, 2)
        nxt = 1 - r

        wait_gather(r)

        @pl.when(j >= 1)
        def _():
            wait_write(nxt)

        @pl.when(j < GFULL - 1)
        def _():
            fire(j + 1, nxt)

        add_rows(r, GCH)
        pltpu.async_copy(buf_a.at[r], g_hbm.at[pl.ds(base0 + j * GCH, GCH)], wsem)
        return carry

    lax.fori_loop(0, GFULL, chunk, 0)
    wait_write((GFULL - 1) % 2)

    tsl = pl.ds(GFULL * GCH, GTAIL)
    ca = pltpu.async_copy(xs_hbm.at[sidx_v.at[0, tsl]], buf_a.at[0, pl.ds(0, GTAIL)], gsem)
    cb = pltpu.async_copy(xr_hbm.at[ridx_v.at[0, tsl]], buf_b.at[0, pl.ds(0, GTAIL)], gsem)
    ca.wait()
    cb.wait()
    add_rows(0, GTAIL)
    pltpu.sync_copy(buf_a.at[0, pl.ds(0, GTAIL)],
                    g_hbm.at[pl.ds(base0 + GFULL * GCH, GTAIL)])


@functools.partial(
    pl.kernel,
    out_type=jax.ShapeDtypeStruct((NC, N, H), jnp.float32),
    mesh=_MESH,
    scratch_types=[
        pltpu.VMEM((NCHUNK, CH), jnp.int32),
        pltpu.VMEM((2, CH, H), jnp.float32),
        pltpu.VMEM((ROWS_PER_TILE // 25, H), jnp.float32),
        pltpu.VMEM_SHARED((N, H), jnp.float32),
        pltpu.SemaphoreType.DMA,
    ],
)
def _scatter_add(enew_hbm, ridx_hbm, out_hbm, ridx_v, rows_v, zbuf, acc, sem):
    cid = lax.axis_index("c")
    sid = lax.axis_index("s")
    wid = sid * NC + cid
    row0 = wid * NCHUNK

    zrows = ROWS_PER_TILE // 25

    def zero_row(i, c):
        for k in range(H // L):
            zbuf[i, pl.ds(k * L, L)] = jnp.zeros((L,), jnp.float32)
        return c

    lax.fori_loop(0, zrows, zero_row, 0)

    @pl.when(sid < 10)
    def _():
        for t in range(25):
            pltpu.sync_copy(
                zbuf, acc.at[pl.ds(sid * ROWS_PER_TILE + t * zrows, zrows)])

    plsc.subcore_barrier()

    pltpu.sync_copy(ridx_hbm.at[wid], ridx_v)

    def fetch(j, slot):
        pltpu.async_copy(enew_hbm.at[pl.ds((row0 + j) * CH, CH)],
                         rows_v.at[slot], sem)

    fetch(0, 0)

    def chunk(j, carry):
        r = lax.rem(j, 2)
        pltpu.make_async_copy(enew_hbm.at[pl.ds(0, CH)], rows_v.at[r], sem).wait()

        @pl.when(j < NCHUNK - 1)
        def _():
            fetch(j + 1, 1 - r)

        pltpu.sync_copy(rows_v.at[r], acc.at[ridx_v.at[j]], add=True)
        return carry

    lax.fori_loop(0, NCHUNK, chunk, 0)
    plsc.subcore_barrier()

    @pl.when(sid < 10)
    def _():
        pltpu.sync_copy(acc.at[pl.ds(sid * ROWS_PER_TILE, ROWS_PER_TILE)],
                        out_hbm.at[cid, pl.ds(sid * ROWS_PER_TILE, ROWS_PER_TILE)])



def kernel(x, edge_attr, edge_index, eb_W1, eb_b1, eb_W2, eb_b2, eb_g, eb_beta,
           nb_W1, nb_b1, nb_W2, nb_b2, nb_g, nb_beta):
    senders = edge_index[0].astype(jnp.int32).reshape(NW, 1, PER_W)
    receivers_g = edge_index[1].astype(jnp.int32).reshape(NW, 1, PER_W)
    receivers = edge_index[1].astype(jnp.int32).reshape(NW, NCHUNK, CH)

    w1a, w1b, w1c = eb_W1[:H], eb_W1[H:2 * H], eb_W1[2 * H:]
    nw1x, nw1a = nb_W1[:H], nb_W1[H:]

    nb_blk = 1000
    xs, xr = pl.pallas_call(
        _pre_body,
        grid=(N // nb_blk,),
        in_specs=[
            pl.BlockSpec((nb_blk, H), lambda i: (i, 0)),
            _full((H, H)), _full((H, H)), _full((H,)),
        ],
        out_specs=[pl.BlockSpec((nb_blk, H), lambda i: (i, 0))] * 2,
        out_shape=[jax.ShapeDtypeStruct((N, H), jnp.float32)] * 2,
    )(x, w1a, w1b, eb_b1)

    g = _gather_combine(xs, xr, senders, receivers_g)

    eb_blk = 2000
    e_new, e_out = pl.pallas_call(
        _edge_body,
        grid=(E // eb_blk,),
        in_specs=[
            pl.BlockSpec((eb_blk, H), lambda i: (i, 0)),
            pl.BlockSpec((eb_blk, H), lambda i: (i, 0)),
            _full((H, H)), _full((H, H)), _full((H,)), _full((H,)), _full((H,)),
        ],
        out_specs=[pl.BlockSpec((eb_blk, H), lambda i: (i, 0))] * 2,
        out_shape=[jax.ShapeDtypeStruct((E, H), jnp.float32)] * 2,
    )(g, edge_attr, w1c, eb_W2, eb_b2, eb_g, eb_beta)

    partial = _scatter_add(e_new, receivers)

    x_out = pl.pallas_call(
        _node_body,
        grid=(N // nb_blk,),
        in_specs=[
            pl.BlockSpec((nb_blk, H), lambda i: (i, 0)),
            pl.BlockSpec((nb_blk, H), lambda i: (i, 0)),
            pl.BlockSpec((nb_blk, H), lambda i: (i, 0)),
            _full((H, H)), _full((H, H)), _full((H,)),
            _full((H, H)), _full((H,)), _full((H,)), _full((H,)),
        ],
        out_specs=pl.BlockSpec((nb_blk, H), lambda i: (i, 0)),
        out_shape=jax.ShapeDtypeStruct((N, H), jnp.float32),
    )(x, partial[0], partial[1], nw1x, nw1a, nb_b1, nb_W2, nb_b2, nb_g, nb_beta)

    return (x_out, e_out)

# --- scband reference (transcript-rebuilt; emitter-appended) ---
"""Pipeline reference for scband-gnnblock-23416161698034 (READ-ONLY COPY).

The authoritative reference and input builder live on the scoring server;
editing this copy changes nothing except your own understanding.
"""

import jax, jax.numpy as jnp
import numpy as np

N = 10000
E = 320000
H = 128

def layer_norm(h, g, b, eps=1e-5):
    m = jnp.mean(h, axis=-1, keepdims=True)
    v = jnp.var(h, axis=-1, keepdims=True)
    return (h - m) / jnp.sqrt(v + eps) * g + b

def mlp(h, W1, b1, W2, b2, g, beta):
    # build_mlp: Linear -> ReLU -> Linear, followed by LayerNorm (GNS/MeshGraphNets style)
    h = jax.nn.relu(h @ W1 + b1)
    h = h @ W2 + b2
    return layer_norm(h, g, beta)

def setup_inputs(seed: int = 0):
    key = jax.random.key(seed)
    ks = jax.random.split(key, 16)
    s = 0.05
    inp = {}
    inp['x'] = jax.random.normal(ks[0], (N, H), dtype=jnp.float32)
    inp['edge_attr'] = jax.random.normal(ks[1], (E, H), dtype=jnp.float32)
    inp['edge_index'] = jax.random.randint(ks[2], (2, E), 0, N)
    # EdgeBlock MLP params: in = 3H
    inp['eb_W1'] = jax.random.normal(ks[3], (3 * H, H), dtype=jnp.float32) * s
    inp['eb_b1'] = jnp.zeros((H,), dtype=jnp.float32)
    inp['eb_W2'] = jax.random.normal(ks[4], (H, H), dtype=jnp.float32) * s
    inp['eb_b2'] = jnp.zeros((H,), dtype=jnp.float32)
    inp['eb_g'] = jnp.ones((H,), dtype=jnp.float32)
    inp['eb_beta'] = jnp.zeros((H,), dtype=jnp.float32)
    # NodeBlock MLP params: in = 2H
    inp['nb_W1'] = jax.random.normal(ks[5], (2 * H, H), dtype=jnp.float32) * s
    inp['nb_b1'] = jnp.zeros((H,), dtype=jnp.float32)
    inp['nb_W2'] = jax.random.normal(ks[6], (H, H), dtype=jnp.float32) * s
    inp['nb_b2'] = jnp.zeros((H,), dtype=jnp.float32)
    inp['nb_g'] = jnp.ones((H,), dtype=jnp.float32)
    inp['nb_beta'] = jnp.zeros((H,), dtype=jnp.float32)
    return inp

def reference(x, edge_attr, edge_index, eb_W1, eb_b1, eb_W2, eb_b2, eb_g, eb_beta, nb_W1, nb_b1, nb_W2, nb_b2, nb_g, nb_beta):
    senders = edge_index[0]
    receivers = edge_index[1]
    # EdgeBlock: concat(sender feats, receiver feats, edge_attr) -> MLP
    collected_edges = jnp.concatenate([x[senders], x[receivers], edge_attr], axis=1)
    edge_attr_new = mlp(collected_edges, eb_W1, eb_b1, eb_W2, eb_b2, eb_g, eb_beta)
    # NodeBlock: scatter-add edges to receiver nodes, concat with x -> MLP
    agg = jax.ops.segment_sum(edge_attr_new, receivers, num_segments=x.shape[0])
    collected_nodes = jnp.concatenate([x, agg], axis=1)
    x_new = mlp(collected_nodes, nb_W1, nb_b1, nb_W2, nb_b2, nb_g, nb_beta)
    # residual connections from graph_last
    out_x = x + x_new
    out_edge_attr = edge_attr + edge_attr_new
    return (out_x, out_edge_attr)

if __name__ == "__main__":
    import jax
    _d = setup_inputs()
    print(jax.jit(kernel)(*tuple(_d.values())))

</pallas_src>

<mosaic_0001>
#map = affine_map<(d0, d1) -> (0, 0)>
#map1 = affine_map<(d0, d1) -> (0, 0, 0)>
module attributes {stable_mosaic.version = 14 : i64} {
  func.func @_scatter_add(%arg0: i32, %arg1: i32, %arg2: memref<320000x128xf32, #tpu.memory_space<hbm>>, %arg3: memref<32x125x80xi32, #tpu.memory_space<hbm>>, %arg4: memref<2x10000x128xf32, #tpu.memory_space<hbm>>, %arg5: memref<125x80xi32, #tpu.memory_space<vmem>>, %arg6: memref<2x80x128xf32, #tpu.memory_space<vmem>>, %arg7: memref<40x128xf32, #tpu.memory_space<vmem>>, %arg8: memref<10000x128xf32, #tpu.memory_space<vmem_shared>>, %arg9: memref<!tpu.dma_semaphore, #tpu.memory_space<semaphore_mem>>) attributes {dimension_semantics = [#tpu.dimension_semantics<core_parallel>, #tpu.dimension_semantics<subcore_parallel>], iteration_bounds = array<i64: 2, 16>, scalar_prefetch = 0 : i64, scratch_operands = 5 : i64, tpu.core_type = #tpu.core_type<sc_vector_subcore>, window_params = [{transform_indices = #map}, {transform_indices = #map1}, {transform_indices = #map1}]} {
    %mul3A = arith.constant 2 : i32
    %mul3A_0 = arith.muli %arg1, %mul3A : i32
    %add3A = arith.addi %mul3A_0, %arg0 : i32
    %mul3A_1 = arith.constant 125 : i32
    %mul3A_2 = arith.muli %add3A, %mul3A_1 : i32
    %scan3A = arith.constant 0 : i32
    %scan3A_3 = arith.constant 0 : i32
    %scan3A_4 = arith.constant 40 : i32
    %scan3A_5 = arith.addi %scan3A_3, %scan3A_4 : i32
    %scan3A_6 = arith.constant 1 : i32
    scf.for %scan3A_38 = %scan3A_3 to %scan3A_5 step %scan3A_6  : i32 {
      %broadcast_in_dim3A = arith.constant 0.000000e+00 : f32
      %broadcast_in_dim3A_39 = vector.broadcast %broadcast_in_dim3A : f32 to vector<16xf32>
      %swap3A = arith.index_cast %scan3A_38 : i32 to index
      %swap3A_40 = arith.constant 0 : index
      %swap3A_41 = tpu.vector_load %arg7[%swap3A, %swap3A_40] {strides = array<i32>} : memref<40x128xf32, #tpu.memory_space<vmem>>, vector<1x16xf32>,
      %swap3A_42 = vector.shape_cast %swap3A_41 : vector<1x16xf32> to vector<16xf32>
      %swap3A_43 = vector.shape_cast %broadcast_in_dim3A_39 : vector<16xf32> to vector<1x16xf32>
      tpu.vector_store %arg7[%swap3A, %swap3A_40], %swap3A_43 {strides = array<i32>} : memref<40x128xf32, #tpu.memory_space<vmem>>, vector<1x16xf32>,
      %broadcast_in_dim3A_44 = arith.constant 0.000000e+00 : f32
      %broadcast_in_dim3A_45 = vector.broadcast %broadcast_in_dim3A_44 : f32 to vector<16xf32>
      %swap3A_46 = arith.index_cast %scan3A_38 : i32 to index
      %swap3A_47 = arith.constant 16 : index
      %swap3A_48 = tpu.vector_load %arg7[%swap3A_46, %swap3A_47] {strides = array<i32>} : memref<40x128xf32, #tpu.memory_space<vmem>>, vector<1x16xf32>,
      %swap3A_49 = vector.shape_cast %swap3A_48 : vector<1x16xf32> to vector<16xf32>
      %swap3A_50 = vector.shape_cast %broadcast_in_dim3A_45 : vector<16xf32> to vector<1x16xf32>
      tpu.vector_store %arg7[%swap3A_46, %swap3A_47], %swap3A_50 {strides = array<i32>} : memref<40x128xf32, #tpu.memory_space<vmem>>, vector<1x16xf32>,
      %broadcast_in_dim3A_51 = arith.constant 0.000000e+00 : f32
      %broadcast_in_dim3A_52 = vector.broadcast %broadcast_in_dim3A_51 : f32 to vector<16xf32>
      %swap3A_53 = arith.index_cast %scan3A_38 : i32 to index
      %swap3A_54 = arith.constant 32 : index
      %swap3A_55 = tpu.vector_load %arg7[%swap3A_53, %swap3A_54] {strides = array<i32>} : memref<40x128xf32, #tpu.memory_space<vmem>>, vector<1x16xf32>,
      %swap3A_56 = vector.shape_cast %swap3A_55 : vector<1x16xf32> to vector<16xf32>
      %swap3A_57 = vector.shape_cast %broadcast_in_dim3A_52 : vector<16xf32> to vector<1x16xf32>
      tpu.vector_store %arg7[%swap3A_53, %swap3A_54], %swap3A_57 {strides = array<i32>} : memref<40x128xf32, #tpu.memory_space<vmem>>, vector<1x16xf32>,
      %broadcast_in_dim3A_58 = arith.constant 0.000000e+00 : f32
      %broadcast_in_dim3A_59 = vector.broadcast %broadcast_in_dim3A_58 : f32 to vector<16xf32>
      %swap3A_60 = arith.index_cast %scan3A_38 : i32 to index
      %swap3A_61 = arith.constant 48 : index
      %swap3A_62 = tpu.vector_load %arg7[%swap3A_60, %swap3A_61] {strides = array<i32>} : memref<40x128xf32, #tpu.memory_space<vmem>>, vector<1x16xf32>,
      %swap3A_63 = vector.shape_cast %swap3A_62 : vector<1x16xf32> to vector<16xf32>
      %swap3A_64 = vector.shape_cast %broadcast_in_dim3A_59 : vector<16xf32> to vector<1x16xf32>
      tpu.vector_store %arg7[%swap3A_60, %swap3A_61], %swap3A_64 {strides = array<i32>} : memref<40x128xf32, #tpu.memory_space<vmem>>, vector<1x16xf32>,
      %broadcast_in_dim3A_65 = arith.constant 0.000000e+00 : f32
      %broadcast_in_dim3A_66 = vector.broadcast %broadcast_in_dim3A_65 : f32 to vector<16xf32>
      %swap3A_67 = arith.index_cast %scan3A_38 : i32 to index
      %swap3A_68 = arith.constant 64 : index
      %swap3A_69 = tpu.vector_load %arg7[%swap3A_67, %swap3A_68] {strides = array<i32>} : memref<40x128xf32, #tpu.memory_space<vmem>>, vector<1x16xf32>,
      %swap3A_70 = vector.shape_cast %swap3A_69 : vector<1x16xf32> to vector<16xf32>
      %swap3A_71 = vector.shape_cast %broadcast_in_dim3A_66 : vector<16xf32> to vector<1x16xf32>
      tpu.vector_store %arg7[%swap3A_67, %swap3A_68], %swap3A_71 {strides = array<i32>} : memref<40x128xf32, #tpu.memory_space<vmem>>, vector<1x16xf32>,
      %broadcast_in_dim3A_72 = arith.constant 0.000000e+00 : f32
      %broadcast_in_dim3A_73 = vector.broadcast %broadcast_in_dim3A_72 : f32 to vector<16xf32>
      %swap3A_74 = arith.index_cast %scan3A_38 : i32 to index
      %swap3A_75 = arith.constant 80 : index
      %swap3A_76 = tpu.vector_load %arg7[%swap3A_74, %swap3A_75] {strides = array<i32>} : memref<40x128xf32, #tpu.memory_space<vmem>>, vector<1x16xf32>,
      %swap3A_77 = vector.shape_cast %swap3A_76 : vector<1x16xf32> to vector<16xf32>
      %swap3A_78 = vector.shape_cast %broadcast_in_dim3A_73 : vector<16xf32> to vector<1x16xf32>
      tpu.vector_store %arg7[%swap3A_74, %swap3A_75], %swap3A_78 {strides = array<i32>} : memref<40x128xf32, #tpu.memory_space<vmem>>, vector<1x16xf32>,
      %broadcast_in_dim3A_79 = arith.constant 0.000000e+00 : f32
      %broadcast_in_dim3A_80 = vector.broadcast %broadcast_in_dim3A_79 : f32 to vector<16xf32>
      %swap3A_81 = arith.index_cast %scan3A_38 : i32 to index
      %swap3A_82 = arith.constant 96 : index
      %swap3A_83 = tpu.vector_load %arg7[%swap3A_81, %swap3A_82] {strides = array<i32>} : memref<40x128xf32, #tpu.memory_space<vmem>>, vector<1x16xf32>,
      %swap3A_84 = vector.shape_cast %swap3A_83 : vector<1x16xf32> to vector<16xf32>
      %swap3A_85 = vector.shape_cast %broadcast_in_dim3A_80 : vector<16xf32> to vector<1x16xf32>
      tpu.vector_store %arg7[%swap3A_81, %swap3A_82], %swap3A_85 {strides = array<i32>} : memref<40x128xf32, #tpu.memory_space<vmem>>, vector<1x16xf32>,
      %broadcast_in_dim3A_86 = arith.constant 0.000000e+00 : f32
      %broadcast_in_dim3A_87 = vector.broadcast %broadcast_in_dim3A_86 : f32 to vector<16xf32>
      %swap3A_88 = arith.index_cast %scan3A_38 : i32 to index
      %swap3A_89 = arith.constant 112 : index
      %swap3A_90 = tpu.vector_load %arg7[%swap3A_88, %swap3A_89] {strides = array<i32>} : memref<40x128xf32, #tpu.memory_space<vmem>>, vector<1x16xf32>,
      %swap3A_91 = vector.shape_cast %swap3A_90 : vector<1x16xf32> to vector<16xf32>
      %swap3A_92 = vector.shape_cast %broadcast_in_dim3A_87 : vector<16xf32> to vector<1x16xf32>
      tpu.vector_store %arg7[%swap3A_88, %swap3A_89], %swap3A_92 {strides = array<i32>} : memref<40x128xf32, #tpu.memory_space<vmem>>, vector<1x16xf32>,
    }
    %scan3A_7 = arith.constant 40 : i32
    %lt3A = arith.constant 10 : i32
    %lt3A_8 = arith.cmpi slt, %arg1, %lt3A : i32
    %convert_element_type3A = arith.extui %lt3A_8 : i1 to i32
    %cond3A = arith.constant 0 : i32
    %cond3A_9 = arith.cmpi ne, %convert_element_type3A, %cond3A : i32
    scf.if %cond3A_9 {
      %mul3A_38 = arith.constant 1000 : i32
      %mul3A_39 = arith.muli %arg1, %mul3A_38 : i32
      %add3A_40 = arith.constant 0 : i32
      %add3A_41 = arith.addi %mul3A_39, %add3A_40 : i32
      "tpu.region"() ({
        %run_scoped3A = tpu.sem_alloc : memref<!tpu.dma_semaphore, #tpu.memory_space<semaphore_mem>>
        %dma_start3A_138 = arith.constant 0 : i32
        %dma_start3A_139 = tpu.memref_slice %arg8[%add3A_41, %dma_start3A_138] : memref<10000x128xf32, #tpu.memory_space<vmem_shared>> -> memref<40x128xf32, #tpu.memory_space<vmem_shared>>
        %dma_start3A_140 = arith.constant 0 : i32
        %dma_start3A_141 = tpu.memref_slice %arg8[%add3A_41, %dma_start3A_140] : memref<10000x128xf32, #tpu.memory_space<vmem_shared>> -> memref<40x128xf32, #tpu.memory_space<vmem_shared>>
        tpu.enqueue_dma source(%arg7 : memref<40x128xf32, #tpu.memory_space<vmem>>) target(%dma_start3A_141 : memref<40x128xf32, #tpu.memory_space<vmem_shared>>) target_semaphore(%run_scoped3A : memref<!tpu.dma_semaphore, #tpu.memory_space<semaphore_mem>>)
        %dma_wait3A = arith.constant 0 : i32
        %dma_wait3A_142 = tpu.memref_slice %arg8[%add3A_41, %dma_wait3A] : memref<10000x128xf32, #tpu.memory_space<vmem_shared>> -> memref<40x128xf32, #tpu.memory_space<vmem_shared>>
        %dma_wait3A_143 = arith.constant 0 : i32
        %dma_wait3A_144 = tpu.memref_slice %arg8[%add3A_41, %dma_wait3A_143] : memref<10000x128xf32, #tpu.memory_space<vmem_shared>> -> memref<40x128xf32, #tpu.memory_space<vmem_shared>>
        tpu.wait_dma2 semaphore(%run_scoped3A : memref<!tpu.dma_semaphore, #tpu.memory_space<semaphore_mem>>) src(%arg7 : memref<40x128xf32, #tpu.memory_space<vmem>>) dst(%dma_wait3A_144 : memref<40x128xf32, #tpu.memory_space<vmem_shared>>)
        tpu.yield
      }) : () -> ()
      %mul3A_42 = arith.constant 1000 : i32
      %mul3A_43 = arith.muli %arg1, %mul3A_42 : i32
      %add3A_44 = arith.constant 40 : i32
      %add3A_45 = arith.addi %mul3A_43, %add3A_44 : i32
      "tpu.region"() ({
        %run_scoped3A = tpu.sem_alloc : memref<!tpu.dma_semaphore, #tpu.memory_space<semaphore_mem>>
        %dma_start3A_138 = arith.constant 0 : i32
        %dma_start3A_139 = tpu.memref_slice %arg8[%add3A_45, %dma_start3A_138] : memref<10000x128xf32, #tpu.memory_space<vmem_shared>> -> memref<40x128xf32, #tpu.memory_space<vmem_shared>>
        %dma_start3A_140 = arith.constant 0 : i32
        %dma_start3A_141 = tpu.memref_slice %arg8[%add3A_45, %dma_start3A_140] : memref<10000x128xf32, #tpu.memory_space<vmem_shared>> -> memref<40x128xf32, #tpu.memory_space<vmem_shared>>
        tpu.enqueue_dma source(%arg7 : memref<40x128xf32, #tpu.memory_space<vmem>>) target(%dma_start3A_141 : memref<40x128xf32, #tpu.memory_space<vmem_shared>>) target_semaphore(%run_scoped3A : memref<!tpu.dma_semaphore, #tpu.memory_space<semaphore_mem>>)
        %dma_wait3A = arith.constant 0 : i32
        %dma_wait3A_142 = tpu.memref_slice %arg8[%add3A_45, %dma_wait3A] : memref<10000x128xf32, #tpu.memory_space<vmem_shared>> -> memref<40x128xf32, #tpu.memory_space<vmem_shared>>
        %dma_wait3A_143 = arith.constant 0 : i32
        %dma_wait3A_144 = tpu.memref_slice %arg8[%add3A_45, %dma_wait3A_143] : memref<10000x128xf32, #tpu.memory_space<vmem_shared>> -> memref<40x128xf32, #tpu.memory_space<vmem_shared>>
        tpu.wait_dma2 semaphore(%run_scoped3A : memref<!tpu.dma_semaphore, #tpu.memory_space<semaphore_mem>>) src(%arg7 : memref<40x128xf32, #tpu.memory_space<vmem>>) dst(%dma_wait3A_144 : memref<40x128xf32, #tpu.memory_space<vmem_shared>>)
        tpu.yield
      }) : () -> ()
      %mul3A_46 = arith.constant 1000 : i32
      %mul3A_47 = arith.muli %arg1, %mul3A_46 : i32
      %add3A_48 = arith.constant 80 : i32
      %add3A_49 = arith.addi %mul3A_47, %add3A_48 : i32
      "tpu.region"() ({
        %run_scoped3A = tpu.sem_alloc : memref<!tpu.dma_semaphore, #tpu.memory_space<semaphore_mem>>
        %dma_start3A_138 = arith.constant 0 : i32
        %dma_start3A_139 = tpu.memref_slice %arg8[%add3A_49, %dma_start3A_138] : memref<10000x128xf32, #tpu.memory_space<vmem_shared>> -> memref<40x128xf32, #tpu.memory_space<vmem_shared>>
        %dma_start3A_140 = arith.constant 0 : i32
        %dma_start3A_141 = tpu.memref_slice %arg8[%add3A_49, %dma_start3A_140] : memref<10000x128xf32, #tpu.memory_space<vmem_shared>> -> memref<40x128xf32, #tpu.memory_space<vmem_shared>>
        tpu.enqueue_dma source(%arg7 : memref<40x128xf32, #tpu.memory_space<vmem>>) target(%dma_start3A_141 : memref<40x128xf32, #tpu.memory_space<vmem_shared>>) target_semaphore(%run_scoped3A : memref<!tpu.dma_semaphore, #tpu.memory_space<semaphore_mem>>)
        %dma_wait3A = arith.constant 0 : i32
        %dma_wait3A_142 = tpu.memref_slice %arg8[%add3A_49, %dma_wait3A] : memref<10000x128xf32, #tpu.memory_space<vmem_shared>> -> memref<40x128xf32, #tpu.memory_space<vmem_shared>>
        %dma_wait3A_143 = arith.constant 0 : i32
        %dma_wait3A_144 = tpu.memref_slice %arg8[%add3A_49, %dma_wait3A_143] : memref<10000x128xf32, #tpu.memory_space<vmem_shared>> -> memref<40x128xf32, #tpu.memory_space<vmem_shared>>
        tpu.wait_dma2 semaphore(%run_scoped3A : memref<!tpu.dma_semaphore, #tpu.memory_space<semaphore_mem>>) src(%arg7 : memref<40x128xf32, #tpu.memory_space<vmem>>) dst(%dma_wait3A_144 : memref<40x128xf32, #tpu.memory_space<vmem_shared>>)
        tpu.yield
      }) : () -> ()
      %mul3A_50 = arith.constant 1000 : i32
      %mul3A_51 = arith.muli %arg1, %mul3A_50 : i32
      %add3A_52 = arith.constant 120 : i32
      %add3A_53 = arith.addi %mul3A_51, %add3A_52 : i32
      "tpu.region"() ({
        %run_scoped3A = tpu.sem_alloc : memref<!tpu.dma_semaphore, #tpu.memory_space<semaphore_mem>>
        %dma_start3A_138 = arith.constant 0 : i32
        %dma_start3A_139 = tpu.memref_slice %arg8[%add3A_53, %dma_start3A_138] : memref<10000x128xf32, #tpu.memory_space<vmem_shared>> -> memref<40x128xf32, #tpu.memory_space<vmem_shared>>
        %dma_start3A_140 = arith.constant 0 : i32
        %dma_start3A_141 = tpu.memref_slice %arg8[%add3A_53, %dma_start3A_140] : memref<10000x128xf32, #tpu.memory_space<vmem_shared>> -> memref<40x128xf32, #tpu.memory_space<vmem_shared>>
        tpu.enqueue_dma source(%arg7 : memref<40x128xf32, #tpu.memory_space<vmem>>) target(%dma_start3A_141 : memref<40x128xf32, #tpu.memory_space<vmem_shared>>) target_semaphore(%run_scoped3A : memref<!tpu.dma_semaphore, #tpu.memory_space<semaphore_mem>>)
        %dma_wait3A = arith.constant 0 : i32
        %dma_wait3A_142 = tpu.memref_slice %arg8[%add3A_53, %dma_wait3A] : memref<10000x128xf32, #tpu.memory_space<vmem_shared>> -> memref<40x128xf32, #tpu.memory_space<vmem_shared>>
        %dma_wait3A_143 = arith.constant 0 : i32
        %dma_wait3A_144 = tpu.memref_slice %arg8[%add3A_53, %dma_wait3A_143] : memref<10000x128xf32, #tpu.memory_space<vmem_shared>> -> memref<40x128xf32, #tpu.memory_space<vmem_shared>>
        tpu.wait_dma2 semaphore(%run_scoped3A : memref<!tpu.dma_semaphore, #tpu.memory_space<semaphore_mem>>) src(%arg7 : memref<40x128xf32, #tpu.memory_space<vmem>>) dst(%dma_wait3A_144 : memref<40x128xf32, #tpu.memory_space<vmem_shared>>)
        tpu.yield
      }) : () -> ()
      %mul3A_54 = arith.constant 1000 : i32
      %mul3A_55 = arith.muli %arg1, %mul3A_54 : i32
      %add3A_56 = arith.constant 160 : i32
      %add3A_57 = arith.addi %mul3A_55, %add3A_56 : i32
      "tpu.region"() ({
        %run_scoped3A = tpu.sem_alloc : memref<!tpu.dma_semaphore, #tpu.memory_space<semaphore_mem>>
        %dma_start3A_138 = arith.constant 0 : i32
        %dma_start3A_139 = tpu.memref_slice %arg8[%add3A_57, %dma_start3A_138] : memref<10000x128xf32, #tpu.memory_space<vmem_shared>> -> memref<40x128xf32, #tpu.memory_space<vmem_shared>>
        %dma_start3A_140 = arith.constant 0 : i32
        %dma_start3A_141 = tpu.memref_slice %arg8[%add3A_57, %dma_start3A_140] : memref<10000x128xf32, #tpu.memory_space<vmem_shared>> -> memref<40x128xf32, #tpu.memory_space<vmem_shared>>
        tpu.enqueue_dma source(%arg7 : memref<40x128xf32, #tpu.memory_space<vmem>>) target(%dma_start3A_141 : memref<40x128xf32, #tpu.memory_space<vmem_shared>>) target_semaphore(%run_scoped3A : memref<!tpu.dma_semaphore, #tpu.memory_space<semaphore_mem>>)
        %dma_wait3A = arith.constant 0 : i32
        %dma_wait3A_142 = tpu.memref_slice %arg8[%add3A_57, %dma_wait3A] : memref<10000x128xf32, #tpu.memory_space<vmem_shared>> -> memref<40x128xf32, #tpu.memory_space<vmem_shared>>
        %dma_wait3A_143 = arith.constant 0 : i32
        %dma_wait3A_144 = tpu.memref_slice %arg8[%add3A_57, %dma_wait3A_143] : memref<10000x128xf32, #tpu.memory_space<vmem_shared>> -> memref<40x128xf32, #tpu.memory_space<vmem_shared>>
        tpu.wait_dma2 semaphore(%run_scoped3A : memref<!tpu.dma_semaphore, #tpu.memory_space<semaphore_mem>>) src(%arg7 : memref<40x128xf32, #tpu.memory_space<vmem>>) dst(%dma_wait3A_144 : memref<40x128xf32, #tpu.memory_space<vmem_shared>>)
        tpu.yield
      }) : () -> ()
      %mul3A_58 = arith.constant 1000 : i32
      %mul3A_59 = arith.muli %arg1, %mul3A_58 : i32
      %add3A_60 = arith.constant 200 : i32
      %add3A_61 = arith.addi %mul3A_59, %add3A_60 : i32
      "tpu.region"() ({
        %run_scoped3A = tpu.sem_alloc : memref<!tpu.dma_semaphore, #tpu.memory_space<semaphore_mem>>
        %dma_start3A_138 = arith.constant 0 : i32
        %dma_start3A_139 = tpu.memref_slice %arg8[%add3A_61, %dma_start3A_138] : memref<10000x128xf32, #tpu.memory_space<vmem_shared>> -> memref<40x128xf32, #tpu.memory_space<vmem_shared>>
        %dma_start3A_140 = arith.constant 0 : i32
        %dma_start3A_141 = tpu.memref_slice %arg8[%add3A_61, %dma_start3A_140] : memref<10000x128xf32, #tpu.memory_space<vmem_shared>> -> memref<40x128xf32, #tpu.memory_space<vmem_shared>>
        tpu.enqueue_dma source(%arg7 : memref<40x128xf32, #tpu.memory_space<vmem>>) target(%dma_start3A_141 : memref<40x128xf32, #tpu.memory_space<vmem_shared>>) target_semaphore(%run_scoped3A : memref<!tpu.dma_semaphore, #tpu.memory_space<semaphore_mem>>)
        %dma_wait3A = arith.constant 0 : i32
        %dma_wait3A_142 = tpu.memref_slice %arg8[%add3A_61, %dma_wait3A] : memref<10000x128xf32, #tpu.memory_space<vmem_shared>> -> memref<40x128xf32, #tpu.memory_space<vmem_shared>>
        %dma_wait3A_143 = arith.constant 0 : i32
        %dma_wait3A_144 = tpu.memref_slice %arg8[%add3A_61, %dma_wait3A_143] : memref<10000x128xf32, #tpu.memory_space<vmem_shared>> -> memref<40x128xf32, #tpu.memory_space<vmem_shared>>
        tpu.wait_dma2 semaphore(%run_scoped3A : memref<!tpu.dma_semaphore, #tpu.memory_space<semaphore_mem>>) src(%arg7 : memref<40x128xf32, #tpu.memory_space<vmem>>) dst(%dma_wait3A_144 : memref<40x128xf32, #tpu.memory_space<vmem_shared>>)
        tpu.yield
      }) : () -> ()
      %mul3A_62 = arith.constant 1000 : i32
      %mul3A_63 = arith.muli %arg1, %mul3A_62 : i32
      %add3A_64 = arith.constant 240 : i32
      %add3A_65 = arith.addi %mul3A_63, %add3A_64 : i32
      "tpu.region"() ({
        %run_scoped3A = tpu.sem_alloc : memref<!tpu.dma_semaphore, #tpu.memory_space<semaphore_mem>>
        %dma_start3A_138 = arith.constant 0 : i32
        %dma_start3A_139 = tpu.memref_slice %arg8[%add3A_65, %dma_start3A_138] : memref<10000x128xf32, #tpu.memory_space<vmem_shared>> -> memref<40x128xf32, #tpu.memory_space<vmem_shared>>
        %dma_start3A_140 = arith.constant 0 : i32
        %dma_start3A_141 = tpu.memref_slice %arg8[%add3A_65, %dma_start3A_140] : memref<10000x128xf32, #tpu.memory_space<vmem_shared>> -> memref<40x128xf32, #tpu.memory_space<vmem_shared>>
        tpu.enqueue_dma source(%arg7 : memref<40x128xf32, #tpu.memory_space<vmem>>) target(%dma_start3A_141 : memref<40x128xf32, #tpu.memory_space<vmem_shared>>) target_semaphore(%run_scoped3A : memref<!tpu.dma_semaphore, #tpu.memory_space<semaphore_mem>>)
        %dma_wait3A = arith.constant 0 : i32
        %dma_wait3A_142 = tpu.memref_slice %arg8[%add3A_65, %dma_wait3A] : memref<10000x128xf32, #tpu.memory_space<vmem_shared>> -> memref<40x128xf32, #tpu.memory_space<vmem_shared>>
        %dma_wait3A_143 = arith.constant 0 : i32
        %dma_wait3A_144 = tpu.memref_slice %arg8[%add3A_65, %dma_wait3A_143] : memref<10000x128xf32, #tpu.memory_space<vmem_shared>> -> memref<40x128xf32, #tpu.memory_space<vmem_shared>>
        tpu.wait_dma2 semaphore(%run_scoped3A : memref<!tpu.dma_semaphore, #tpu.memory_space<semaphore_mem>>) src(%arg7 : memref<40x128xf32, #tpu.memory_space<vmem>>) dst(%dma_wait3A_144 : memref<40x128xf32, #tpu.memory_space<vmem_shared>>)
        tpu.yield
      }) : () -> ()
      %mul3A_66 = arith.constant 1000 : i32
      %mul3A_67 = arith.muli %arg1, %mul3A_66 : i32
      %add3A_68 = arith.constant 280 : i32
      %add3A_69 = arith.addi %mul3A_67, %add3A_68 : i32
      "tpu.region"() ({
        %run_scoped3A = tpu.sem_alloc : memref<!tpu.dma_semaphore, #tpu.memory_space<semaphore_mem>>
        %dma_start3A_138 = arith.constant 0 : i32
        %dma_start3A_139 = tpu.memref_slice %arg8[%add3A_69, %dma_start3A_138] : memref<10000x128xf32, #tpu.memory_space<vmem_shared>> -> memref<40x128xf32, #tpu.memory_space<vmem_shared>>
        %dma_start3A_140 = arith.constant 0 : i32
        %dma_start3A_141 = tpu.memref_slice %arg8[%add3A_69, %dma_start3A_140] : memref<10000x128xf32, #tpu.memory_space<vmem_shared>> -> memref<40x128xf32, #tpu.memory_space<vmem_shared>>
        tpu.enqueue_dma source(%arg7 : memref<40x128xf32, #tpu.memory_space<vmem>>) target(%dma_start3A_141 : memref<40x128xf32, #tpu.memory_space<vmem_shared>>) target_semaphore(%run_scoped3A : memref<!tpu.dma_semaphore, #tpu.memory_space<semaphore_mem>>)
        %dma_wait3A = arith.constant 0 : i32
        %dma_wait3A_142 = tpu.memref_slice %arg8[%add3A_69, %dma_wait3A] : memref<10000x128xf32, #tpu.memory_space<vmem_shared>> -> memref<40x128xf32, #tpu.memory_space<vmem_shared>>
        %dma_wait3A_143 = arith.constant 0 : i32
        %dma_wait3A_144 = tpu.memref_slice %arg8[%add3A_69, %dma_wait3A_143] : memref<10000x128xf32, #tpu.memory_space<vmem_shared>> -> memref<40x128xf32, #tpu.memory_space<vmem_shared>>
        tpu.wait_dma2 semaphore(%run_scoped3A : memref<!tpu.dma_semaphore, #tpu.memory_space<semaphore_mem>>) src(%arg7 : memref<40x128xf32, #tpu.memory_space<vmem>>) dst(%dma_wait3A_144 : memref<40x128xf32, #tpu.memory_space<vmem_shared>>)
        tpu.yield
      }) : () -> ()
      %mul3A_70 = arith.constant 1000 : i32
      %mul3A_71 = arith.muli %arg1, %mul3A_70 : i32
      %add3A_72 = arith.constant 320 : i32
      %add3A_73 = arith.addi %mul3A_71, %add3A_72 : i32
      "tpu.region"() ({
        %run_scoped3A = tpu.sem_alloc : memref<!tpu.dma_semaphore, #tpu.memory_space<semaphore_mem>>
        %dma_start3A_138 = arith.constant 0 : i32
        %dma_start3A_139 = tpu.memref_slice %arg8[%add3A_73, %dma_start3A_138] : memref<10000x128xf32, #tpu.memory_space<vmem_shared>> -> memref<40x128xf32, #tpu.memory_space<vmem_shared>>
        %dma_start3A_140 = arith.constant 0 : i32
        %dma_start3A_141 = tpu.memref_slice %arg8[%add3A_73, %dma_start3A_140] : memref<10000x128xf32, #tpu.memory_space<vmem_shared>> -> memref<40x128xf32, #tpu.memory_space<vmem_shared>>
        tpu.enqueue_dma source(%arg7 : memref<40x128xf32, #tpu.memory_space<vmem>>) target(%dma_start3A_141 : memref<40x128xf32, #tpu.memory_space<vmem_shared>>) target_semaphore(%run_scoped3A : memref<!tpu.dma_semaphore, #tpu.memory_space<semaphore_mem>>)
        %dma_wait3A = arith.constant 0 : i32
        %dma_wait3A_142 = tpu.memref_slice %arg8[%add3A_73, %dma_wait3A] : memref<10000x128xf32, #tpu.memory_space<vmem_shared>> -> memref<40x128xf32, #tpu.memory_space<vmem_shared>>
        %dma_wait3A_143 = arith.constant 0 : i32
        %dma_wait3A_144 = tpu.memref_slice %arg8[%add3A_73, %dma_wait3A_143] : memref<10000x128xf32, #tpu.memory_space<vmem_shared>> -> memref<40x128xf32, #tpu.memory_space<vmem_shared>>
        tpu.wait_dma2 semaphore(%run_scoped3A : memref<!tpu.dma_semaphore, #tpu.memory_space<semaphore_mem>>) src(%arg7 : memref<40x128xf32, #tpu.memory_space<vmem>>) dst(%dma_wait3A_144 : memref<40x128xf32, #tpu.memory_space<vmem_shared>>)
        tpu.yield
      }) : () -> ()
      %mul3A_74 = arith.constant 1000 : i32
      %mul3A_75 = arith.muli %arg1, %mul3A_74 : i32
      %add3A_76 = arith.constant 360 : i32
      %add3A_77 = arith.addi %mul3A_75, %add3A_76 : i32
      "tpu.region"() ({
        %run_scoped3A = tpu.sem_alloc : memref<!tpu.dma_semaphore, #tpu.memory_space<semaphore_mem>>
        %dma_start3A_138 = arith.constant 0 : i32
        %dma_start3A_139 = tpu.memref_slice %arg8[%add3A_77, %dma_start3A_138] : memref<10000x128xf32, #tpu.memory_space<vmem_shared>> -> memref<40x128xf32, #tpu.memory_space<vmem_shared>>
        %dma_start3A_140 = arith.constant 0 : i32
        %dma_start3A_141 = tpu.memref_slice %arg8[%add3A_77, %dma_start3A_140] : memref<10000x128xf32, #tpu.memory_space<vmem_shared>> -> memref<40x128xf32, #tpu.memory_space<vmem_shared>>
        tpu.enqueue_dma source(%arg7 : memref<40x128xf32, #tpu.memory_space<vmem>>) target(%dma_start3A_141 : memref<40x128xf32, #tpu.memory_space<vmem_shared>>) target_semaphore(%run_scoped3A : memref<!tpu.dma_semaphore, #tpu.memory_space<semaphore_mem>>)
        %dma_wait3A = arith.constant 0 : i32
        %dma_wait3A_142 = tpu.memref_slice %arg8[%add3A_77, %dma_wait3A] : memref<10000x128xf32, #tpu.memory_space<vmem_shared>> -> memref<40x128xf32, #tpu.memory_space<vmem_shared>>
        %dma_wait3A_143 = arith.constant 0 : i32
        %dma_wait3A_144 = tpu.memref_slice %arg8[%add3A_77, %dma_wait3A_143] : memref<10000x128xf32, #tpu.memory_space<vmem_shared>> -> memref<40x128xf32, #tpu.memory_space<vmem_shared>>
        tpu.wait_dma2 semaphore(%run_scoped3A : memref<!tpu.dma_semaphore, #tpu.memory_space<semaphore_mem>>) src(%arg7 : memref<40x128xf32, #tpu.memory_space<vmem>>) dst(%dma_wait3A_144 : memref<40x128xf32, #tpu.memory_space<vmem_shared>>)
        tpu.yield
      }) : () -> ()
      %mul3A_78 = arith.constant 1000 : i32
      %mul3A_79 = arith.muli %arg1, %mul3A_78 : i32
      %add3A_80 = arith.constant 400 : i32
      %add3A_81 = arith.addi %mul3A_79, %add3A_80 : i32
      "tpu.region"() ({
        %run_scoped3A = tpu.sem_alloc : memref<!tpu.dma_semaphore, #tpu.memory_space<semaphore_mem>>
        %dma_start3A_138 = arith.constant 0 : i32
        %dma_start3A_139 = tpu.memref_slice %arg8[%add3A_81, %dma_start3A_138] : memref<10000x128xf32, #tpu.memory_space<vmem_shared>> -> memref<40x128xf32, #tpu.memory_space<vmem_shared>>
        %dma_start3A_140 = arith.constant 0 : i32
        %dma_start3A_141 = tpu.memref_slice %arg8[%add3A_81, %dma_start3A_140] : memref<10000x128xf32, #tpu.memory_space<vmem_shared>> -> memref<40x128xf32, #tpu.memory_space<vmem_shared>>
        tpu.enqueue_dma source(%arg7 : memref<40x128xf32, #tpu.memory_space<vmem>>) target(%dma_start3A_141 : memref<40x128xf32, #tpu.memory_space<vmem_shared>>) target_semaphore(%run_scoped3A : memref<!tpu.dma_semaphore, #tpu.memory_space<semaphore_mem>>)
        %dma_wait3A = arith.constant 0 : i32
        %dma_wait3A_142 = tpu.memref_slice %arg8[%add3A_81, %dma_wait3A] : memref<10000x128xf32, #tpu.memory_space<vmem_shared>> -> memref<40x128xf32, #tpu.memory_space<vmem_shared>>
        %dma_wait3A_143 = arith.constant 0 : i32
        %dma_wait3A_144 = tpu.memref_slice %arg8[%add3A_81, %dma_wait3A_143] : memref<10000x128xf32, #tpu.memory_space<vmem_shared>> -> memref<40x128xf32, #tpu.memory_space<vmem_shared>>
        tpu.wait_dma2 semaphore(%run_scoped3A : memref<!tpu.dma_semaphore, #tpu.memory_space<semaphore_mem>>) src(%arg7 : memref<40x128xf32, #tpu.memory_space<vmem>>) dst(%dma_wait3A_144 : memref<40x128xf32, #tpu.memory_space<vmem_shared>>)
        tpu.yield
      }) : () -> ()
      %mul3A_82 = arith.constant 1000 : i32
      %mul3A_83 = arith.muli %arg1, %mul3A_82 : i32
      %add3A_84 = arith.constant 440 : i32
      %add3A_85 = arith.addi %mul3A_83, %add3A_84 : i32
      "tpu.region"() ({
        %run_scoped3A = tpu.sem_alloc : memref<!tpu.dma_semaphore, #tpu.memory_space<semaphore_mem>>
        %dma_start3A_138 = arith.constant 0 : i32
        %dma_start3A_139 = tpu.memref_slice %arg8[%add3A_85, %dma_start3A_138] : memref<10000x128xf32, #tpu.memory_space<vmem_shared>> -> memref<40x128xf32, #tpu.memory_space<vmem_shared>>
        %dma_start3A_140 = arith.constant 0 : i32
        %dma_start3A_141 = tpu.memref_slice %arg8[%add3A_85, %dma_start3A_140] : memref<10000x128xf32, #tpu.memory_space<vmem_shared>> -> memref<40x128xf32, #tpu.memory_space<vmem_shared>>
        tpu.enqueue_dma source(%arg7 : memref<40x128xf32, #tpu.memory_space<vmem>>) target(%dma_start3A_141 : memref<40x128xf32, #tpu.memory_space<vmem_shared>>) target_semaphore(%run_scoped3A : memref<!tpu.dma_semaphore, #tpu.memory_space<semaphore_mem>>)
        %dma_wait3A = arith.constant 0 : i32
        %dma_wait3A_142 = tpu.memref_slice %arg8[%add3A_85, %dma_wait3A] : memref<10000x128xf32, #tpu.memory_space<vmem_shared>> -> memref<40x128xf32, #tpu.memory_space<vmem_shared>>
        %dma_wait3A_143 = arith.constant 0 : i32
        %dma_wait3A_144 = tpu.memref_slice %arg8[%add3A_85, %dma_wait3A_143] : memref<10000x128xf32, #tpu.memory_space<vmem_shared>> -> memref<40x128xf32, #tpu.memory_space<vmem_shared>>
        tpu.wait_dma2 semaphore(%run_scoped3A : memref<!tpu.dma_semaphore, #tpu.memory_space<semaphore_mem>>) src(%arg7 : memref<40x128xf32, #tpu.memory_space<vmem>>) dst(%dma_wait3A_144 : memref<40x128xf32, #tpu.memory_space<vmem_shared>>)
        tpu.yield
      }) : () -> ()
      %mul3A_86 = arith.constant 1000 : i32
      %mul3A_87 = arith.muli %arg1, %mul3A_86 : i32
      %add3A_88 = arith.constant 480 : i32
      %add3A_89 = arith.addi %mul3A_87, %add3A_88 : i32
      "tpu.region"() ({
        %run_scoped3A = tpu.sem_alloc : memref<!tpu.dma_semaphore, #tpu.memory_space<semaphore_mem>>
        %dma_start3A_138 = arith.constant 0 : i32
        %dma_start3A_139 = tpu.memref_slice %arg8[%add3A_89, %dma_start3A_138] : memref<10000x128xf32, #tpu.memory_space<vmem_shared>> -> memref<40x128xf32, #tpu.memory_space<vmem_shared>>
        %dma_start3A_140 = arith.constant 0 : i32
        %dma_start3A_141 = tpu.memref_slice %arg8[%add3A_89, %dma_start3A_140] : memref<10000x128xf32, #tpu.memory_space<vmem_shared>> -> memref<40x128xf32, #tpu.memory_space<vmem_shared>>
        tpu.enqueue_dma source(%arg7 : memref<40x128xf32, #tpu.memory_space<vmem>>) target(%dma_start3A_141 : memref<40x128xf32, #tpu.memory_space<vmem_shared>>) target_semaphore(%run_scoped3A : memref<!tpu.dma_semaphore, #tpu.memory_space<semaphore_mem>>)
        %dma_wait3A = arith.constant 0 : i32
        %dma_wait3A_142 = tpu.memref_slice %arg8[%add3A_89, %dma_wait3A] : memref<10000x128xf32, #tpu.memory_space<vmem_shared>> -> memref<40x128xf32, #tpu.memory_space<vmem_shared>>
        %dma_wait3A_143 = arith.constant 0 : i32
        %dma_wait3A_144 = tpu.memref_slice %arg8[%add3A_89, %dma_wait3A_143] : memref<10000x128xf32, #tpu.memory_space<vmem_shared>> -> memref<40x128xf32, #tpu.memory_space<vmem_shared>>
        tpu.wait_dma2 semaphore(%run_scoped3A : memref<!tpu.dma_semaphore, #tpu.memory_space<semaphore_mem>>) src(%arg7 : memref<40x128xf32, #tpu.memory_space<vmem>>) dst(%dma_wait3A_144 : memref<40x128xf32, #tpu.memory_space<vmem_shared>>)
        tpu.yield
      }) : () -> ()
      %mul3A_90 = arith.constant 1000 : i32
      %mul3A_91 = arith.muli %arg1, %mul3A_90 : i32
      %add3A_92 = arith.constant 520 : i32
      %add3A_93 = arith.addi %mul3A_91, %add3A_92 : i32
      "tpu.region"() ({
        %run_scoped3A = tpu.sem_alloc : memref<!tpu.dma_semaphore, #tpu.memory_space<semaphore_mem>>
        %dma_start3A_138 = arith.constant 0 : i32
        %dma_start3A_139 = tpu.memref_slice %arg8[%add3A_93, %dma_start3A_138] : memref<10000x128xf32, #tpu.memory_space<vmem_shared>> -> memref<40x128xf32, #tpu.memory_space<vmem_shared>>
        %dma_start3A_140 = arith.constant 0 : i32
        %dma_start3A_141 = tpu.memref_slice %arg8[%add3A_93, %dma_start3A_140] : memref<10000x128xf32, #tpu.memory_space<vmem_shared>> -> memref<40x128xf32, #tpu.memory_space<vmem_shared>>
        tpu.enqueue_dma source(%arg7 : memref<40x128xf32, #tpu.memory_space<vmem>>) target(%dma_start3A_141 : memref<40x128xf32, #tpu.memory_space<vmem_shared>>) target_semaphore(%run_scoped3A : memref<!tpu.dma_semaphore, #tpu.memory_space<semaphore_mem>>)
        %dma_wait3A = arith.constant 0 : i32
        %dma_wait3A_142 = tpu.memref_slice %arg8[%add3A_93, %dma_wait3A] : memref<10000x128xf32, #tpu.memory_space<vmem_shared>> -> memref<40x128xf32, #tpu.memory_space<vmem_shared>>
        %dma_wait3A_143 = arith.constant 0 : i32
        %dma_wait3A_144 = tpu.memref_slice %arg8[%add3A_93, %dma_wait3A_143] : memref<10000x128xf32, #tpu.memory_space<vmem_shared>> -> memref<40x128xf32, #tpu.memory_space<vmem_shared>>
        tpu.wait_dma2 semaphore(%run_scoped3A : memref<!tpu.dma_semaphore, #tpu.memory_space<semaphore_mem>>) src(%arg7 : memref<40x128xf32, #tpu.memory_space<vmem>>) dst(%dma_wait3A_144 : memref<40x128xf32, #tpu.memory_space<vmem_shared>>)
        tpu.yield
      }) : () -> ()
      %mul3A_94 = arith.constant 1000 : i32
      %mul3A_95 = arith.muli %arg1, %mul3A_94 : i32
      %add3A_96 = arith.constant 560 : i32
      %add3A_97 = arith.addi %mul3A_95, %add3A_96 : i32
      "tpu.region"() ({
        %run_scoped3A = tpu.sem_alloc : memref<!tpu.dma_semaphore, #tpu.memory_space<semaphore_mem>>
        %dma_start3A_138 = arith.constant 0 : i32
        %dma_start3A_139 = tpu.memref_slice %arg8[%add3A_97, %dma_start3A_138] : memref<10000x128xf32, #tpu.memory_space<vmem_shared>> -> memref<40x128xf32, #tpu.memory_space<vmem_shared>>
        %dma_start3A_140 = arith.constant 0 : i32
        %dma_start3A_141 = tpu.memref_slice %arg8[%add3A_97, %dma_start3A_140] : memref<10000x128xf32, #tpu.memory_space<vmem_shared>> -> memref<40x128xf32, #tpu.memory_space<vmem_shared>>
        tpu.enqueue_dma source(%arg7 : memref<40x128xf32, #tpu.memory_space<vmem>>) target(%dma_start3A_141 : memref<40x128xf32, #tpu.memory_space<vmem_shared>>) target_semaphore(%run_scoped3A : memref<!tpu.dma_semaphore, #tpu.memory_space<semaphore_mem>>)
        %dma_wait3A = arith.constant 0 : i32
        %dma_wait3A_142 = tpu.memref_slice %arg8[%add3A_97, %dma_wait3A] : memref<10000x128xf32, #tpu.memory_space<vmem_shared>> -> memref<40x128xf32, #tpu.memory_space<vmem_shared>>
        %dma_wait3A_143 = arith.constant 0 : i32
        %dma_wait3A_144 = tpu.memref_slice %arg8[%add3A_97, %dma_wait3A_143] : memref<10000x128xf32, #tpu.memory_space<vmem_shared>> -> memref<40x128xf32, #tpu.memory_space<vmem_shared>>
        tpu.wait_dma2 semaphore(%run_scoped3A : memref<!tpu.dma_semaphore, #tpu.memory_space<semaphore_mem>>) src(%arg7 : memref<40x128xf32, #tpu.memory_space<vmem>>) dst(%dma_wait3A_144 : memref<40x128xf32, #tpu.memory_space<vmem_shared>>)
        tpu.yield
      }) : () -> ()
      %mul3A_98 = arith.constant 1000 : i32
      %mul3A_99 = arith.muli %arg1, %mul3A_98 : i32
      %add3A_100 = arith.constant 600 : i32
      %add3A_101 = arith.addi %mul3A_99, %add3A_100 : i32
      "tpu.region"() ({
        %run_scoped3A = tpu.sem_alloc : memref<!tpu.dma_semaphore, #tpu.memory_space<semaphore_mem>>
        %dma_start3A_138 = arith.constant 0 : i32
        %dma_start3A_139 = tpu.memref_slice %arg8[%add3A_101, %dma_start3A_138] : memref<10000x128xf32, #tpu.memory_space<vmem_shared>> -> memref<40x128xf32, #tpu.memory_space<vmem_shared>>
        %dma_start3A_140 = arith.constant 0 : i32
        %dma_start3A_141 = tpu.memref_slice %arg8[%add3A_101, %dma_start3A_140] : memref<10000x128xf32, #tpu.memory_space<vmem_shared>> -> memref<40x128xf32, #tpu.memory_space<vmem_shared>>
        tpu.enqueue_dma source(%arg7 : memref<40x128xf32, #tpu.memory_space<vmem>>) target(%dma_start3A_141 : memref<40x128xf32, #tpu.memory_space<vmem_shared>>) target_semaphore(%run_scoped3A : memref<!tpu.dma_semaphore, #tpu.memory_space<semaphore_mem>>)
        %dma_wait3A = arith.constant 0 : i32
        %dma_wait3A_142 = tpu.memref_slice %arg8[%add3A_101, %dma_wait3A] : memref<10000x128xf32, #tpu.memory_space<vmem_shared>> -> memref<40x128xf32, #tpu.memory_space<vmem_shared>>
        %dma_wait3A_143 = arith.constant 0 : i32
        %dma_wait3A_144 = tpu.memref_slice %arg8[%add3A_101, %dma_wait3A_143] : memref<10000x128xf32, #tpu.memory_space<vmem_shared>> -> memref<40x128xf32, #tpu.memory_space<vmem_shared>>
        tpu.wait_dma2 semaphore(%run_scoped3A : memref<!tpu.dma_semaphore, #tpu.memory_space<semaphore_mem>>) src(%arg7 : memref<40x128xf32, #tpu.memory_space<vmem>>) dst(%dma_wait3A_144 : memref<40x128xf32, #tpu.memory_space<vmem_shared>>)
        tpu.yield
      }) : () -> ()
      %mul3A_102 = arith.constant 1000 : i32
      %mul3A_103 = arith.muli %arg1, %mul3A_102 : i32
      %add3A_104 = arith.constant 640 : i32
      %add3A_105 = arith.addi %mul3A_103, %add3A_104 : i32
      "tpu.region"() ({
        %run_scoped3A = tpu.sem_alloc : memref<!tpu.dma_semaphore, #tpu.memory_space<semaphore_mem>>
        %dma_start3A_138 = arith.constant 0 : i32
        %dma_start3A_139 = tpu.memref_slice %arg8[%add3A_105, %dma_start3A_138] : memref<10000x128xf32, #tpu.memory_space<vmem_shared>> -> memref<40x128xf32, #tpu.memory_space<vmem_shared>>
        %dma_start3A_140 = arith.constant 0 : i32
        %dma_start3A_141 = tpu.memref_slice %arg8[%add3A_105, %dma_start3A_140] : memref<10000x128xf32, #tpu.memory_space<vmem_shared>> -> memref<40x128xf32, #tpu.memory_space<vmem_shared>>
        tpu.enqueue_dma source(%arg7 : memref<40x128xf32, #tpu.memory_space<vmem>>) target(%dma_start3A_141 : memref<40x128xf32, #tpu.memory_space<vmem_shared>>) target_semaphore(%run_scoped3A : memref<!tpu.dma_semaphore, #tpu.memory_space<semaphore_mem>>)
        %dma_wait3A = arith.constant 0 : i32
        %dma_wait3A_142 = tpu.memref_slice %arg8[%add3A_105, %dma_wait3A] : memref<10000x128xf32, #tpu.memory_space<vmem_shared>> -> memref<40x128xf32, #tpu.memory_space<vmem_shared>>
        %dma_wait3A_143 = arith.constant 0 : i32
        %dma_wait3A_144 = tpu.memref_slice %arg8[%add3A_105, %dma_wait3A_143] : memref<10000x128xf32, #tpu.memory_space<vmem_shared>> -> memref<40x128xf32, #tpu.memory_space<vmem_shared>>
        tpu.wait_dma2 semaphore(%run_scoped3A : memref<!tpu.dma_semaphore, #tpu.memory_space<semaphore_mem>>) src(%arg7 : memref<40x128xf32, #tpu.memory_space<vmem>>) dst(%dma_wait3A_144 : memref<40x128xf32, #tpu.memory_space<vmem_shared>>)
        tpu.yield
      }) : () -> ()
      %mul3A_106 = arith.constant 1000 : i32
      %mul3A_107 = arith.muli %arg1, %mul3A_106 : i32
      %add3A_108 = arith.constant 680 : i32
      %add3A_109 = arith.addi %mul3A_107, %add3A_108 : i32
      "tpu.region"() ({
        %run_scoped3A = tpu.sem_alloc : memref<!tpu.dma_semaphore, #tpu.memory_space<semaphore_mem>>
        %dma_start3A_138 = arith.constant 0 : i32
        %dma_start3A_139 = tpu.memref_slice %arg8[%add3A_109, %dma_start3A_138] : memref<10000x128xf32, #tpu.memory_space<vmem_shared>> -> memref<40x128xf32, #tpu.memory_space<vmem_shared>>
        %dma_start3A_140 = arith.constant 0 : i32
        %dma_start3A_141 = tpu.memref_slice %arg8[%add3A_109, %dma_start3A_140] : memref<10000x128xf32, #tpu.memory_space<vmem_shared>> -> memref<40x128xf32, #tpu.memory_space<vmem_shared>>
        tpu.enqueue_dma source(%arg7 : memref<40x128xf32, #tpu.memory_space<vmem>>) target(%dma_start3A_141 : memref<40x128xf32, #tpu.memory_space<vmem_shared>>) target_semaphore(%run_scoped3A : memref<!tpu.dma_semaphore, #tpu.memory_space<semaphore_mem>>)
        %dma_wait3A = arith.constant 0 : i32
        %dma_wait3A_142 = tpu.memref_slice %arg8[%add3A_109, %dma_wait3A] : memref<10000x128xf32, #tpu.memory_space<vmem_shared>> -> memref<40x128xf32, #tpu.memory_space<vmem_shared>>
        %dma_wait3A_143 = arith.constant 0 : i32
        %dma_wait3A_144 = tpu.memref_slice %arg8[%add3A_109, %dma_wait3A_143] : memref<10000x128xf32, #tpu.memory_space<vmem_shared>> -> memref<40x128xf32, #tpu.memory_space<vmem_shared>>
        tpu.wait_dma2 semaphore(%run_scoped3A : memref<!tpu.dma_semaphore, #tpu.memory_space<semaphore_mem>>) src(%arg7 : memref<40x128xf32, #tpu.memory_space<vmem>>) dst(%dma_wait3A_144 : memref<40x128xf32, #tpu.memory_space<vmem_shared>>)
        tpu.yield
      }) : () -> ()
      %mul3A_110 = arith.constant 1000 : i32
      %mul3A_111 = arith.muli %arg1, %mul3A_110 : i32
      %add3A_112 = arith.constant 720 : i32
      %add3A_113 = arith.addi %mul3A_111, %add3A_112 : i32
      "tpu.region"() ({
        %run_scoped3A = tpu.sem_alloc : memref<!tpu.dma_semaphore, #tpu.memory_space<semaphore_mem>>
        %dma_start3A_138 = arith.constant 0 : i32
        %dma_start3A_139 = tpu.memref_slice %arg8[%add3A_113, %dma_start3A_138] : memref<10000x128xf32, #tpu.memory_space<vmem_shared>> -> memref<40x128xf32, #tpu.memory_space<vmem_shared>>
        %dma_start3A_140 = arith.constant 0 : i32
        %dma_start3A_141 = tpu.memref_slice %arg8[%add3A_113, %dma_start3A_140] : memref<10000x128xf32, #tpu.memory_space<vmem_shared>> -> memref<40x128xf32, #tpu.memory_space<vmem_shared>>
        tpu.enqueue_dma source(%arg7 : memref<40x128xf32, #tpu.memory_space<vmem>>) target(%dma_start3A_141 : memref<40x128xf32, #tpu.memory_space<vmem_shared>>) target_semaphore(%run_scoped3A : memref<!tpu.dma_semaphore, #tpu.memory_space<semaphore_mem>>)
        %dma_wait3A = arith.constant 0 : i32
        %dma_wait3A_142 = tpu.memref_slice %arg8[%add3A_113, %dma_wait3A] : memref<10000x128xf32, #tpu.memory_space<vmem_shared>> -> memref<40x128xf32, #tpu.memory_space<vmem_shared>>
        %dma_wait3A_143 = arith.constant 0 : i32
        %dma_wait3A_144 = tpu.memref_slice %arg8[%add3A_113, %dma_wait3A_143] : memref<10000x128xf32, #tpu.memory_space<vmem_shared>> -> memref<40x128xf32, #tpu.memory_space<vmem_shared>>
        tpu.wait_dma2 semaphore(%run_scoped3A : memref<!tpu.dma_semaphore, #tpu.memory_space<semaphore_mem>>) src(%arg7 : memref<40x128xf32, #tpu.memory_space<vmem>>) dst(%dma_wait3A_144 : memref<40x128xf32, #tpu.memory_space<vmem_shared>>)
        tpu.yield
      }) : () -> ()
      %mul3A_114 = arith.constant 1000 : i32
      %mul3A_115 = arith.muli %arg1, %mul3A_114 : i32
      %add3A_116 = arith.constant 760 : i32
      %add3A_117 = arith.addi %mul3A_115, %add3A_116 : i32
      "tpu.region"() ({
        %run_scoped3A = tpu.sem_alloc : memref<!tpu.dma_semaphore, #tpu.memory_space<semaphore_mem>>
        %dma_start3A_138 = arith.constant 0 : i32
        %dma_start3A_139 = tpu.memref_slice %arg8[%add3A_117, %dma_start3A_138] : memref<10000x128xf32, #tpu.memory_space<vmem_shared>> -> memref<40x128xf32, #tpu.memory_space<vmem_shared>>
        %dma_start3A_140 = arith.constant 0 : i32
        %dma_start3A_141 = tpu.memref_slice %arg8[%add3A_117, %dma_start3A_140] : memref<10000x128xf32, #tpu.memory_space<vmem_shared>> -> memref<40x128xf32, #tpu.memory_space<vmem_shared>>
        tpu.enqueue_dma source(%arg7 : memref<40x128xf32, #tpu.memory_space<vmem>>) target(%dma_start3A_141 : memref<40x128xf32, #tpu.memory_space<vmem_shared>>) target_semaphore(%run_scoped3A : memref<!tpu.dma_semaphore, #tpu.memory_space<semaphore_mem>>)
        %dma_wait3A = arith.constant 0 : i32
        %dma_wait3A_142 = tpu.memref_slice %arg8[%add3A_117, %dma_wait3A] : memref<10000x128xf32, #tpu.memory_space<vmem_shared>> -> memref<40x128xf32, #tpu.memory_space<vmem_shared>>
        %dma_wait3A_143 = arith.constant 0 : i32
        %dma_wait3A_144 = tpu.memref_slice %arg8[%add3A_117, %dma_wait3A_143] : memref<10000x128xf32, #tpu.memory_space<vmem_shared>> -> memref<40x128xf32, #tpu.memory_space<vmem_shared>>
        tpu.wait_dma2 semaphore(%run_scoped3A : memref<!tpu.dma_semaphore, #tpu.memory_space<semaphore_mem>>) src(%arg7 : memref<40x128xf32, #tpu.memory_space<vmem>>) dst(%dma_wait3A_144 : memref<40x128xf32, #tpu.memory_space<vmem_shared>>)
        tpu.yield
      }) : () -> ()
      %mul3A_118 = arith.constant 1000 : i32
      %mul3A_119 = arith.muli %arg1, %mul3A_118 : i32
      %add3A_120 = arith.constant 800 : i32
      %add3A_121 = arith.addi %mul3A_119, %add3A_120 : i32
      "tpu.region"() ({
        %run_scoped3A = tpu.sem_alloc : memref<!tpu.dma_semaphore, #tpu.memory_space<semaphore_mem>>
        %dma_start3A_138 = arith.constant 0 : i32
        %dma_start3A_139 = tpu.memref_slice %arg8[%add3A_121, %dma_start3A_138] : memref<10000x128xf32, #tpu.memory_space<vmem_shared>> -> memref<40x128xf32, #tpu.memory_space<vmem_shared>>
        %dma_start3A_140 = arith.constant 0 : i32
        %dma_start3A_141 = tpu.memref_slice %arg8[%add3A_121, %dma_start3A_140] : memref<10000x128xf32, #tpu.memory_space<vmem_shared>> -> memref<40x128xf32, #tpu.memory_space<vmem_shared>>
        tpu.enqueue_dma source(%arg7 : memref<40x128xf32, #tpu.memory_space<vmem>>) target(%dma_start3A_141 : memref<40x128xf32, #tpu.memory_space<vmem_shared>>) target_semaphore(%run_scoped3A : memref<!tpu.dma_semaphore, #tpu.memory_space<semaphore_mem>>)
        %dma_wait3A = arith.constant 0 : i32
        %dma_wait3A_142 = tpu.memref_slice %arg8[%add3A_121, %dma_wait3A] : memref<10000x128xf32, #tpu.memory_space<vmem_shared>> -> memref<40x128xf32, #tpu.memory_space<vmem_shared>>
        %dma_wait3A_143 = arith.constant 0 : i32
        %dma_wait3A_144 = tpu.memref_slice %arg8[%add3A_121, %dma_wait3A_143] : memref<10000x128xf32, #tpu.memory_space<vmem_shared>> -> memref<40x128xf32, #tpu.memory_space<vmem_shared>>
        tpu.wait_dma2 semaphore(%run_scoped3A : memref<!tpu.dma_semaphore, #tpu.memory_space<semaphore_mem>>) src(%arg7 : memref<40x128xf32, #tpu.memory_space<vmem>>) dst(%dma_wait3A_144 : memref<40x128xf32, #tpu.memory_space<vmem_shared>>)
        tpu.yield
      }) : () -> ()
      %mul3A_122 = arith.constant 1000 : i32
      %mul3A_123 = arith.muli %arg1, %mul3A_122 : i32
      %add3A_124 = arith.constant 840 : i32
      %add3A_125 = arith.addi %mul3A_123, %add3A_124 : i32
      "tpu.region"() ({
        %run_scoped3A = tpu.sem_alloc : memref<!tpu.dma_semaphore, #tpu.memory_space<semaphore_mem>>
        %dma_start3A_138 = arith.constant 0 : i32
        %dma_start3A_139 = tpu.memref_slice %arg8[%add3A_125, %dma_start3A_138] : memref<10000x128xf32, #tpu.memory_space<vmem_shared>> -> memref<40x128xf32, #tpu.memory_space<vmem_shared>>
        %dma_start3A_140 = arith.constant 0 : i32
        %dma_start3A_141 = tpu.memref_slice %arg8[%add3A_125, %dma_start3A_140] : memref<10000x128xf32, #tpu.memory_space<vmem_shared>> -> memref<40x128xf32, #tpu.memory_space<vmem_shared>>
        tpu.enqueue_dma source(%arg7 : memref<40x128xf32, #tpu.memory_space<vmem>>) target(%dma_start3A_141 : memref<40x128xf32, #tpu.memory_space<vmem_shared>>) target_semaphore(%run_scoped3A : memref<!tpu.dma_semaphore, #tpu.memory_space<semaphore_mem>>)
        %dma_wait3A = arith.constant 0 : i32
        %dma_wait3A_142 = tpu.memref_slice %arg8[%add3A_125, %dma_wait3A] : memref<10000x128xf32, #tpu.memory_space<vmem_shared>> -> memref<40x128xf32, #tpu.memory_space<vmem_shared>>
        %dma_wait3A_143 = arith.constant 0 : i32
        %dma_wait3A_144 = tpu.memref_slice %arg8[%add3A_125, %dma_wait3A_143] : memref<10000x128xf32, #tpu.memory_space<vmem_shared>> -> memref<40x128xf32, #tpu.memory_space<vmem_shared>>
        tpu.wait_dma2 semaphore(%run_scoped3A : memref<!tpu.dma_semaphore, #tpu.memory_space<semaphore_mem>>) src(%arg7 : memref<40x128xf32, #tpu.memory_space<vmem>>) dst(%dma_wait3A_144 : memref<40x128xf32, #tpu.memory_space<vmem_shared>>)
        tpu.yield
      }) : () -> ()
      %mul3A_126 = arith.constant 1000 : i32
      %mul3A_127 = arith.muli %arg1, %mul3A_126 : i32
      %add3A_128 = arith.constant 880 : i32
      %add3A_129 = arith.addi %mul3A_127, %add3A_128 : i32
      "tpu.region"() ({
        %run_scoped3A = tpu.sem_alloc : memref<!tpu.dma_semaphore, #tpu.memory_space<semaphore_mem>>
        %dma_start3A_138 = arith.constant 0 : i32
        %dma_start3A_139 = tpu.memref_slice %arg8[%add3A_129, %dma_start3A_138] : memref<10000x128xf32, #tpu.memory_space<vmem_shared>> -> memref<40x128xf32, #tpu.memory_space<vmem_shared>>
        %dma_start3A_140 = arith.constant 0 : i32
        %dma_start3A_141 = tpu.memref_slice %arg8[%add3A_129, %dma_start3A_140] : memref<10000x128xf32, #tpu.memory_space<vmem_shared>> -> memref<40x128xf32, #tpu.memory_space<vmem_shared>>
        tpu.enqueue_dma source(%arg7 : memref<40x128xf32, #tpu.memory_space<vmem>>) target(%dma_start3A_141 : memref<40x128xf32, #tpu.memory_space<vmem_shared>>) target_semaphore(%run_scoped3A : memref<!tpu.dma_semaphore, #tpu.memory_space<semaphore_mem>>)
        %dma_wait3A = arith.constant 0 : i32
        %dma_wait3A_142 = tpu.memref_slice %arg8[%add3A_129, %dma_wait3A] : memref<10000x128xf32, #tpu.memory_space<vmem_shared>> -> memref<40x128xf32, #tpu.memory_space<vmem_shared>>
        %dma_wait3A_143 = arith.constant 0 : i32
        %dma_wait3A_144 = tpu.memref_slice %arg8[%add3A_129, %dma_wait3A_143] : memref<10000x128xf32, #tpu.memory_space<vmem_shared>> -> memref<40x128xf32, #tpu.memory_space<vmem_shared>>
        tpu.wait_dma2 semaphore(%run_scoped3A : memref<!tpu.dma_semaphore, #tpu.memory_space<semaphore_mem>>) src(%arg7 : memref<40x128xf32, #tpu.memory_space<vmem>>) dst(%dma_wait3A_144 : memref<40x128xf32, #tpu.memory_space<vmem_shared>>)
        tpu.yield
      }) : () -> ()
      %mul3A_130 = arith.constant 1000 : i32
      %mul3A_131 = arith.muli %arg1, %mul3A_130 : i32
      %add3A_132 = arith.constant 920 : i32
      %add3A_133 = arith.addi %mul3A_131, %add3A_132 : i32
      "tpu.region"() ({
        %run_scoped3A = tpu.sem_alloc : memref<!tpu.dma_semaphore, #tpu.memory_space<semaphore_mem>>
        %dma_start3A_138 = arith.constant 0 : i32
        %dma_start3A_139 = tpu.memref_slice %arg8[%add3A_133, %dma_start3A_138] : memref<10000x128xf32, #tpu.memory_space<vmem_shared>> -> memref<40x128xf32, #tpu.memory_space<vmem_shared>>
        %dma_start3A_140 = arith.constant 0 : i32
        %dma_start3A_141 = tpu.memref_slice %arg8[%add3A_133, %dma_start3A_140] : memref<10000x128xf32, #tpu.memory_space<vmem_shared>> -> memref<40x128xf32, #tpu.memory_space<vmem_shared>>
        tpu.enqueue_dma source(%arg7 : memref<40x128xf32, #tpu.memory_space<vmem>>) target(%dma_start3A_141 : memref<40x128xf32, #tpu.memory_space<vmem_shared>>) target_semaphore(%run_scoped3A : memref<!tpu.dma_semaphore, #tpu.memory_space<semaphore_mem>>)
        %dma_wait3A = arith.constant 0 : i32
        %dma_wait3A_142 = tpu.memref_slice %arg8[%add3A_133, %dma_wait3A] : memref<10000x128xf32, #tpu.memory_space<vmem_shared>> -> memref<40x128xf32, #tpu.memory_space<vmem_shared>>
        %dma_wait3A_143 = arith.constant 0 : i32
        %dma_wait3A_144 = tpu.memref_slice %arg8[%add3A_133, %dma_wait3A_143] : memref<10000x128xf32, #tpu.memory_space<vmem_shared>> -> memref<40x128xf32, #tpu.memory_space<vmem_shared>>
        tpu.wait_dma2 semaphore(%run_scoped3A : memref<!tpu.dma_semaphore, #tpu.memory_space<semaphore_mem>>) src(%arg7 : memref<40x128xf32, #tpu.memory_space<vmem>>) dst(%dma_wait3A_144 : memref<40x128xf32, #tpu.memory_space<vmem_shared>>)
        tpu.yield
      }) : () -> ()
      %mul3A_134 = arith.constant 1000 : i32
      %mul3A_135 = arith.muli %arg1, %mul3A_134 : i32
      %add3A_136 = arith.constant 960 : i32
      %add3A_137 = arith.addi %mul3A_135, %add3A_136 : i32
      "tpu.region"() ({
        %run_scoped3A = tpu.sem_alloc : memref<!tpu.dma_semaphore, #tpu.memory_space<semaphore_mem>>
        %dma_start3A_138 = arith.constant 0 : i32
        %dma_start3A_139 = tpu.memref_slice %arg8[%add3A_137, %dma_start3A_138] : memref<10000x128xf32, #tpu.memory_space<vmem_shared>> -> memref<40x128xf32, #tpu.memory_space<vmem_shared>>
        %dma_start3A_140 = arith.constant 0 : i32
        %dma_start3A_141 = tpu.memref_slice %arg8[%add3A_137, %dma_start3A_140] : memref<10000x128xf32, #tpu.memory_space<vmem_shared>> -> memref<40x128xf32, #tpu.memory_space<vmem_shared>>
        tpu.enqueue_dma source(%arg7 : memref<40x128xf32, #tpu.memory_space<vmem>>) target(%dma_start3A_141 : memref<40x128xf32, #tpu.memory_space<vmem_shared>>) target_semaphore(%run_scoped3A : memref<!tpu.dma_semaphore, #tpu.memory_space<semaphore_mem>>)
        %dma_wait3A = arith.constant 0 : i32
        %dma_wait3A_142 = tpu.memref_slice %arg8[%add3A_137, %dma_wait3A] : memref<10000x128xf32, #tpu.memory_space<vmem_shared>> -> memref<40x128xf32, #tpu.memory_space<vmem_shared>>
        %dma_wait3A_143 = arith.constant 0 : i32
        %dma_wait3A_144 = tpu.memref_slice %arg8[%add3A_137, %dma_wait3A_143] : memref<10000x128xf32, #tpu.memory_space<vmem_shared>> -> memref<40x128xf32, #tpu.memory_space<vmem_shared>>
        tpu.wait_dma2 semaphore(%run_scoped3A : memref<!tpu.dma_semaphore, #tpu.memory_space<semaphore_mem>>) src(%arg7 : memref<40x128xf32, #tpu.memory_space<vmem>>) dst(%dma_wait3A_144 : memref<40x128xf32, #tpu.memory_space<vmem_shared>>)
        tpu.yield
      }) : () -> ()
    } else {
    }
    %barrier3A = arith.constant 0 : index
    tpu.barrier barrier_id(%barrier3A)
    "tpu.region"() ({
      %run_scoped3A = tpu.sem_alloc : memref<!tpu.dma_semaphore, #tpu.memory_space<semaphore_mem>>
      %dma_start3A_38 = arith.constant 0 : i32
      %dma_start3A_39 = arith.constant 0 : i32
      %dma_start3A_40 = tpu.memref_slice %arg3[%add3A, %dma_start3A_38, %dma_start3A_39] : memref<32x125x80xi32, #tpu.memory_space<hbm>> -> memref<1x125x80xi32, #tpu.memory_space<hbm>>
      %dma_start3A_41 = tpu.memref_squeeze %dma_start3A_40 : memref<1x125x80xi32, #tpu.memory_space<hbm>> -> memref<125x80xi32, #tpu.memory_space<hbm>>
      %dma_start3A_42 = arith.constant 0 : i32
      %dma_start3A_43 = arith.constant 0 : i32
      %dma_start3A_44 = tpu.memref_slice %arg3[%add3A, %dma_start3A_42, %dma_start3A_43] : memref<32x125x80xi32, #tpu.memory_space<hbm>> -> memref<1x125x80xi32, #tpu.memory_space<hbm>>
      %dma_start3A_45 = tpu.memref_squeeze %dma_start3A_44 : memref<1x125x80xi32, #tpu.memory_space<hbm>> -> memref<125x80xi32, #tpu.memory_space<hbm>>
      tpu.enqueue_dma source(%dma_start3A_45 : memref<125x80xi32, #tpu.memory_space<hbm>>) target(%arg5 : memref<125x80xi32, #tpu.memory_space<vmem>>) target_semaphore(%run_scoped3A : memref<!tpu.dma_semaphore, #tpu.memory_space<semaphore_mem>>)
      %dma_wait3A = arith.constant 0 : i32
      %dma_wait3A_46 = arith.constant 0 : i32
      %dma_wait3A_47 = tpu.memref_slice %arg3[%add3A, %dma_wait3A, %dma_wait3A_46] : memref<32x125x80xi32, #tpu.memory_space<hbm>> -> memref<1x125x80xi32, #tpu.memory_space<hbm>>
      %dma_wait3A_48 = tpu.memref_squeeze %dma_wait3A_47 : memref<1x125x80xi32, #tpu.memory_space<hbm>> -> memref<125x80xi32, #tpu.memory_space<hbm>>
      %dma_wait3A_49 = arith.constant 0 : i32
      %dma_wait3A_50 = arith.constant 0 : i32
      %dma_wait3A_51 = tpu.memref_slice %arg3[%add3A, %dma_wait3A_49, %dma_wait3A_50] : memref<32x125x80xi32, #tpu.memory_space<hbm>> -> memref<1x125x80xi32, #tpu.memory_space<hbm>>
      %dma_wait3A_52 = tpu.memref_squeeze %dma_wait3A_51 : memref<1x125x80xi32, #tpu.memory_space<hbm>> -> memref<125x80xi32, #tpu.memory_space<hbm>>
      tpu.wait_dma2 semaphore(%run_scoped3A : memref<!tpu.dma_semaphore, #tpu.memory_space<semaphore_mem>>) src(%dma_wait3A_52 : memref<125x80xi32, #tpu.memory_space<hbm>>) dst(%arg5 : memref<125x80xi32, #tpu.memory_space<vmem>>)
      tpu.yield
    }) : () -> ()
    %add3A_10 = arith.constant 0 : i32
    %add3A_11 = arith.addi %mul3A_2, %add3A_10 : i32
    %mul3A_12 = arith.constant 80 : i32
    %mul3A_13 = arith.muli %add3A_11, %mul3A_12 : i32
    %dma_start3A = arith.constant 0 : i32
    %dma_start3A_14 = arith.constant 0 : i32
    %dma_start3A_15 = arith.constant 0 : i32
    %dma_start3A_16 = tpu.memref_slice %arg6[%dma_start3A, %dma_start3A_14, %dma_start3A_15] : memref<2x80x128xf32, #tpu.memory_space<vmem>> -> memref<1x80x128xf32, #tpu.memory_space<vmem>>
    %dma_start3A_17 = tpu.memref_squeeze %dma_start3A_16 : memref<1x80x128xf32, #tpu.memory_space<vmem>> -> memref<80x128xf32, #tpu.memory_space<vmem>>
    %dma_start3A_18 = arith.constant 0 : i32
    %dma_start3A_19 = tpu.memref_slice %arg2[%mul3A_13, %dma_start3A_18] : memref<320000x128xf32, #tpu.memory_space<hbm>> -> memref<80x128xf32, #tpu.memory_space<hbm>>
    %dma_start3A_20 = arith.constant 0 : i32
    %dma_start3A_21 = arith.constant 0 : i32
    %dma_start3A_22 = tpu.memref_slice %arg6[%dma_start3A, %dma_start3A_20, %dma_start3A_21] : memref<2x80x128xf32, #tpu.memory_space<vmem>> -> memref<1x80x128xf32, #tpu.memory_space<vmem>>
    %dma_start3A_23 = tpu.memref_squeeze %dma_start3A_22 : memref<1x80x128xf32, #tpu.memory_space<vmem>> -> memref<80x128xf32, #tpu.memory_space<vmem>>
    %dma_start3A_24 = arith.constant 0 : i32
    %dma_start3A_25 = tpu.memref_slice %arg2[%mul3A_13, %dma_start3A_24] : memref<320000x128xf32, #tpu.memory_space<hbm>> -> memref<80x128xf32, #tpu.memory_space<hbm>>
    tpu.enqueue_dma source(%dma_start3A_25 : memref<80x128xf32, #tpu.memory_space<hbm>>) target(%dma_start3A_23 : memref<80x128xf32, #tpu.memory_space<vmem>>) target_semaphore(%arg9 : memref<!tpu.dma_semaphore, #tpu.memory_space<semaphore_mem>>)
    %scan3A_26 = arith.constant 0 : i32
    %scan3A_27 = arith.constant 0 : i32
    %scan3A_28 = arith.constant 125 : i32
    %scan3A_29 = arith.addi %scan3A_27, %scan3A_28 : i32
    %scan3A_30 = arith.constant 1 : i32
    scf.for %scan3A_38 = %scan3A_27 to %scan3A_29 step %scan3A_30  : i32 {
      %rem3A = arith.constant 2 : i32
      %rem3A_39 = arith.remsi %scan3A_38, %rem3A : i32
      %dma_wait3A = arith.constant 0 : i32
      %dma_wait3A_40 = arith.constant 0 : i32
      %dma_wait3A_41 = tpu.memref_slice %arg6[%rem3A_39, %dma_wait3A, %dma_wait3A_40] : memref<2x80x128xf32, #tpu.memory_space<vmem>> -> memref<1x80x128xf32, #tpu.memory_space<vmem>>
      %dma_wait3A_42 = tpu.memref_squeeze %dma_wait3A_41 : memref<1x80x128xf32, #tpu.memory_space<vmem>> -> memref<80x128xf32, #tpu.memory_space<vmem>>
      %dma_wait3A_43 = arith.constant 0 : i32
      %dma_wait3A_44 = arith.constant 0 : i32
      %dma_wait3A_45 = tpu.memref_slice %arg2[%dma_wait3A_43, %dma_wait3A_44] : memref<320000x128xf32, #tpu.memory_space<hbm>> -> memref<80x128xf32, #tpu.memory_space<hbm>>
      %dma_wait3A_46 = arith.constant 0 : i32
      %dma_wait3A_47 = arith.constant 0 : i32
      %dma_wait3A_48 = tpu.memref_slice %arg6[%rem3A_39, %dma_wait3A_46, %dma_wait3A_47] : memref<2x80x128xf32, #tpu.memory_space<vmem>> -> memref<1x80x128xf32, #tpu.memory_space<vmem>>
      %dma_wait3A_49 = tpu.memref_squeeze %dma_wait3A_48 : memref<1x80x128xf32, #tpu.memory_space<vmem>> -> memref<80x128xf32, #tpu.memory_space<vmem>>
      %dma_wait3A_50 = arith.constant 0 : i32
      %dma_wait3A_51 = arith.constant 0 : i32
      %dma_wait3A_52 = tpu.memref_slice %arg2[%dma_wait3A_50, %dma_wait3A_51] : memref<320000x128xf32, #tpu.memory_space<hbm>> -> memref<80x128xf32, #tpu.memory_space<hbm>>
      tpu.wait_dma2 semaphore(%arg9 : memref<!tpu.dma_semaphore, #tpu.memory_space<semaphore_mem>>) src(%dma_wait3A_52 : memref<80x128xf32, #tpu.memory_space<hbm>>) dst(%dma_wait3A_49 : memref<80x128xf32, #tpu.memory_space<vmem>>)
      %lt3A_53 = arith.constant 124 : i32
      %lt3A_54 = arith.cmpi slt, %scan3A_38, %lt3A_53 : i32
      %convert_element_type3A_55 = arith.extui %lt3A_54 : i1 to i32
      %cond3A_56 = arith.constant 0 : i32
      %cond3A_57 = arith.cmpi ne, %convert_element_type3A_55, %cond3A_56 : i32
      scf.if %cond3A_57 {
        %add3A_58 = arith.constant 1 : i32
        %add3A_59 = arith.addi %scan3A_38, %add3A_58 : i32
        %sub3A = arith.constant 1 : i32
        %sub3A_60 = arith.subi %sub3A, %rem3A_39 : i32
        %add3A_61 = arith.addi %mul3A_2, %add3A_59 : i32
        %mul3A_62 = arith.constant 80 : i32
        %mul3A_63 = arith.muli %add3A_61, %mul3A_62 : i32
        %dma_start3A_64 = arith.constant 0 : i32
        %dma_start3A_65 = arith.constant 0 : i32
        %dma_start3A_66 = tpu.memref_slice %arg6[%sub3A_60, %dma_start3A_64, %dma_start3A_65] : memref<2x80x128xf32, #tpu.memory_space<vmem>> -> memref<1x80x128xf32, #tpu.memory_space<vmem>>
        %dma_start3A_67 = tpu.memref_squeeze %dma_start3A_66 : memref<1x80x128xf32, #tpu.memory_space<vmem>> -> memref<80x128xf32, #tpu.memory_space<vmem>>
        %dma_start3A_68 = arith.constant 0 : i32
        %dma_start3A_69 = tpu.memref_slice %arg2[%mul3A_63, %dma_start3A_68] : memref<320000x128xf32, #tpu.memory_space<hbm>> -> memref<80x128xf32, #tpu.memory_space<hbm>>
        %dma_start3A_70 = arith.constant 0 : i32
        %dma_start3A_71 = arith.constant 0 : i32
        %dma_start3A_72 = tpu.memref_slice %arg6[%sub3A_60, %dma_start3A_70, %dma_start3A_71] : memref<2x80x128xf32, #tpu.memory_space<vmem>> -> memref<1x80x128xf32, #tpu.memory_space<vmem>>
        %dma_start3A_73 = tpu.memref_squeeze %dma_start3A_72 : memref<1x80x128xf32, #tpu.memory_space<vmem>> -> memref<80x128xf32, #tpu.memory_space<vmem>>
        %dma_start3A_74 = arith.constant 0 : i32
        %dma_start3A_75 = tpu.memref_slice %arg2[%mul3A_63, %dma_start3A_74] : memref<320000x128xf32, #tpu.memory_space<hbm>> -> memref<80x128xf32, #tpu.memory_space<hbm>>
        tpu.enqueue_dma source(%dma_start3A_75 : memref<80x128xf32, #tpu.memory_space<hbm>>) target(%dma_start3A_73 : memref<80x128xf32, #tpu.memory_space<vmem>>) target_semaphore(%arg9 : memref<!tpu.dma_semaphore, #tpu.memory_space<semaphore_mem>>)
      } else {
      }
      "tpu.region"() ({
        %run_scoped3A = tpu.sem_alloc : memref<!tpu.dma_semaphore, #tpu.memory_space<semaphore_mem>>
        %dma_start3A_58 = arith.constant 0 : i32
        %dma_start3A_59 = arith.constant 0 : i32
        %dma_start3A_60 = tpu.memref_slice %arg6[%rem3A_39, %dma_start3A_58, %dma_start3A_59] : memref<2x80x128xf32, #tpu.memory_space<vmem>> -> memref<1x80x128xf32, #tpu.memory_space<vmem>>
        %dma_start3A_61 = tpu.memref_squeeze %dma_start3A_60 : memref<1x80x128xf32, #tpu.memory_space<vmem>> -> memref<80x128xf32, #tpu.memory_space<vmem>>
        %dma_start3A_62 = arith.constant 0 : i32
        %dma_start3A_63 = tpu.memref_slice %arg5[%scan3A_38, %dma_start3A_62] : memref<125x80xi32, #tpu.memory_space<vmem>> -> memref<1x80xi32, #tpu.memory_space<vmem>>
        %dma_start3A_64 = tpu.memref_squeeze %dma_start3A_63 : memref<1x80xi32, #tpu.memory_space<vmem>> -> memref<80xi32, #tpu.memory_space<vmem>>
        %dma_start3A_65 = arith.constant 0 : i32
        %dma_start3A_66 = arith.constant 0 : i32
        %dma_start3A_67 = tpu.memref_slice %arg8[%dma_start3A_65, %dma_start3A_66] : memref<10000x128xf32, #tpu.memory_space<vmem_shared>> -> memref<10000x128xf32, #tpu.memory_space<vmem_shared>>
        tpu.enqueue_indirect_dma source(%dma_start3A_61 : memref<80x128xf32, #tpu.memory_space<vmem>>) target(%dma_start3A_67 : memref<10000x128xf32, #tpu.memory_space<vmem_shared>>) offsets(%dma_start3A_64 : memref<80xi32, #tpu.memory_space<vmem>>) semaphore(%run_scoped3A : memref<!tpu.dma_semaphore, #tpu.memory_space<semaphore_mem>>) {add = true}
        %dma_wait3A_68 = arith.constant 0 : i32
        %dma_wait3A_69 = arith.constant 0 : i32
        %dma_wait3A_70 = tpu.memref_slice %arg6[%rem3A_39, %dma_wait3A_68, %dma_wait3A_69] : memref<2x80x128xf32, #tpu.memory_space<vmem>> -> memref<1x80x128xf32, #tpu.memory_space<vmem>>
        %dma_wait3A_71 = tpu.memref_squeeze %dma_wait3A_70 : memref<1x80x128xf32, #tpu.memory_space<vmem>> -> memref<80x128xf32, #tpu.memory_space<vmem>>
        %dma_wait3A_72 = arith.constant 0 : i32
        %dma_wait3A_73 = tpu.memref_slice %arg5[%scan3A_38, %dma_wait3A_72] : memref<125x80xi32, #tpu.memory_space<vmem>> -> memref<1x80xi32, #tpu.memory_space<vmem>>
        %dma_wait3A_74 = tpu.memref_squeeze %dma_wait3A_73 : memref<1x80xi32, #tpu.memory_space<vmem>> -> memref<80xi32, #tpu.memory_space<vmem>>
        %dma_wait3A_75 = arith.constant 0 : i32
        %dma_wait3A_76 = arith.constant 0 : i32
        %dma_wait3A_77 = tpu.memref_slice %arg8[%dma_wait3A_75, %dma_wait3A_76] : memref<10000x128xf32, #tpu.memory_space<vmem_shared>> -> memref<10000x128xf32, #tpu.memory_space<vmem_shared>>
        tpu.wait_indirect_dma semaphore(%run_scoped3A : memref<!tpu.dma_semaphore, #tpu.memory_space<semaphore_mem>>) src(%dma_wait3A_71 : memref<80x128xf32, #tpu.memory_space<vmem>>) dst(%dma_wait3A_77 : memref<10000x128xf32, #tpu.memory_space<vmem_shared>>)
        tpu.yield
      }) : () -> ()
    }
    %scan3A_31 = arith.constant 125 : i32
    %barrier3A_32 = arith.constant 0 : index
    tpu.barrier barrier_id(%barrier3A_32)
    %lt3A_33 = arith.constant 10 : i32
    %lt3A_34 = arith.cmpi slt, %arg1, %lt3A_33 : i32
    %convert_element_type3A_35 = arith.extui %lt3A_34 : i1 to i32
    %cond3A_36 = arith.constant 0 : i32
    %cond3A_37 = arith.cmpi ne, %convert_element_type3A_35, %cond3A_36 : i32
    scf.if %cond3A_37 {
      %mul3A_38 = arith.constant 1000 : i32
      %mul3A_39 = arith.muli %arg1, %mul3A_38 : i32
      %mul3A_40 = arith.constant 1000 : i32
      %mul3A_41 = arith.muli %arg1, %mul3A_40 : i32
      "tpu.region"() ({
        %run_scoped3A = tpu.sem_alloc : memref<!tpu.dma_semaphore, #tpu.memory_space<semaphore_mem>>
        %dma_start3A_42 = arith.constant 0 : i32
        %dma_start3A_43 = tpu.memref_slice %arg4[%arg0, %mul3A_41, %dma_start3A_42] : memref<2x10000x128xf32, #tpu.memory_space<hbm>> -> memref<1x1000x128xf32, #tpu.memory_space<hbm>>
        %dma_start3A_44 = tpu.memref_squeeze %dma_start3A_43 : memref<1x1000x128xf32, #tpu.memory_space<hbm>> -> memref<1000x128xf32, #tpu.memory_space<hbm>>
        %dma_start3A_45 = arith.constant 0 : i32
        %dma_start3A_46 = tpu.memref_slice %arg8[%mul3A_39, %dma_start3A_45] : memref<10000x128xf32, #tpu.memory_space<vmem_shared>> -> memref<1000x128xf32, #tpu.memory_space<vmem_shared>>
        tpu.enqueue_dma source(%dma_start3A_46 : memref<1000x128xf32, #tpu.memory_space<vmem_shared>>) target(%dma_start3A_44 : memref<1000x128xf32, #tpu.memory_space<hbm>>) target_semaphore(%run_scoped3A : memref<!tpu.dma_semaphore, #tpu.memory_space<semaphore_mem>>)
        %dma_wait3A = arith.constant 0 : i32
        %dma_wait3A_47 = tpu.memref_slice %arg4[%arg0, %mul3A_41, %dma_wait3A] : memref<2x10000x128xf32, #tpu.memory_space<hbm>> -> memref<1x1000x128xf32, #tpu.memory_space<hbm>>
        %dma_wait3A_48 = tpu.memref_squeeze %dma_wait3A_47 : memref<1x1000x128xf32, #tpu.memory_space<hbm>> -> memref<1000x128xf32, #tpu.memory_space<hbm>>
        %dma_wait3A_49 = arith.constant 0 : i32
        %dma_wait3A_50 = tpu.memref_slice %arg8[%mul3A_39, %dma_wait3A_49] : memref<10000x128xf32, #tpu.memory_space<vmem_shared>> -> memref<1000x128xf32, #tpu.memory_space<vmem_shared>>
        tpu.wait_dma2 semaphore(%run_scoped3A : memref<!tpu.dma_semaphore, #tpu.memory_space<semaphore_mem>>) src(%dma_wait3A_50 : memref<1000x128xf32, #tpu.memory_space<vmem_shared>>) dst(%dma_wait3A_48 : memref<1000x128xf32, #tpu.memory_space<hbm>>)
        tpu.yield
      }) : () -> ()
    } else {
    }
    return
  }
}

#map = affine_map<(d0, d1) -> (0, 0)>
#map1 = affine_map<(d0, d1) -> (0, 0, 0)>
module attributes {stable_mosaic.version = 14 : i64} {
  func.func @_gather_combine(%arg0: i32, %arg1: i32, %arg2: memref<10000x128xf32, #tpu.memory_space<hbm>>, %arg3: memref<10000x128xf32, #tpu.memory_space<hbm>>, %arg4: memref<32x1x10000xi32, #tpu.memory_space<hbm>>, %arg5: memref<32x1x10000xi32, #tpu.memory_space<hbm>>, %arg6: memref<320000x128xf32, #tpu.memory_space<hbm>>, %arg7: memref<1x10000xi32, #tpu.memory_space<vmem>>, %arg8: memref<1x10000xi32, #tpu.memory_space<vmem>>, %arg9: memref<2x128x128xf32, #tpu.memory_space<vmem>>, %arg10: memref<2x128x128xf32, #tpu.memory_space<vmem>>, %arg11: memref<!tpu.dma_semaphore, #tpu.memory_space<semaphore_mem>>, %arg12: memref<!tpu.dma_semaphore, #tpu.memory_space<semaphore_mem>>) attributes {dimension_semantics = [#tpu.dimension_semantics<core_parallel>, #tpu.dimension_semantics<subcore_parallel>], iteration_bounds = array<i64: 2, 16>, scalar_prefetch = 0 : i64, scratch_operands = 6 : i64, tpu.core_type = #tpu.core_type<sc_vector_subcore>, window_params = [{transform_indices = #map}, {transform_indices = #map}, {transform_indices = #map1}, {transform_indices = #map1}, {transform_indices = #map}]} {
    %mul3A = arith.constant 2 : i32
    %mul3A_0 = arith.muli %arg1, %mul3A : i32
    %add3A = arith.addi %mul3A_0, %arg0 : i32
    %mul3A_1 = arith.constant 10000 : i32
    %mul3A_2 = arith.muli %add3A, %mul3A_1 : i32
    "tpu.region"() ({
      %run_scoped3A_101 = tpu.sem_alloc : memref<!tpu.dma_semaphore, #tpu.memory_space<semaphore_mem>>
      %dma_start3A_102 = arith.constant 0 : i32
      %dma_start3A_103 = arith.constant 0 : i32
      %dma_start3A_104 = tpu.memref_slice %arg4[%add3A, %dma_start3A_102, %dma_start3A_103] : memref<32x1x10000xi32, #tpu.memory_space<hbm>> -> memref<1x1x10000xi32, #tpu.memory_space<hbm>>
      %dma_start3A_105 = tpu.memref_squeeze %dma_start3A_104 : memref<1x1x10000xi32, #tpu.memory_space<hbm>> -> memref<1x10000xi32, #tpu.memory_space<hbm>>
      %dma_start3A_106 = arith.constant 0 : i32
      %dma_start3A_107 = arith.constant 0 : i32
      %dma_start3A_108 = tpu.memref_slice %arg4[%add3A, %dma_start3A_106, %dma_start3A_107] : memref<32x1x10000xi32, #tpu.memory_space<hbm>> -> memref<1x1x10000xi32, #tpu.memory_space<hbm>>
      %dma_start3A_109 = tpu.memref_squeeze %dma_start3A_108 : memref<1x1x10000xi32, #tpu.memory_space<hbm>> -> memref<1x10000xi32, #tpu.memory_space<hbm>>
      tpu.enqueue_dma source(%dma_start3A_109 : memref<1x10000xi32, #tpu.memory_space<hbm>>) target(%arg7 : memref<1x10000xi32, #tpu.memory_space<vmem>>) target_semaphore(%run_scoped3A_101 : memref<!tpu.dma_semaphore, #tpu.memory_space<semaphore_mem>>)
      %dma_wait3A_110 = arith.constant 0 : i32
      %dma_wait3A_111 = arith.constant 0 : i32
      %dma_wait3A_112 = tpu.memref_slice %arg4[%add3A, %dma_wait3A_110, %dma_wait3A_111] : memref<32x1x10000xi32, #tpu.memory_space<hbm>> -> memref<1x1x10000xi32, #tpu.memory_space<hbm>>
      %dma_wait3A_113 = tpu.memref_squeeze %dma_wait3A_112 : memref<1x1x10000xi32, #tpu.memory_space<hbm>> -> memref<1x10000xi32, #tpu.memory_space<hbm>>
      %dma_wait3A_114 = arith.constant 0 : i32
      %dma_wait3A_115 = arith.constant 0 : i32
      %dma_wait3A_116 = tpu.memref_slice %arg4[%add3A, %dma_wait3A_114, %dma_wait3A_115] : memref<32x1x10000xi32, #tpu.memory_space<hbm>> -> memref<1x1x10000xi32, #tpu.memory_space<hbm>>
      %dma_wait3A_117 = tpu.memref_squeeze %dma_wait3A_116 : memref<1x1x10000xi32, #tpu.memory_space<hbm>> -> memref<1x10000xi32, #tpu.memory_space<hbm>>
      tpu.wait_dma2 semaphore(%run_scoped3A_101 : memref<!tpu.dma_semaphore, #tpu.memory_space<semaphore_mem>>) src(%dma_wait3A_117 : memref<1x10000xi32, #tpu.memory_space<hbm>>) dst(%arg7 : memref<1x10000xi32, #tpu.memory_space<vmem>>)
      tpu.yield
    }) : () -> ()
    "tpu.region"() ({
      %run_scoped3A_101 = tpu.sem_alloc : memref<!tpu.dma_semaphore, #tpu.memory_space<semaphore_mem>>
      %dma_start3A_102 = arith.constant 0 : i32
      %dma_start3A_103 = arith.constant 0 : i32
      %dma_start3A_104 = tpu.memref_slice %arg5[%add3A, %dma_start3A_102, %dma_start3A_103] : memref<32x1x10000xi32, #tpu.memory_space<hbm>> -> memref<1x1x10000xi32, #tpu.memory_space<hbm>>
      %dma_start3A_105 = tpu.memref_squeeze %dma_start3A_104 : memref<1x1x10000xi32, #tpu.memory_space<hbm>> -> memref<1x10000xi32, #tpu.memory_space<hbm>>
      %dma_start3A_106 = arith.constant 0 : i32
      %dma_start3A_107 = arith.constant 0 : i32
      %dma_start3A_108 = tpu.memref_slice %arg5[%add3A, %dma_start3A_106, %dma_start3A_107] : memref<32x1x10000xi32, #tpu.memory_space<hbm>> -> memref<1x1x10000xi32, #tpu.memory_space<hbm>>
      %dma_start3A_109 = tpu.memref_squeeze %dma_start3A_108 : memref<1x1x10000xi32, #tpu.memory_space<hbm>> -> memref<1x10000xi32, #tpu.memory_space<hbm>>
      tpu.enqueue_dma source(%dma_start3A_109 : memref<1x10000xi32, #tpu.memory_space<hbm>>) target(%arg8 : memref<1x10000xi32, #tpu.memory_space<vmem>>) target_semaphore(%run_scoped3A_101 : memref<!tpu.dma_semaphore, #tpu.memory_space<semaphore_mem>>)
      %dma_wait3A_110 = arith.constant 0 : i32
      %dma_wait3A_111 = arith.constant 0 : i32
      %dma_wait3A_112 = tpu.memref_slice %arg5[%add3A, %dma_wait3A_110, %dma_wait3A_111] : memref<32x1x10000xi32, #tpu.memory_space<hbm>> -> memref<1x1x10000xi32, #tpu.memory_space<hbm>>
      %dma_wait3A_113 = tpu.memref_squeeze %dma_wait3A_112 : memref<1x1x10000xi32, #tpu.memory_space<hbm>> -> memref<1x10000xi32, #tpu.memory_space<hbm>>
      %dma_wait3A_114 = arith.constant 0 : i32
      %dma_wait3A_115 = arith.constant 0 : i32
      %dma_wait3A_116 = tpu.memref_slice %arg5[%add3A, %dma_wait3A_114, %dma_wait3A_115] : memref<32x1x10000xi32, #tpu.memory_space<hbm>> -> memref<1x1x10000xi32, #tpu.memory_space<hbm>>
      %dma_wait3A_117 = tpu.memref_squeeze %dma_wait3A_116 : memref<1x1x10000xi32, #tpu.memory_space<hbm>> -> memref<1x10000xi32, #tpu.memory_space<hbm>>
      tpu.wait_dma2 semaphore(%run_scoped3A_101 : memref<!tpu.dma_semaphore, #tpu.memory_space<semaphore_mem>>) src(%dma_wait3A_117 : memref<1x10000xi32, #tpu.memory_space<hbm>>) dst(%arg8 : memref<1x10000xi32, #tpu.memory_space<vmem>>)
      tpu.yield
    }) : () -> ()
    %dma_start3A = arith.constant 0 : i32
    %dma_start3A_3 = arith.constant 0 : i32
    %dma_start3A_4 = arith.constant 0 : i32
    %dma_start3A_5 = arith.constant 0 : i32
    %dma_start3A_6 = tpu.memref_slice %arg9[%dma_start3A_3, %dma_start3A_4, %dma_start3A_5] : memref<2x128x128xf32, #tpu.memory_space<vmem>> -> memref<1x128x128xf32, #tpu.memory_space<vmem>>
    %dma_start3A_7 = tpu.memref_squeeze %dma_start3A_6 : memref<1x128x128xf32, #tpu.memory_space<vmem>> -> memref<128x128xf32, #tpu.memory_space<vmem>>
    %dma_start3A_8 = arith.constant 0 : i32
    %dma_start3A_9 = tpu.memref_slice %arg7[%dma_start3A, %dma_start3A_8] : memref<1x10000xi32, #tpu.memory_space<vmem>> -> memref<1x128xi32, #tpu.memory_space<vmem>>
    %dma_start3A_10 = tpu.memref_squeeze %dma_start3A_9 : memref<1x128xi32, #tpu.memory_space<vmem>> -> memref<128xi32, #tpu.memory_space<vmem>>
    %dma_start3A_11 = arith.constant 0 : i32
    %dma_start3A_12 = arith.constant 0 : i32
    %dma_start3A_13 = tpu.memref_slice %arg2[%dma_start3A_11, %dma_start3A_12] : memref<10000x128xf32, #tpu.memory_space<hbm>> -> memref<10000x128xf32, #tpu.memory_space<hbm>>
    tpu.enqueue_indirect_dma source(%dma_start3A_13 : memref<10000x128xf32, #tpu.memory_space<hbm>>) target(%dma_start3A_7 : memref<128x128xf32, #tpu.memory_space<vmem>>) offsets(%dma_start3A_10 : memref<128xi32, #tpu.memory_space<vmem>>) semaphore(%arg11 : memref<!tpu.dma_semaphore, #tpu.memory_space<semaphore_mem>>)
    %dma_start3A_14 = arith.constant 0 : i32
    %dma_start3A_15 = arith.constant 0 : i32
    %dma_start3A_16 = arith.constant 0 : i32
    %dma_start3A_17 = arith.constant 0 : i32
    %dma_start3A_18 = tpu.memref_slice %arg10[%dma_start3A_15, %dma_start3A_16, %dma_start3A_17] : memref<2x128x128xf32, #tpu.memory_space<vmem>> -> memref<1x128x128xf32, #tpu.memory_space<vmem>>
    %dma_start3A_19 = tpu.memref_squeeze %dma_start3A_18 : memref<1x128x128xf32, #tpu.memory_space<vmem>> -> memref<128x128xf32, #tpu.memory_space<vmem>>
    %dma_start3A_20 = arith.constant 0 : i32
    %dma_start3A_21 = tpu.memref_slice %arg8[%dma_start3A_14, %dma_start3A_20] : memref<1x10000xi32, #tpu.memory_space<vmem>> -> memref<1x128xi32, #tpu.memory_space<vmem>>
    %dma_start3A_22 = tpu.memref_squeeze %dma_start3A_21 : memref<1x128xi32, #tpu.memory_space<vmem>> -> memref<128xi32, #tpu.memory_space<vmem>>
    %dma_start3A_23 = arith.constant 0 : i32
    %dma_start3A_24 = arith.constant 0 : i32
    %dma_start3A_25 = tpu.memref_slice %arg3[%dma_start3A_23, %dma_start3A_24] : memref<10000x128xf32, #tpu.memory_space<hbm>> -> memref<10000x128xf32, #tpu.memory_space<hbm>>
    tpu.enqueue_indirect_dma source(%dma_start3A_25 : memref<10000x128xf32, #tpu.memory_space<hbm>>) target(%dma_start3A_19 : memref<128x128xf32, #tpu.memory_space<vmem>>) offsets(%dma_start3A_22 : memref<128xi32, #tpu.memory_space<vmem>>) semaphore(%arg11 : memref<!tpu.dma_semaphore, #tpu.memory_space<semaphore_mem>>)
    %scan3A = arith.constant 0 : i32
    %scan3A_26 = arith.constant 0 : i32
    %scan3A_27 = arith.constant 78 : i32
    %scan3A_28 = arith.addi %scan3A_26, %scan3A_27 : i32
    %scan3A_29 = arith.constant 1 : i32
    scf.for %scan3A_101 = %scan3A_26 to %scan3A_28 step %scan3A_29  : i32 {
      %rem3A = arith.constant 2 : i32
      %rem3A_102 = arith.remsi %scan3A_101, %rem3A : i32
      %sub3A = arith.constant 1 : i32
      %sub3A_103 = arith.subi %sub3A, %rem3A_102 : i32
      %dma_wait3A_104 = arith.constant 0 : i32
      %dma_wait3A_105 = arith.constant 0 : i32
      %dma_wait3A_106 = tpu.memref_slice %arg9[%rem3A_102, %dma_wait3A_104, %dma_wait3A_105] : memref<2x128x128xf32, #tpu.memory_space<vmem>> -> memref<1x128x128xf32, #tpu.memory_space<vmem>>
      %dma_wait3A_107 = tpu.memref_squeeze %dma_wait3A_106 : memref<1x128x128xf32, #tpu.memory_space<vmem>> -> memref<128x128xf32, #tpu.memory_space<vmem>>
      %dma_wait3A_108 = arith.constant 0 : i32
      %dma_wait3A_109 = arith.constant 0 : i32
      %dma_wait3A_110 = tpu.memref_slice %arg2[%dma_wait3A_108, %dma_wait3A_109] : memref<10000x128xf32, #tpu.memory_space<hbm>> -> memref<128x128xf32, #tpu.memory_space<hbm>>
      %dma_wait3A_111 = arith.constant 0 : i32
      %dma_wait3A_112 = arith.constant 0 : i32
      %dma_wait3A_113 = tpu.memref_slice %arg9[%rem3A_102, %dma_wait3A_111, %dma_wait3A_112] : memref<2x128x128xf32, #tpu.memory_space<vmem>> -> memref<1x128x128xf32, #tpu.memory_space<vmem>>
      %dma_wait3A_114 = tpu.memref_squeeze %dma_wait3A_113 : memref<1x128x128xf32, #tpu.memory_space<vmem>> -> memref<128x128xf32, #tpu.memory_space<vmem>>
      %dma_wait3A_115 = arith.constant 0 : i32
      %dma_wait3A_116 = arith.constant 0 : i32
      %dma_wait3A_117 = tpu.memref_slice %arg2[%dma_wait3A_115, %dma_wait3A_116] : memref<10000x128xf32, #tpu.memory_space<hbm>> -> memref<128x128xf32, #tpu.memory_space<hbm>>
      tpu.wait_dma2 semaphore(%arg11 : memref<!tpu.dma_semaphore, #tpu.memory_space<semaphore_mem>>) src(%dma_wait3A_117 : memref<128x128xf32, #tpu.memory_space<hbm>>) dst(%dma_wait3A_114 : memref<128x128xf32, #tpu.memory_space<vmem>>)
      %dma_wait3A_118 = arith.constant 0 : i32
      %dma_wait3A_119 = arith.constant 0 : i32
      %dma_wait3A_120 = tpu.memref_slice %arg10[%rem3A_102, %dma_wait3A_118, %dma_wait3A_119] : memref<2x128x128xf32, #tpu.memory_space<vmem>> -> memref<1x128x128xf32, #tpu.memory_space<vmem>>
      %dma_wait3A_121 = tpu.memref_squeeze %dma_wait3A_120 : memref<1x128x128xf32, #tpu.memory_space<vmem>> -> memref<128x128xf32, #tpu.memory_space<vmem>>
      %dma_wait3A_122 = arith.constant 0 : i32
      %dma_wait3A_123 = arith.constant 0 : i32
      %dma_wait3A_124 = tpu.memref_slice %arg2[%dma_wait3A_122, %dma_wait3A_123] : memref<10000x128xf32, #tpu.memory_space<hbm>> -> memref<128x128xf32, #tpu.memory_space<hbm>>
      %dma_wait3A_125 = arith.constant 0 : i32
      %dma_wait3A_126 = arith.constant 0 : i32
      %dma_wait3A_127 = tpu.memref_slice %arg10[%rem3A_102, %dma_wait3A_125, %dma_wait3A_126] : memref<2x128x128xf32, #tpu.memory_space<vmem>> -> memref<1x128x128xf32, #tpu.memory_space<vmem>>
      %dma_wait3A_128 = tpu.memref_squeeze %dma_wait3A_127 : memref<1x128x128xf32, #tpu.memory_space<vmem>> -> memref<128x128xf32, #tpu.memory_space<vmem>>
      %dma_wait3A_129 = arith.constant 0 : i32
      %dma_wait3A_130 = arith.constant 0 : i32
      %dma_wait3A_131 = tpu.memref_slice %arg2[%dma_wait3A_129, %dma_wait3A_130] : memref<10000x128xf32, #tpu.memory_space<hbm>> -> memref<128x128xf32, #tpu.memory_space<hbm>>
      tpu.wait_dma2 semaphore(%arg11 : memref<!tpu.dma_semaphore, #tpu.memory_space<semaphore_mem>>) src(%dma_wait3A_131 : memref<128x128xf32, #tpu.memory_space<hbm>>) dst(%dma_wait3A_128 : memref<128x128xf32, #tpu.memory_space<vmem>>)
      %ge3A = arith.constant 1 : i32
      %ge3A_132 = arith.cmpi sge, %scan3A_101, %ge3A : i32
      %convert_element_type3A = arith.extui %ge3A_132 : i1 to i32
      %cond3A = arith.constant 0 : i32
      %cond3A_133 = arith.cmpi ne, %convert_element_type3A, %cond3A : i32
      scf.if %cond3A_133 {
        %dma_wait3A_159 = arith.constant 0 : i32
        %dma_wait3A_160 = arith.constant 0 : i32
        %dma_wait3A_161 = tpu.memref_slice %arg9[%sub3A_103, %dma_wait3A_159, %dma_wait3A_160] : memref<2x128x128xf32, #tpu.memory_space<vmem>> -> memref<1x128x128xf32, #tpu.memory_space<vmem>>
        %dma_wait3A_162 = tpu.memref_squeeze %dma_wait3A_161 : memref<1x128x128xf32, #tpu.memory_space<vmem>> -> memref<128x128xf32, #tpu.memory_space<vmem>>
        %dma_wait3A_163 = arith.constant 0 : i32
        %dma_wait3A_164 = arith.constant 0 : i32
        %dma_wait3A_165 = tpu.memref_slice %arg6[%dma_wait3A_163, %dma_wait3A_164] : memref<320000x128xf32, #tpu.memory_space<hbm>> -> memref<128x128xf32, #tpu.memory_space<hbm>>
        %dma_wait3A_166 = arith.constant 0 : i32
        %dma_wait3A_167 = arith.constant 0 : i32
        %dma_wait3A_168 = tpu.memref_slice %arg6[%dma_wait3A_166, %dma_wait3A_167] : memref<320000x128xf32, #tpu.memory_space<hbm>> -> memref<128x128xf32, #tpu.memory_space<hbm>>
        %dma_wait3A_169 = arith.constant 0 : i32
        %dma_wait3A_170 = arith.constant 0 : i32
        %dma_wait3A_171 = tpu.memref_slice %arg9[%sub3A_103, %dma_wait3A_169, %dma_wait3A_170] : memref<2x128x128xf32, #tpu.memory_space<vmem>> -> memref<1x128x128xf32, #tpu.memory_space<vmem>>
        %dma_wait3A_172 = tpu.memref_squeeze %dma_wait3A_171 : memref<1x128x128xf32, #tpu.memory_space<vmem>> -> memref<128x128xf32, #tpu.memory_space<vmem>>
        tpu.wait_dma2 semaphore(%arg12 : memref<!tpu.dma_semaphore, #tpu.memory_space<semaphore_mem>>) src(%dma_wait3A_172 : memref<128x128xf32, #tpu.memory_space<vmem>>) dst(%dma_wait3A_168 : memref<128x128xf32, #tpu.memory_space<hbm>>)
      } else {
      }
      %lt3A = arith.constant 77 : i32
      %lt3A_134 = arith.cmpi slt, %scan3A_101, %lt3A : i32
      %convert_element_type3A_135 = arith.extui %lt3A_134 : i1 to i32
      %cond3A_136 = arith.constant 0 : i32
      %cond3A_137 = arith.cmpi ne, %convert_element_type3A_135, %cond3A_136 : i32
      scf.if %cond3A_137 {
        %add3A_159 = arith.constant 1 : i32
        %add3A_160 = arith.addi %scan3A_101, %add3A_159 : i32
        %mul3A_161 = arith.constant 128 : i32
        %mul3A_162 = arith.muli %add3A_160, %mul3A_161 : i32
        %dma_start3A_163 = arith.constant 0 : i32
        %dma_start3A_164 = arith.constant 0 : i32
        %dma_start3A_165 = arith.constant 0 : i32
        %dma_start3A_166 = tpu.memref_slice %arg9[%sub3A_103, %dma_start3A_164, %dma_start3A_165] : memref<2x128x128xf32, #tpu.memory_space<vmem>> -> memref<1x128x128xf32, #tpu.memory_space<vmem>>
        %dma_start3A_167 = tpu.memref_squeeze %dma_start3A_166 : memref<1x128x128xf32, #tpu.memory_space<vmem>> -> memref<128x128xf32, #tpu.memory_space<vmem>>
        %dma_start3A_168 = tpu.memref_slice %arg7[%dma_start3A_163, %mul3A_162] : memref<1x10000xi32, #tpu.memory_space<vmem>> -> memref<1x128xi32, #tpu.memory_space<vmem>>
        %dma_start3A_169 = tpu.memref_squeeze %dma_start3A_168 : memref<1x128xi32, #tpu.memory_space<vmem>> -> memref<128xi32, #tpu.memory_space<vmem>>
        %dma_start3A_170 = arith.constant 0 : i32
        %dma_start3A_171 = arith.constant 0 : i32
        %dma_start3A_172 = tpu.memref_slice %arg2[%dma_start3A_170, %dma_start3A_171] : memref<10000x128xf32, #tpu.memory_space<hbm>> -> memref<10000x128xf32, #tpu.memory_space<hbm>>
        tpu.enqueue_indirect_dma source(%dma_start3A_172 : memref<10000x128xf32, #tpu.memory_space<hbm>>) target(%dma_start3A_167 : memref<128x128xf32, #tpu.memory_space<vmem>>) offsets(%dma_start3A_169 : memref<128xi32, #tpu.memory_space<vmem>>) semaphore(%arg11 : memref<!tpu.dma_semaphore, #tpu.memory_space<semaphore_mem>>)
        %dma_start3A_173 = arith.constant 0 : i32
        %dma_start3A_174 = arith.constant 0 : i32
        %dma_start3A_175 = arith.constant 0 : i32
        %dma_start3A_176 = tpu.memref_slice %arg10[%sub3A_103, %dma_start3A_174, %dma_start3A_175] : memref<2x128x128xf32, #tpu.memory_space<vmem>> -> memref<1x128x128xf32, #tpu.memory_space<vmem>>
        %dma_start3A_177 = tpu.memref_squeeze %dma_start3A_176 : memref<1x128x128xf32, #tpu.memory_space<vmem>> -> memref<128x128xf32, #tpu.memory_space<vmem>>
        %dma_start3A_178 = tpu.memref_slice %arg8[%dma_start3A_173, %mul3A_162] : memref<1x10000xi32, #tpu.memory_space<vmem>> -> memref<1x128xi32, #tpu.memory_space<vmem>>
        %dma_start3A_179 = tpu.memref_squeeze %dma_start3A_178 : memref<1x128xi32, #tpu.memory_space<vmem>> -> memref<128xi32, #tpu.memory_space<vmem>>
        %dma_start3A_180 = arith.constant 0 : i32
        %dma_start3A_181 = arith.constant 0 : i32
        %dma_start3A_182 = tpu.memref_slice %arg3[%dma_start3A_180, %dma_start3A_181] : memref<10000x128xf32, #tpu.memory_space<hbm>> -> memref<10000x128xf32, #tpu.memory_space<hbm>>
        tpu.enqueue_indirect_dma source(%dma_start3A_182 : memref<10000x128xf32, #tpu.memory_space<hbm>>) target(%dma_start3A_177 : memref<128x128xf32, #tpu.memory_space<vmem>>) offsets(%dma_start3A_179 : memref<128xi32, #tpu.memory_space<vmem>>) semaphore(%arg11 : memref<!tpu.dma_semaphore, #tpu.memory_space<semaphore_mem>>)
      } else {
      }
      %scan3A_138 = arith.constant 0 : i32
      %scan3A_139 = arith.constant 0 : i32
      %scan3A_140 = arith.constant 128 : i32
      %scan3A_141 = arith.addi %scan3A_139, %scan3A_140 : i32
      %scan3A_142 = arith.constant 1 : i32
      scf.for %scan3A_159 = %scan3A_139 to %scan3A_141 step %scan3A_142  : i32 {
        %get3A = arith.index_cast %rem3A_102 : i32 to index
        %get3A_160 = arith.index_cast %scan3A_159 : i32 to index
        %get3A_161 = arith.constant 0 : index
        %get3A_162 = tpu.vector_load %arg9[%get3A, %get3A_160, %get3A_161] {strides = array<i32>} : memref<2x128x128xf32, #tpu.memory_space<vmem>>, vector<1x1x16xf32>,
        %get3A_163 = vector.shape_cast %get3A_162 : vector<1x1x16xf32> to vector<16xf32>
        %get3A_164 = arith.index_cast %rem3A_102 : i32 to index
        %get3A_165 = arith.index_cast %scan3A_159 : i32 to index
        %get3A_166 = arith.constant 0 : index
        %get3A_167 = tpu.vector_load %arg10[%get3A_164, %get3A_165, %get3A_166] {strides = array<i32>} : memref<2x128x128xf32, #tpu.memory_space<vmem>>, vector<1x1x16xf32>,
        %get3A_168 = vector.shape_cast %get3A_167 : vector<1x1x16xf32> to vector<16xf32>
        %add3A_169 = arith.addf %get3A_163, %get3A_168 : vector<16xf32>
        %swap3A = arith.index_cast %rem3A_102 : i32 to index
        %swap3A_170 = arith.index_cast %scan3A_159 : i32 to index
        %swap3A_171 = arith.constant 0 : index
        %swap3A_172 = tpu.vector_load %arg9[%swap3A, %swap3A_170, %swap3A_171] {strides = array<i32>} : memref<2x128x128xf32, #tpu.memory_space<vmem>>, vector<1x1x16xf32>,
        %swap3A_173 = vector.shape_cast %swap3A_172 : vector<1x1x16xf32> to vector<16xf32>
        %swap3A_174 = vector.shape_cast %add3A_169 : vector<16xf32> to vector<1x1x16xf32>
        tpu.vector_store %arg9[%swap3A, %swap3A_170, %swap3A_171], %swap3A_174 {strides = array<i32>} : memref<2x128x128xf32, #tpu.memory_space<vmem>>, vector<1x1x16xf32>,
        %get3A_175 = arith.index_cast %rem3A_102 : i32 to index
        %get3A_176 = arith.index_cast %scan3A_159 : i32 to index
        %get3A_177 = arith.constant 16 : index
        %get3A_178 = tpu.vector_load %arg9[%get3A_175, %get3A_176, %get3A_177] {strides = array<i32>} : memref<2x128x128xf32, #tpu.memory_space<vmem>>, vector<1x1x16xf32>,
        %get3A_179 = vector.shape_cast %get3A_178 : vector<1x1x16xf32> to vector<16xf32>
        %get3A_180 = arith.index_cast %rem3A_102 : i32 to index
        %get3A_181 = arith.index_cast %scan3A_159 : i32 to index
        %get3A_182 = arith.constant 16 : index
        %get3A_183 = tpu.vector_load %arg10[%get3A_180, %get3A_181, %get3A_182] {strides = array<i32>} : memref<2x128x128xf32, #tpu.memory_space<vmem>>, vector<1x1x16xf32>,
        %get3A_184 = vector.shape_cast %get3A_183 : vector<1x1x16xf32> to vector<16xf32>
        %add3A_185 = arith.addf %get3A_179, %get3A_184 : vector<16xf32>
        %swap3A_186 = arith.index_cast %rem3A_102 : i32 to index
        %swap3A_187 = arith.index_cast %scan3A_159 : i32 to index
        %swap3A_188 = arith.constant 16 : index
        %swap3A_189 = tpu.vector_load %arg9[%swap3A_186, %swap3A_187, %swap3A_188] {strides = array<i32>} : memref<2x128x128xf32, #tpu.memory_space<vmem>>, vector<1x1x16xf32>,
        %swap3A_190 = vector.shape_cast %swap3A_189 : vector<1x1x16xf32> to vector<16xf32>
        %swap3A_191 = vector.shape_cast %add3A_185 : vector<16xf32> to vector<1x1x16xf32>
        tpu.vector_store %arg9[%swap3A_186, %swap3A_187, %swap3A_188], %swap3A_191 {strides = array<i32>} : memref<2x128x128xf32, #tpu.memory_space<vmem>>, vector<1x1x16xf32>,
        %get3A_192 = arith.index_cast %rem3A_102 : i32 to index
        %get3A_193 = arith.index_cast %scan3A_159 : i32 to index
        %get3A_194 = arith.constant 32 : index
        %get3A_195 = tpu.vector_load %arg9[%get3A_192, %get3A_193, %get3A_194] {strides = array<i32>} : memref<2x128x128xf32, #tpu.memory_space<vmem>>, vector<1x1x16xf32>,
        %get3A_196 = vector.shape_cast %get3A_195 : vector<1x1x16xf32> to vector<16xf32>
        %get3A_197 = arith.index_cast %rem3A_102 : i32 to index
        %get3A_198 = arith.index_cast %scan3A_159 : i32 to index
        %get3A_199 = arith.constant 32 : index
        %get3A_200 = tpu.vector_load %arg10[%get3A_197, %get3A_198, %get3A_199] {strides = array<i32>} : memref<2x128x128xf32, #tpu.memory_space<vmem>>, vector<1x1x16xf32>,
        %get3A_201 = vector.shape_cast %get3A_200 : vector<1x1x16xf32> to vector<16xf32>
        %add3A_202 = arith.addf %get3A_196, %get3A_201 : vector<16xf32>
        %swap3A_203 = arith.index_cast %rem3A_102 : i32 to index
        %swap3A_204 = arith.index_cast %scan3A_159 : i32 to index
        %swap3A_205 = arith.constant 32 : index
        %swap3A_206 = tpu.vector_load %arg9[%swap3A_203, %swap3A_204, %swap3A_205] {strides = array<i32>} : memref<2x128x128xf32, #tpu.memory_space<vmem>>, vector<1x1x16xf32>,
        %swap3A_207 = vector.shape_cast %swap3A_206 : vector<1x1x16xf32> to vector<16xf32>
        %swap3A_208 = vector.shape_cast %add3A_202 : vector<16xf32> to vector<1x1x16xf32>
        tpu.vector_store %arg9[%swap3A_203, %swap3A_204, %swap3A_205], %swap3A_208 {strides = array<i32>} : memref<2x128x128xf32, #tpu.memory_space<vmem>>, vector<1x1x16xf32>,
        %get3A_209 = arith.index_cast %rem3A_102 : i32 to index
        %get3A_210 = arith.index_cast %scan3A_159 : i32 to index
        %get3A_211 = arith.constant 48 : index
        %get3A_212 = tpu.vector_load %arg9[%get3A_209, %get3A_210, %get3A_211] {strides = array<i32>} : memref<2x128x128xf32, #tpu.memory_space<vmem>>, vector<1x1x16xf32>,
        %get3A_213 = vector.shape_cast %get3A_212 : vector<1x1x16xf32> to vector<16xf32>
        %get3A_214 = arith.index_cast %rem3A_102 : i32 to index
        %get3A_215 = arith.index_cast %scan3A_159 : i32 to index
        %get3A_216 = arith.constant 48 : index
        %get3A_217 = tpu.vector_load %arg10[%get3A_214, %get3A_215, %get3A_216] {strides = array<i32>} : memref<2x128x128xf32, #tpu.memory_space<vmem>>, vector<1x1x16xf32>,
        %get3A_218 = vector.shape_cast %get3A_217 : vector<1x1x16xf32> to vector<16xf32>
        %add3A_219 = arith.addf %get3A_213, %get3A_218 : vector<16xf32>
        %swap3A_220 = arith.index_cast %rem3A_102 : i32 to index
        %swap3A_221 = arith.index_cast %scan3A_159 : i32 to index
        %swap3A_222 = arith.constant 48 : index
        %swap3A_223 = tpu.vector_load %arg9[%swap3A_220, %swap3A_221, %swap3A_222] {strides = array<i32>} : memref<2x128x128xf32, #tpu.memory_space<vmem>>, vector<1x1x16xf32>,
        %swap3A_224 = vector.shape_cast %swap3A_223 : vector<1x1x16xf32> to vector<16xf32>
        %swap3A_225 = vector.shape_cast %add3A_219 : vector<16xf32> to vector<1x1x16xf32>
        tpu.vector_store %arg9[%swap3A_220, %swap3A_221, %swap3A_222], %swap3A_225 {strides = array<i32>} : memref<2x128x128xf32, #tpu.memory_space<vmem>>, vector<1x1x16xf32>,
        %get3A_226 = arith.index_cast %rem3A_102 : i32 to index
        %get3A_227 = arith.index_cast %scan3A_159 : i32 to index
        %get3A_228 = arith.constant 64 : index
        %get3A_229 = tpu.vector_load %arg9[%get3A_226, %get3A_227, %get3A_228] {strides = array<i32>} : memref<2x128x128xf32, #tpu.memory_space<vmem>>, vector<1x1x16xf32>,
        %get3A_230 = vector.shape_cast %get3A_229 : vector<1x1x16xf32> to vector<16xf32>
        %get3A_231 = arith.index_cast %rem3A_102 : i32 to index
        %get3A_232 = arith.index_cast %scan3A_159 : i32 to index
        %get3A_233 = arith.constant 64 : index
        %get3A_234 = tpu.vector_load %arg10[%get3A_231, %get3A_232, %get3A_233] {strides = array<i32>} : memref<2x128x128xf32, #tpu.memory_space<vmem>>, vector<1x1x16xf32>,
        %get3A_235 = vector.shape_cast %get3A_234 : vector<1x1x16xf32> to vector<16xf32>
        %add3A_236 = arith.addf %get3A_230, %get3A_235 : vector<16xf32>
        %swap3A_237 = arith.index_cast %rem3A_102 : i32 to index
        %swap3A_238 = arith.index_cast %scan3A_159 : i32 to index
        %swap3A_239 = arith.constant 64 : index
        %swap3A_240 = tpu.vector_load %arg9[%swap3A_237, %swap3A_238, %swap3A_239] {strides = array<i32>} : memref<2x128x128xf32, #tpu.memory_space<vmem>>, vector<1x1x16xf32>,
        %swap3A_241 = vector.shape_cast %swap3A_240 : vector<1x1x16xf32> to vector<16xf32>
        %swap3A_242 = vector.shape_cast %add3A_236 : vector<16xf32> to vector<1x1x16xf32>
        tpu.vector_store %arg9[%swap3A_237, %swap3A_238, %swap3A_239], %swap3A_242 {strides = array<i32>} : memref<2x128x128xf32, #tpu.memory_space<vmem>>, vector<1x1x16xf32>,
        %get3A_243 = arith.index_cast %rem3A_102 : i32 to index
        %get3A_244 = arith.index_cast %scan3A_159 : i32 to index
        %get3A_245 = arith.constant 80 : index
        %get3A_246 = tpu.vector_load %arg9[%get3A_243, %get3A_244, %get3A_245] {strides = array<i32>} : memref<2x128x128xf32, #tpu.memory_space<vmem>>, vector<1x1x16xf32>,
        %get3A_247 = vector.shape_cast %get3A_246 : vector<1x1x16xf32> to vector<16xf32>
        %get3A_248 = arith.index_cast %rem3A_102 : i32 to index
        %get3A_249 = arith.index_cast %scan3A_159 : i32 to index
        %get3A_250 = arith.constant 80 : index
        %get3A_251 = tpu.vector_load %arg10[%get3A_248, %get3A_249, %get3A_250] {strides = array<i32>} : memref<2x128x128xf32, #tpu.memory_space<vmem>>, vector<1x1x16xf32>,
        %get3A_252 = vector.shape_cast %get3A_251 : vector<1x1x16xf32> to vector<16xf32>
        %add3A_253 = arith.addf %get3A_247, %get3A_252 : vector<16xf32>
        %swap3A_254 = arith.index_cast %rem3A_102 : i32 to index
        %swap3A_255 = arith.index_cast %scan3A_159 : i32 to index
        %swap3A_256 = arith.constant 80 : index
        %swap3A_257 = tpu.vector_load %arg9[%swap3A_254, %swap3A_255, %swap3A_256] {strides = array<i32>} : memref<2x128x128xf32, #tpu.memory_space<vmem>>, vector<1x1x16xf32>,
        %swap3A_258 = vector.shape_cast %swap3A_257 : vector<1x1x16xf32> to vector<16xf32>
        %swap3A_259 = vector.shape_cast %add3A_253 : vector<16xf32> to vector<1x1x16xf32>
        tpu.vector_store %arg9[%swap3A_254, %swap3A_255, %swap3A_256], %swap3A_259 {strides = array<i32>} : memref<2x128x128xf32, #tpu.memory_space<vmem>>, vector<1x1x16xf32>,
        %get3A_260 = arith.index_cast %rem3A_102 : i32 to index
        %get3A_261 = arith.index_cast %scan3A_159 : i32 to index
        %get3A_262 = arith.constant 96 : index
        %get3A_263 = tpu.vector_load %arg9[%get3A_260, %get3A_261, %get3A_262] {strides = array<i32>} : memref<2x128x128xf32, #tpu.memory_space<vmem>>, vector<1x1x16xf32>,
        %get3A_264 = vector.shape_cast %get3A_263 : vector<1x1x16xf32> to vector<16xf32>
        %get3A_265 = arith.index_cast %rem3A_102 : i32 to index
        %get3A_266 = arith.index_cast %scan3A_159 : i32 to index
        %get3A_267 = arith.constant 96 : index
        %get3A_268 = tpu.vector_load %arg10[%get3A_265, %get3A_266, %get3A_267] {strides = array<i32>} : memref<2x128x128xf32, #tpu.memory_space<vmem>>, vector<1x1x16xf32>,
        %get3A_269 = vector.shape_cast %get3A_268 : vector<1x1x16xf32> to vector<16xf32>
        %add3A_270 = arith.addf %get3A_264, %get3A_269 : vector<16xf32>
        %swap3A_271 = arith.index_cast %rem3A_102 : i32 to index
        %swap3A_272 = arith.index_cast %scan3A_159 : i32 to index
        %swap3A_273 = arith.constant 96 : index
        %swap3A_274 = tpu.vector_load %arg9[%swap3A_271, %swap3A_272, %swap3A_273] {strides = array<i32>} : memref<2x128x128xf32, #tpu.memory_space<vmem>>, vector<1x1x16xf32>,
        %swap3A_275 = vector.shape_cast %swap3A_274 : vector<1x1x16xf32> to vector<16xf32>
        %swap3A_276 = vector.shape_cast %add3A_270 : vector<16xf32> to vector<1x1x16xf32>
        tpu.vector_store %arg9[%swap3A_271, %swap3A_272, %swap3A_273], %swap3A_276 {strides = array<i32>} : memref<2x128x128xf32, #tpu.memory_space<vmem>>, vector<1x1x16xf32>,
        %get3A_277 = arith.index_cast %rem3A_102 : i32 to index
        %get3A_278 = arith.index_cast %scan3A_159 : i32 to index
        %get3A_279 = arith.constant 112 : index
        %get3A_280 = tpu.vector_load %arg9[%get3A_277, %get3A_278, %get3A_279] {strides = array<i32>} : memref<2x128x128xf32, #tpu.memory_space<vmem>>, vector<1x1x16xf32>,
        %get3A_281 = vector.shape_cast %get3A_280 : vector<1x1x16xf32> to vector<16xf32>
        %get3A_282 = arith.index_cast %rem3A_102 : i32 to index
        %get3A_283 = arith.index_cast %scan3A_159 : i32 to index
        %get3A_284 = arith.constant 112 : index
        %get3A_285 = tpu.vector_load %arg10[%get3A_282, %get3A_283, %get3A_284] {strides = array<i32>} : memref<2x128x128xf32, #tpu.memory_space<vmem>>, vector<1x1x16xf32>,
        %get3A_286 = vector.shape_cast %get3A_285 : vector<1x1x16xf32> to vector<16xf32>
        %add3A_287 = arith.addf %get3A_281, %get3A_286 : vector<16xf32>
        %swap3A_288 = arith.index_cast %rem3A_102 : i32 to index
        %swap3A_289 = arith.index_cast %scan3A_159 : i32 to index
        %swap3A_290 = arith.constant 112 : index
        %swap3A_291 = tpu.vector_load %arg9[%swap3A_288, %swap3A_289, %swap3A_290] {strides = array<i32>} : memref<2x128x128xf32, #tpu.memory_space<vmem>>, vector<1x1x16xf32>,
        %swap3A_292 = vector.shape_cast %swap3A_291 : vector<1x1x16xf32> to vector<16xf32>
        %swap3A_293 = vector.shape_cast %add3A_287 : vector<16xf32> to vector<1x1x16xf32>
        tpu.vector_store %arg9[%swap3A_288, %swap3A_289, %swap3A_290], %swap3A_293 {strides = array<i32>} : memref<2x128x128xf32, #tpu.memory_space<vmem>>, vector<1x1x16xf32>,
      }
      %scan3A_143 = arith.constant 128 : i32
      %mul3A_144 = arith.constant 128 : i32
      %mul3A_145 = arith.muli %scan3A_101, %mul3A_144 : i32
      %add3A_146 = arith.addi %mul3A_2, %mul3A_145 : i32
      %dma_start3A_147 = arith.constant 0 : i32
      %dma_start3A_148 = arith.constant 0 : i32
      %dma_start3A_149 = tpu.memref_slice %arg9[%rem3A_102, %dma_start3A_147, %dma_start3A_148] : memref<2x128x128xf32, #tpu.memory_space<vmem>> -> memref<1x128x128xf32, #tpu.memory_space<vmem>>
      %dma_start3A_150 = tpu.memref_squeeze %dma_start3A_149 : memref<1x128x128xf32, #tpu.memory_space<vmem>> -> memref<128x128xf32, #tpu.memory_space<vmem>>
      %dma_start3A_151 = arith.constant 0 : i32
      %dma_start3A_152 = tpu.memref_slice %arg6[%add3A_146, %dma_start3A_151] : memref<320000x128xf32, #tpu.memory_space<hbm>> -> memref<128x128xf32, #tpu.memory_space<hbm>>
      %dma_start3A_153 = arith.constant 0 : i32
      %dma_start3A_154 = tpu.memref_slice %arg6[%add3A_146, %dma_start3A_153] : memref<320000x128xf32, #tpu.memory_space<hbm>> -> memref<128x128xf32, #tpu.memory_space<hbm>>
      %dma_start3A_155 = arith.constant 0 : i32
      %dma_start3A_156 = arith.constant 0 : i32
      %dma_start3A_157 = tpu.memref_slice %arg9[%rem3A_102, %dma_start3A_155, %dma_start3A_156] : memref<2x128x128xf32, #tpu.memory_space<vmem>> -> memref<1x128x128xf32, #tpu.memory_space<vmem>>
      %dma_start3A_158 = tpu.memref_squeeze %dma_start3A_157 : memref<1x128x128xf32, #tpu.memory_space<vmem>> -> memref<128x128xf32, #tpu.memory_space<vmem>>
      tpu.enqueue_dma source(%dma_start3A_158 : memref<128x128xf32, #tpu.memory_space<vmem>>) target(%dma_start3A_154 : memref<128x128xf32, #tpu.memory_space<hbm>>) target_semaphore(%arg12 : memref<!tpu.dma_semaphore, #tpu.memory_space<semaphore_mem>>)
    }
    %scan3A_30 = arith.constant 78 : i32
    %dma_wait3A = arith.constant 1 : i32
    %dma_wait3A_31 = arith.constant 0 : i32
    %dma_wait3A_32 = arith.constant 0 : i32
    %dma_wait3A_33 = tpu.memref_slice %arg9[%dma_wait3A, %dma_wait3A_31, %dma_wait3A_32] : memref<2x128x128xf32, #tpu.memory_space<vmem>> -> memref<1x128x128xf32, #tpu.memory_space<vmem>>
    %dma_wait3A_34 = tpu.memref_squeeze %dma_wait3A_33 : memref<1x128x128xf32, #tpu.memory_space<vmem>> -> memref<128x128xf32, #tpu.memory_space<vmem>>
    %dma_wait3A_35 = arith.constant 0 : i32
    %dma_wait3A_36 = arith.constant 0 : i32
    %dma_wait3A_37 = tpu.memref_slice %arg6[%dma_wait3A_35, %dma_wait3A_36] : memref<320000x128xf32, #tpu.memory_space<hbm>> -> memref<128x128xf32, #tpu.memory_space<hbm>>
    %dma_wait3A_38 = arith.constant 0 : i32
    %dma_wait3A_39 = arith.constant 0 : i32
    %dma_wait3A_40 = tpu.memref_slice %arg6[%dma_wait3A_38, %dma_wait3A_39] : memref<320000x128xf32, #tpu.memory_space<hbm>> -> memref<128x128xf32, #tpu.memory_space<hbm>>
    %dma_wait3A_41 = arith.constant 0 : i32
    %dma_wait3A_42 = arith.constant 0 : i32
    %dma_wait3A_43 = tpu.memref_slice %arg9[%dma_wait3A, %dma_wait3A_41, %dma_wait3A_42] : memref<2x128x128xf32, #tpu.memory_space<vmem>> -> memref<1x128x128xf32, #tpu.memory_space<vmem>>
    %dma_wait3A_44 = tpu.memref_squeeze %dma_wait3A_43 : memref<1x128x128xf32, #tpu.memory_space<vmem>> -> memref<128x128xf32, #tpu.memory_space<vmem>>
    tpu.wait_dma2 semaphore(%arg12 : memref<!tpu.dma_semaphore, #tpu.memory_space<semaphore_mem>>) src(%dma_wait3A_44 : memref<128x128xf32, #tpu.memory_space<vmem>>) dst(%dma_wait3A_40 : memref<128x128xf32, #tpu.memory_space<hbm>>)
    %dma_start3A_45 = arith.constant 0 : i32
    %dma_start3A_46 = arith.constant 0 : i32
    %dma_start3A_47 = arith.constant 0 : i32
    %dma_start3A_48 = arith.constant 0 : i32
    %dma_start3A_49 = tpu.memref_slice %arg9[%dma_start3A_46, %dma_start3A_47, %dma_start3A_48] : memref<2x128x128xf32, #tpu.memory_space<vmem>> -> memref<1x16x128xf32, #tpu.memory_space<vmem>>
    %dma_start3A_50 = tpu.memref_squeeze %dma_start3A_49 : memref<1x16x128xf32, #tpu.memory_space<vmem>> -> memref<16x128xf32, #tpu.memory_space<vmem>>
    %dma_start3A_51 = arith.constant 9984 : i32
    %dma_start3A_52 = tpu.memref_slice %arg7[%dma_start3A_45, %dma_start3A_51] : memref<1x10000xi32, #tpu.memory_space<vmem>> -> memref<1x16xi32, #tpu.memory_space<vmem>>
    %dma_start3A_53 = tpu.memref_squeeze %dma_start3A_52 : memref<1x16xi32, #tpu.memory_space<vmem>> -> memref<16xi32, #tpu.memory_space<vmem>>
    %dma_start3A_54 = arith.constant 0 : i32
    %dma_start3A_55 = arith.constant 0 : i32
    %dma_start3A_56 = tpu.memref_slice %arg2[%dma_start3A_54, %dma_start3A_55] : memref<10000x128xf32, #tpu.memory_space<hbm>> -> memref<10000x128xf32, #tpu.memory_space<hbm>>
    tpu.enqueue_indirect_dma source(%dma_start3A_56 : memref<10000x128xf32, #tpu.memory_space<hbm>>) target(%dma_start3A_50 : memref<16x128xf32, #tpu.memory_space<vmem>>) offsets(%dma_start3A_53 : memref<16xi32, #tpu.memory_space<vmem>>) semaphore(%arg11 : memref<!tpu.dma_semaphore, #tpu.memory_space<semaphore_mem>>)
    %dma_start3A_57 = arith.constant 0 : i32
    %dma_start3A_58 = arith.constant 0 : i32
    %dma_start3A_59 = arith.constant 0 : i32
    %dma_start3A_60 = arith.constant 0 : i32
    %dma_start3A_61 = tpu.memref_slice %arg10[%dma_start3A_58, %dma_start3A_59, %dma_start3A_60] : memref<2x128x128xf32, #tpu.memory_space<vmem>> -> memref<1x16x128xf32, #tpu.memory_space<vmem>>
    %dma_start3A_62 = tpu.memref_squeeze %dma_start3A_61 : memref<1x16x128xf32, #tpu.memory_space<vmem>> -> memref<16x128xf32, #tpu.memory_space<vmem>>
    %dma_start3A_63 = arith.constant 9984 : i32
    %dma_start3A_64 = tpu.memref_slice %arg8[%dma_start3A_57, %dma_start3A_63] : memref<1x10000xi32, #tpu.memory_space<vmem>> -> memref<1x16xi32, #tpu.memory_space<vmem>>
    %dma_start3A_65 = tpu.memref_squeeze %dma_start3A_64 : memref<1x16xi32, #tpu.memory_space<vmem>> -> memref<16xi32, #tpu.memory_space<vmem>>
    %dma_start3A_66 = arith.constant 0 : i32
    %dma_start3A_67 = arith.constant 0 : i32
    %dma_start3A_68 = tpu.memref_slice %arg3[%dma_start3A_66, %dma_start3A_67] : memref<10000x128xf32, #tpu.memory_space<hbm>> -> memref<10000x128xf32, #tpu.memory_space<hbm>>
    tpu.enqueue_indirect_dma source(%dma_start3A_68 : memref<10000x128xf32, #tpu.memory_space<hbm>>) target(%dma_start3A_62 : memref<16x128xf32, #tpu.memory_space<vmem>>) offsets(%dma_start3A_65 : memref<16xi32, #tpu.memory_space<vmem>>) semaphore(%arg11 : memref<!tpu.dma_semaphore, #tpu.memory_space<semaphore_mem>>)
    %dma_wait3A_69 = arith.constant 0 : i32
    %dma_wait3A_70 = arith.constant 0 : i32
    %dma_wait3A_71 = arith.constant 0 : i32
    %dma_wait3A_72 = arith.constant 0 : i32
    %dma_wait3A_73 = tpu.memref_slice %arg9[%dma_wait3A_70, %dma_wait3A_71, %dma_wait3A_72] : memref<2x128x128xf32, #tpu.memory_space<vmem>> -> memref<1x16x128xf32, #tpu.memory_space<vmem>>
    %dma_wait3A_74 = tpu.memref_squeeze %dma_wait3A_73 : memref<1x16x128xf32, #tpu.memory_space<vmem>> -> memref<16x128xf32, #tpu.memory_space<vmem>>
    %dma_wait3A_75 = arith.constant 9984 : i32
    %dma_wait3A_76 = tpu.memref_slice %arg7[%dma_wait3A_69, %dma_wait3A_75] : memref<1x10000xi32, #tpu.memory_space<vmem>> -> memref<1x16xi32, #tpu.memory_space<vmem>>
    %dma_wait3A_77 = tpu.memref_squeeze %dma_wait3A_76 : memref<1x16xi32, #tpu.memory_space<vmem>> -> memref<16xi32, #tpu.memory_space<vmem>>
    %dma_wait3A_78 = arith.constant 0 : i32
    %dma_wait3A_79 = arith.constant 0 : i32
    %dma_wait3A_80 = tpu.memref_slice %arg2[%dma_wait3A_78, %dma_wait3A_79] : memref<10000x128xf32, #tpu.memory_space<hbm>> -> memref<10000x128xf32, #tpu.memory_space<hbm>>
    tpu.wait_indirect_dma semaphore(%arg11 : memref<!tpu.dma_semaphore, #tpu.memory_space<semaphore_mem>>) src(%dma_wait3A_80 : memref<10000x128xf32, #tpu.memory_space<hbm>>) dst(%dma_wait3A_74 : memref<16x128xf32, #tpu.memory_space<vmem>>)
    %dma_wait3A_81 = arith.constant 0 : i32
    %dma_wait3A_82 = arith.constant 0 : i32
    %dma_wait3A_83 = arith.constant 0 : i32
    %dma_wait3A_84 = arith.constant 0 : i32
    %dma_wait3A_85 = tpu.memref_slice %arg10[%dma_wait3A_82, %dma_wait3A_83, %dma_wait3A_84] : memref<2x128x128xf32, #tpu.memory_space<vmem>> -> memref<1x16x128xf32, #tpu.memory_space<vmem>>
    %dma_wait3A_86 = tpu.memref_squeeze %dma_wait3A_85 : memref<1x16x128xf32, #tpu.memory_space<vmem>> -> memref<16x128xf32, #tpu.memory_space<vmem>>
    %dma_wait3A_87 = arith.constant 9984 : i32
    %dma_wait3A_88 = tpu.memref_slice %arg8[%dma_wait3A_81, %dma_wait3A_87] : memref<1x10000xi32, #tpu.memory_space<vmem>> -> memref<1x16xi32, #tpu.memory_space<vmem>>
    %dma_wait3A_89 = tpu.memref_squeeze %dma_wait3A_88 : memref<1x16xi32, #tpu.memory_space<vmem>> -> memref<16xi32, #tpu.memory_space<vmem>>
    %dma_wait3A_90 = arith.constant 0 : i32
    %dma_wait3A_91 = arith.constant 0 : i32
    %dma_wait3A_92 = tpu.memref_slice %arg3[%dma_wait3A_90, %dma_wait3A_91] : memref<10000x128xf32, #tpu.memory_space<hbm>> -> memref<10000x128xf32, #tpu.memory_space<hbm>>
    tpu.wait_indirect_dma semaphore(%arg11 : memref<!tpu.dma_semaphore, #tpu.memory_space<semaphore_mem>>) src(%dma_wait3A_92 : memref<10000x128xf32, #tpu.memory_space<hbm>>) dst(%dma_wait3A_86 : memref<16x128xf32, #tpu.memory_space<vmem>>)
    %scan3A_93 = arith.constant 0 : i32
    %scan3A_94 = arith.constant 0 : i32
    %scan3A_95 = arith.constant 16 : i32
    %scan3A_96 = arith.addi %scan3A_94, %scan3A_95 : i32
    %scan3A_97 = arith.constant 1 : i32
    scf.for %scan3A_101 = %scan3A_94 to %scan3A_96 step %scan3A_97  : i32 {
      %get3A = arith.constant 0 : i32
      %get3A_102 = arith.index_cast %get3A : i32 to index
      %get3A_103 = arith.index_cast %scan3A_101 : i32 to index
      %get3A_104 = arith.constant 0 : index
      %get3A_105 = tpu.vector_load %arg9[%get3A_102, %get3A_103, %get3A_104] {strides = array<i32>} : memref<2x128x128xf32, #tpu.memory_space<vmem>>, vector<1x1x16xf32>,
      %get3A_106 = vector.shape_cast %get3A_105 : vector<1x1x16xf32> to vector<16xf32>
      %get3A_107 = arith.constant 0 : i32
      %get3A_108 = arith.index_cast %get3A_107 : i32 to index
      %get3A_109 = arith.index_cast %scan3A_101 : i32 to index
      %get3A_110 = arith.constant 0 : index
      %get3A_111 = tpu.vector_load %arg10[%get3A_108, %get3A_109, %get3A_110] {strides = array<i32>} : memref<2x128x128xf32, #tpu.memory_space<vmem>>, vector<1x1x16xf32>,
      %get3A_112 = vector.shape_cast %get3A_111 : vector<1x1x16xf32> to vector<16xf32>
      %add3A_113 = arith.addf %get3A_106, %get3A_112 : vector<16xf32>
      %swap3A = arith.constant 0 : i32
      %swap3A_114 = arith.index_cast %swap3A : i32 to index
      %swap3A_115 = arith.index_cast %scan3A_101 : i32 to index
      %swap3A_116 = arith.constant 0 : index
      %swap3A_117 = tpu.vector_load %arg9[%swap3A_114, %swap3A_115, %swap3A_116] {strides = array<i32>} : memref<2x128x128xf32, #tpu.memory_space<vmem>>, vector<1x1x16xf32>,
      %swap3A_118 = vector.shape_cast %swap3A_117 : vector<1x1x16xf32> to vector<16xf32>
      %swap3A_119 = vector.shape_cast %add3A_113 : vector<16xf32> to vector<1x1x16xf32>
      tpu.vector_store %arg9[%swap3A_114, %swap3A_115, %swap3A_116], %swap3A_119 {strides = array<i32>} : memref<2x128x128xf32, #tpu.memory_space<vmem>>, vector<1x1x16xf32>,
      %get3A_120 = arith.constant 0 : i32
      %get3A_121 = arith.index_cast %get3A_120 : i32 to index
      %get3A_122 = arith.index_cast %scan3A_101 : i32 to index
      %get3A_123 = arith.constant 16 : index
      %get3A_124 = tpu.vector_load %arg9[%get3A_121, %get3A_122, %get3A_123] {strides = array<i32>} : memref<2x128x128xf32, #tpu.memory_space<vmem>>, vector<1x1x16xf32>,
      %get3A_125 = vector.shape_cast %get3A_124 : vector<1x1x16xf32> to vector<16xf32>
      %get3A_126 = arith.constant 0 : i32
      %get3A_127 = arith.index_cast %get3A_126 : i32 to index
      %get3A_128 = arith.index_cast %scan3A_101 : i32 to index
      %get3A_129 = arith.constant 16 : index
      %get3A_130 = tpu.vector_load %arg10[%get3A_127, %get3A_128, %get3A_129] {strides = array<i32>} : memref<2x128x128xf32, #tpu.memory_space<vmem>>, vector<1x1x16xf32>,
      %get3A_131 = vector.shape_cast %get3A_130 : vector<1x1x16xf32> to vector<16xf32>
      %add3A_132 = arith.addf %get3A_125, %get3A_131 : vector<16xf32>
      %swap3A_133 = arith.constant 0 : i32
      %swap3A_134 = arith.index_cast %swap3A_133 : i32 to index
      %swap3A_135 = arith.index_cast %scan3A_101 : i32 to index
      %swap3A_136 = arith.constant 16 : index
      %swap3A_137 = tpu.vector_load %arg9[%swap3A_134, %swap3A_135, %swap3A_136] {strides = array<i32>} : memref<2x128x128xf32, #tpu.memory_space<vmem>>, vector<1x1x16xf32>,
      %swap3A_138 = vector.shape_cast %swap3A_137 : vector<1x1x16xf32> to vector<16xf32>
      %swap3A_139 = vector.shape_cast %add3A_132 : vector<16xf32> to vector<1x1x16xf32>
      tpu.vector_store %arg9[%swap3A_134, %swap3A_135, %swap3A_136], %swap3A_139 {strides = array<i32>} : memref<2x128x128xf32, #tpu.memory_space<vmem>>, vector<1x1x16xf32>,
      %get3A_140 = arith.constant 0 : i32
      %get3A_141 = arith.index_cast %get3A_140 : i32 to index
      %get3A_142 = arith.index_cast %scan3A_101 : i32 to index
      %get3A_143 = arith.constant 32 : index
      %get3A_144 = tpu.vector_load %arg9[%get3A_141, %get3A_142, %get3A_143] {strides = array<i32>} : memref<2x128x128xf32, #tpu.memory_space<vmem>>, vector<1x1x16xf32>,
      %get3A_145 = vector.shape_cast %get3A_144 : vector<1x1x16xf32> to vector<16xf32>
      %get3A_146 = arith.constant 0 : i32
      %get3A_147 = arith.index_cast %get3A_146 : i32 to index
      %get3A_148 = arith.index_cast %scan3A_101 : i32 to index
      %get3A_149 = arith.constant 32 : index
      %get3A_150 = tpu.vector_load %arg10[%get3A_147, %get3A_148, %get3A_149] {strides = array<i32>} : memref<2x128x128xf32, #tpu.memory_space<vmem>>, vector<1x1x16xf32>,
      %get3A_151 = vector.shape_cast %get3A_150 : vector<1x1x16xf32> to vector<16xf32>
      %add3A_152 = arith.addf %get3A_145, %get3A_151 : vector<16xf32>
      %swap3A_153 = arith.constant 0 : i32
      %swap3A_154 = arith.index_cast %swap3A_153 : i32 to index
      %swap3A_155 = arith.index_cast %scan3A_101 : i32 to index
      %swap3A_156 = arith.constant 32 : index
      %swap3A_157 = tpu.vector_load %arg9[%swap3A_154, %swap3A_155, %swap3A_156] {strides = array<i32>} : memref<2x128x128xf32, #tpu.memory_space<vmem>>, vector<1x1x16xf32>,
      %swap3A_158 = vector.shape_cast %swap3A_157 : vector<1x1x16xf32> to vector<16xf32>
      %swap3A_159 = vector.shape_cast %add3A_152 : vector<16xf32> to vector<1x1x16xf32>
      tpu.vector_store %arg9[%swap3A_154, %swap3A_155, %swap3A_156], %swap3A_159 {strides = array<i32>} : memref<2x128x128xf32, #tpu.memory_space<vmem>>, vector<1x1x16xf32>,
      %get3A_160 = arith.constant 0 : i32
      %get3A_161 = arith.index_cast %get3A_160 : i32 to index
      %get3A_162 = arith.index_cast %scan3A_101 : i32 to index
      %get3A_163 = arith.constant 48 : index
      %get3A_164 = tpu.vector_load %arg9[%get3A_161, %get3A_162, %get3A_163] {strides = array<i32>} : memref<2x128x128xf32, #tpu.memory_space<vmem>>, vector<1x1x16xf32>,
      %get3A_165 = vector.shape_cast %get3A_164 : vector<1x1x16xf32> to vector<16xf32>
      %get3A_166 = arith.constant 0 : i32
      %get3A_167 = arith.index_cast %get3A_166 : i32 to index
      %get3A_168 = arith.index_cast %scan3A_101 : i32 to index
      %get3A_169 = arith.constant 48 : index
      %get3A_170 = tpu.vector_load %arg10[%get3A_167, %get3A_168, %get3A_169] {strides = array<i32>} : memref<2x128x128xf32, #tpu.memory_space<vmem>>, vector<1x1x16xf32>,
      %get3A_171 = vector.shape_cast %get3A_170 : vector<1x1x16xf32> to vector<16xf32>
      %add3A_172 = arith.addf %get3A_165, %get3A_171 : vector<16xf32>
      %swap3A_173 = arith.constant 0 : i32
      %swap3A_174 = arith.index_cast %swap3A_173 : i32 to index
      %swap3A_175 = arith.index_cast %scan3A_101 : i32 to index
      %swap3A_176 = arith.constant 48 : index
      %swap3A_177 = tpu.vector_load %arg9[%swap3A_174, %swap3A_175, %swap3A_176] {strides = array<i32>} : memref<2x128x128xf32, #tpu.memory_space<vmem>>, vector<1x1x16xf32>,
      %swap3A_178 = vector.shape_cast %swap3A_177 : vector<1x1x16xf32> to vector<16xf32>
      %swap3A_179 = vector.shape_cast %add3A_172 : vector<16xf32> to vector<1x1x16xf32>
      tpu.vector_store %arg9[%swap3A_174, %swap3A_175, %swap3A_176], %swap3A_179 {strides = array<i32>} : memref<2x128x128xf32, #tpu.memory_space<vmem>>, vector<1x1x16xf32>,
      %get3A_180 = arith.constant 0 : i32
      %get3A_181 = arith.index_cast %get3A_180 : i32 to index
      %get3A_182 = arith.index_cast %scan3A_101 : i32 to index
      %get3A_183 = arith.constant 64 : index
      %get3A_184 = tpu.vector_load %arg9[%get3A_181, %get3A_182, %get3A_183] {strides = array<i32>} : memref<2x128x128xf32, #tpu.memory_space<vmem>>, vector<1x1x16xf32>,
      %get3A_185 = vector.shape_cast %get3A_184 : vector<1x1x16xf32> to vector<16xf32>
      %get3A_186 = arith.constant 0 : i32
      %get3A_187 = arith.index_cast %get3A_186 : i32 to index
      %get3A_188 = arith.index_cast %scan3A_101 : i32 to index
      %get3A_189 = arith.constant 64 : index
      %get3A_190 = tpu.vector_load %arg10[%get3A_187, %get3A_188, %get3A_189] {strides = array<i32>} : memref<2x128x128xf32, #tpu.memory_space<vmem>>, vector<1x1x16xf32>,
      %get3A_191 = vector.shape_cast %get3A_190 : vector<1x1x16xf32> to vector<16xf32>
      %add3A_192 = arith.addf %get3A_185, %get3A_191 : vector<16xf32>
      %swap3A_193 = arith.constant 0 : i32
      %swap3A_194 = arith.index_cast %swap3A_193 : i32 to index
      %swap3A_195 = arith.index_cast %scan3A_101 : i32 to index
      %swap3A_196 = arith.constant 64 : index
      %swap3A_197 = tpu.vector_load %arg9[%swap3A_194, %swap3A_195, %swap3A_196] {strides = array<i32>} : memref<2x128x128xf32, #tpu.memory_space<vmem>>, vector<1x1x16xf32>,
      %swap3A_198 = vector.shape_cast %swap3A_197 : vector<1x1x16xf32> to vector<16xf32>
      %swap3A_199 = vector.shape_cast %add3A_192 : vector<16xf32> to vector<1x1x16xf32>
      tpu.vector_store %arg9[%swap3A_194, %swap3A_195, %swap3A_196], %swap3A_199 {strides = array<i32>} : memref<2x128x128xf32, #tpu.memory_space<vmem>>, vector<1x1x16xf32>,
      %get3A_200 = arith.constant 0 : i32
      %get3A_201 = arith.index_cast %get3A_200 : i32 to index
      %get3A_202 = arith.index_cast %scan3A_101 : i32 to index
      %get3A_203 = arith.constant 80 : index
      %get3A_204 = tpu.vector_load %arg9[%get3A_201, %get3A_202, %get3A_203] {strides = array<i32>} : memref<2x128x128xf32, #tpu.memory_space<vmem>>, vector<1x1x16xf32>,
      %get3A_205 = vector.shape_cast %get3A_204 : vector<1x1x16xf32> to vector<16xf32>
      %get3A_206 = arith.constant 0 : i32
      %get3A_207 = arith.index_cast %get3A_206 : i32 to index
      %get3A_208 = arith.index_cast %scan3A_101 : i32 to index
      %get3A_209 = arith.constant 80 : index
      %get3A_210 = tpu.vector_load %arg10[%get3A_207, %get3A_208, %get3A_209] {strides = array<i32>} : memref<2x128x128xf32, #tpu.memory_space<vmem>>, vector<1x1x16xf32>,
      %get3A_211 = vector.shape_cast %get3A_210 : vector<1x1x16xf32> to vector<16xf32>
      %add3A_212 = arith.addf %get3A_205, %get3A_211 : vector<16xf32>
      %swap3A_213 = arith.constant 0 : i32
      %swap3A_214 = arith.index_cast %swap3A_213 : i32 to index
      %swap3A_215 = arith.index_cast %scan3A_101 : i32 to index
      %swap3A_216 = arith.constant 80 : index
      %swap3A_217 = tpu.vector_load %arg9[%swap3A_214, %swap3A_215, %swap3A_216] {strides = array<i32>} : memref<2x128x128xf32, #tpu.memory_space<vmem>>, vector<1x1x16xf32>,
      %swap3A_218 = vector.shape_cast %swap3A_217 : vector<1x1x16xf32> to vector<16xf32>
      %swap3A_219 = vector.shape_cast %add3A_212 : vector<16xf32> to vector<1x1x16xf32>
      tpu.vector_store %arg9[%swap3A_214, %swap3A_215, %swap3A_216], %swap3A_219 {strides = array<i32>} : memref<2x128x128xf32, #tpu.memory_space<vmem>>, vector<1x1x16xf32>,
      %get3A_220 = arith.constant 0 : i32
      %get3A_221 = arith.index_cast %get3A_220 : i32 to index
      %get3A_222 = arith.index_cast %scan3A_101 : i32 to index
      %get3A_223 = arith.constant 96 : index
      %get3A_224 = tpu.vector_load %arg9[%get3A_221, %get3A_222, %get3A_223] {strides = array<i32>} : memref<2x128x128xf32, #tpu.memory_space<vmem>>, vector<1x1x16xf32>,
      %get3A_225 = vector.shape_cast %get3A_224 : vector<1x1x16xf32> to vector<16xf32>
      %get3A_226 = arith.constant 0 : i32
      %get3A_227 = arith.index_cast %get3A_226 : i32 to index
      %get3A_228 = arith.index_cast %scan3A_101 : i32 to index
      %get3A_229 = arith.constant 96 : index
      %get3A_230 = tpu.vector_load %arg10[%get3A_227, %get3A_228, %get3A_229] {strides = array<i32>} : memref<2x128x128xf32, #tpu.memory_space<vmem>>, vector<1x1x16xf32>,
      %get3A_231 = vector.shape_cast %get3A_230 : vector<1x1x16xf32> to vector<16xf32>
      %add3A_232 = arith.addf %get3A_225, %get3A_231 : vector<16xf32>
      %swap3A_233 = arith.constant 0 : i32
      %swap3A_234 = arith.index_cast %swap3A_233 : i32 to index
      %swap3A_235 = arith.index_cast %scan3A_101 : i32 to index
      %swap3A_236 = arith.constant 96 : index
      %swap3A_237 = tpu.vector_load %arg9[%swap3A_234, %swap3A_235, %swap3A_236] {strides = array<i32>} : memref<2x128x128xf32, #tpu.memory_space<vmem>>, vector<1x1x16xf32>,
      %swap3A_238 = vector.shape_cast %swap3A_237 : vector<1x1x16xf32> to vector<16xf32>
      %swap3A_239 = vector.shape_cast %add3A_232 : vector<16xf32> to vector<1x1x16xf32>
      tpu.vector_store %arg9[%swap3A_234, %swap3A_235, %swap3A_236], %swap3A_239 {strides = array<i32>} : memref<2x128x128xf32, #tpu.memory_space<vmem>>, vector<1x1x16xf32>,
      %get3A_240 = arith.constant 0 : i32
      %get3A_241 = arith.index_cast %get3A_240 : i32 to index
      %get3A_242 = arith.index_cast %scan3A_101 : i32 to index
      %get3A_243 = arith.constant 112 : index
      %get3A_244 = tpu.vector_load %arg9[%get3A_241, %get3A_242, %get3A_243] {strides = array<i32>} : memref<2x128x128xf32, #tpu.memory_space<vmem>>, vector<1x1x16xf32>,
      %get3A_245 = vector.shape_cast %get3A_244 : vector<1x1x16xf32> to vector<16xf32>
      %get3A_246 = arith.constant 0 : i32
      %get3A_247 = arith.index_cast %get3A_246 : i32 to index
      %get3A_248 = arith.index_cast %scan3A_101 : i32 to index
      %get3A_249 = arith.constant 112 : index
      %get3A_250 = tpu.vector_load %arg10[%get3A_247, %get3A_248, %get3A_249] {strides = array<i32>} : memref<2x128x128xf32, #tpu.memory_space<vmem>>, vector<1x1x16xf32>,
      %get3A_251 = vector.shape_cast %get3A_250 : vector<1x1x16xf32> to vector<16xf32>
      %add3A_252 = arith.addf %get3A_245, %get3A_251 : vector<16xf32>
      %swap3A_253 = arith.constant 0 : i32
      %swap3A_254 = arith.index_cast %swap3A_253 : i32 to index
      %swap3A_255 = arith.index_cast %scan3A_101 : i32 to index
      %swap3A_256 = arith.constant 112 : index
      %swap3A_257 = tpu.vector_load %arg9[%swap3A_254, %swap3A_255, %swap3A_256] {strides = array<i32>} : memref<2x128x128xf32, #tpu.memory_space<vmem>>, vector<1x1x16xf32>,
      %swap3A_258 = vector.shape_cast %swap3A_257 : vector<1x1x16xf32> to vector<16xf32>
      %swap3A_259 = vector.shape_cast %add3A_252 : vector<16xf32> to vector<1x1x16xf32>
      tpu.vector_store %arg9[%swap3A_254, %swap3A_255, %swap3A_256], %swap3A_259 {strides = array<i32>} : memref<2x128x128xf32, #tpu.memory_space<vmem>>, vector<1x1x16xf32>,
    }
    %scan3A_98 = arith.constant 16 : i32
    %add3A_99 = arith.constant 9984 : i32
    %add3A_100 = arith.addi %mul3A_2, %add3A_99 : i32
    %run_scoped3A = arith.constant 0 : i32
    "tpu.region"() ({
      %run_scoped3A_101 = tpu.sem_alloc : memref<!tpu.dma_semaphore, #tpu.memory_space<semaphore_mem>>
      %dma_start3A_102 = arith.constant 0 : i32
      %dma_start3A_103 = arith.constant 0 : i32
      %dma_start3A_104 = tpu.memref_slice %arg9[%run_scoped3A, %dma_start3A_102, %dma_start3A_103] : memref<2x128x128xf32, #tpu.memory_space<vmem>> -> memref<1x16x128xf32, #tpu.memory_space<vmem>>
      %dma_start3A_105 = tpu.memref_squeeze %dma_start3A_104 : memref<1x16x128xf32, #tpu.memory_space<vmem>> -> memref<16x128xf32, #tpu.memory_space<vmem>>
      %dma_start3A_106 = arith.constant 0 : i32
      %dma_start3A_107 = tpu.memref_slice %arg6[%add3A_100, %dma_start3A_106] : memref<320000x128xf32, #tpu.memory_space<hbm>> -> memref<16x128xf32, #tpu.memory_space<hbm>>
      %dma_start3A_108 = arith.constant 0 : i32
      %dma_start3A_109 = tpu.memref_slice %arg6[%add3A_100, %dma_start3A_108] : memref<320000x128xf32, #tpu.memory_space<hbm>> -> memref<16x128xf32, #tpu.memory_space<hbm>>
      %dma_start3A_110 = arith.constant 0 : i32
      %dma_start3A_111 = arith.constant 0 : i32
      %dma_start3A_112 = tpu.memref_slice %arg9[%run_scoped3A, %dma_start3A_110, %dma_start3A_111] : memref<2x128x128xf32, #tpu.memory_space<vmem>> -> memref<1x16x128xf32, #tpu.memory_space<vmem>>
      %dma_start3A_113 = tpu.memref_squeeze %dma_start3A_112 : memref<1x16x128xf32, #tpu.memory_space<vmem>> -> memref<16x128xf32, #tpu.memory_space<vmem>>
      tpu.enqueue_dma source(%dma_start3A_113 : memref<16x128xf32, #tpu.memory_space<vmem>>) target(%dma_start3A_109 : memref<16x128xf32, #tpu.memory_space<hbm>>) target_semaphore(%run_scoped3A_101 : memref<!tpu.dma_semaphore, #tpu.memory_space<semaphore_mem>>)
      %dma_wait3A_114 = arith.constant 0 : i32
      %dma_wait3A_115 = arith.constant 0 : i32
      %dma_wait3A_116 = tpu.memref_slice %arg9[%run_scoped3A, %dma_wait3A_114, %dma_wait3A_115] : memref<2x128x128xf32, #tpu.memory_space<vmem>> -> memref<1x16x128xf32, #tpu.memory_space<vmem>>
      %dma_wait3A_117 = tpu.memref_squeeze %dma_wait3A_116 : memref<1x16x128xf32, #tpu.memory_space<vmem>> -> memref<16x128xf32, #tpu.memory_space<vmem>>
      %dma_wait3A_118 = arith.constant 0 : i32
      %dma_wait3A_119 = tpu.memref_slice %arg6[%add3A_100, %dma_wait3A_118] : memref<320000x128xf32, #tpu.memory_space<hbm>> -> memref<16x128xf32, #tpu.memory_space<hbm>>
      %dma_wait3A_120 = arith.constant 0 : i32
      %dma_wait3A_121 = tpu.memref_slice %arg6[%add3A_100, %dma_wait3A_120] : memref<320000x128xf32, #tpu.memory_space<hbm>> -> memref<16x128xf32, #tpu.memory_space<hbm>>
      %dma_wait3A_122 = arith.constant 0 : i32
      %dma_wait3A_123 = arith.constant 0 : i32
      %dma_wait3A_124 = tpu.memref_slice %arg9[%run_scoped3A, %dma_wait3A_122, %dma_wait3A_123] : memref<2x128x128xf32, #tpu.memory_space<vmem>> -> memref<1x16x128xf32, #tpu.memory_space<vmem>>
      %dma_wait3A_125 = tpu.memref_squeeze %dma_wait3A_124 : memref<1x16x128xf32, #tpu.memory_space<vmem>> -> memref<16x128xf32, #tpu.memory_space<vmem>>
      tpu.wait_dma2 semaphore(%run_scoped3A_101 : memref<!tpu.dma_semaphore, #tpu.memory_space<semaphore_mem>>) src(%dma_wait3A_125 : memref<16x128xf32, #tpu.memory_space<vmem>>) dst(%dma_wait3A_121 : memref<16x128xf32, #tpu.memory_space<hbm>>)
      tpu.yield
    }) : () -> ()
    return
  }
}

module attributes {stable_mosaic.version = 14 : i64} {
  func.func @_pre_body(%arg0: i32, %arg1: memref<1000x128xf32, #tpu.memory_space<vmem>>, %arg2: memref<128x128xf32, #tpu.memory_space<vmem>>, %arg3: memref<128x128xf32, #tpu.memory_space<vmem>>, %arg4: memref<128xf32, #tpu.memory_space<vmem>>, %arg5: memref<1000x128xf32, #tpu.memory_space<vmem>>, %arg6: memref<1000x128xf32, #tpu.memory_space<vmem>>) attributes {dimension_semantics = [#tpu.dimension_semantics<arbitrary>], iteration_bounds = array<i64: 10>, scalar_prefetch = 0 : i64, scratch_operands = 0 : i64, tpu.core_type = #tpu.core_type<tc>, window_params = [{transform_indices = @transform_0, window_bounds = array<i64: 1000, 128>}, {pipeline_mode = #tpu.pipeline_mode<synchronous>, transform_indices = @transform_1, window_bounds = array<i64: 128, 128>}, {pipeline_mode = #tpu.pipeline_mode<synchronous>, transform_indices = @transform_2, window_bounds = array<i64: 128, 128>}, {pipeline_mode = #tpu.pipeline_mode<synchronous>, transform_indices = @transform_3, window_bounds = array<i64: 128>}, {transform_indices = @transform_4, window_bounds = array<i64: 1000, 128>}, {transform_indices = @transform_5, window_bounds = array<i64: 1000, 128>}]} {
    %get3A = arith.constant 0 : index
    %get3A_0 = arith.constant 0 : index
    %get3A_1 = vector.load %arg1[%get3A, %get3A_0] : memref<1000x128xf32, #tpu.memory_space<vmem>>, vector<1000x128xf32>
    %get3A_2 = arith.constant 0 : index
    %get3A_3 = arith.constant 0 : index
    %get3A_4 = vector.load %arg2[%get3A_2, %get3A_3] : memref<128x128xf32, #tpu.memory_space<vmem>>, vector<128x128xf32>
    %convert_element_type3A = arith.truncf %get3A_1 : vector<1000x128xf32> to vector<1000x128xbf16>
    %convert_element_type3A_5 = arith.truncf %get3A_4 : vector<128x128xf32> to vector<128x128xbf16>
    %dot_general3A = arith.constant dense<0.000000e+00> : vector<1000x128xf32>
    %dot_general3A_6 = tpu.matmul %convert_element_type3A, %convert_element_type3A_5, %dot_general3A {dimension_numbers = #tpu.dot_dimension_numbers<[1], [0], [0], [1], [0, 0, 1, 1], [], []>, transpose_lhs_hint = false} : vector<1000x128xbf16>, vector<128x128xbf16>, vector<1000x128xf32> -> vector<1000x128xf32>
    %swap3A = arith.constant 0 : index
    %swap3A_7 = arith.constant 0 : index
    %swap3A_8 = vector.load %arg5[%swap3A, %swap3A_7] : memref<1000x128xf32, #tpu.memory_space<vmem>>, vector<1000x128xf32>
    tpu.vector_store %arg5[%swap3A, %swap3A_7], %dot_general3A_6 {strides = array<i32>} : memref<1000x128xf32, #tpu.memory_space<vmem>>, vector<1000x128xf32>,
    %get3A_9 = arith.constant 0 : index
    %get3A_10 = arith.constant 0 : index
    %get3A_11 = vector.load %arg3[%get3A_9, %get3A_10] : memref<128x128xf32, #tpu.memory_space<vmem>>, vector<128x128xf32>
    %convert_element_type3A_12 = arith.truncf %get3A_1 : vector<1000x128xf32> to vector<1000x128xbf16>
    %convert_element_type3A_13 = arith.truncf %get3A_11 : vector<128x128xf32> to vector<128x128xbf16>
    %dot_general3A_14 = arith.constant dense<0.000000e+00> : vector<1000x128xf32>
    %dot_general3A_15 = tpu.matmul %convert_element_type3A_12, %convert_element_type3A_13, %dot_general3A_14 {dimension_numbers = #tpu.dot_dimension_numbers<[1], [0], [0], [1], [0, 0, 1, 1], [], []>, transpose_lhs_hint = false} : vector<1000x128xbf16>, vector<128x128xbf16>, vector<1000x128xf32> -> vector<1000x128xf32>
    %get3A_16 = arith.constant 0 : index
    %get3A_17 = vector.load %arg4[%get3A_16] : memref<128xf32, #tpu.memory_space<vmem>>, vector<128xf32>
    %broadcast_in_dim3A = vector.shape_cast %get3A_17 : vector<128xf32> to vector<1x128xf32>
    %add3A = vector.broadcast %broadcast_in_dim3A : vector<1x128xf32> to vector<1000x128xf32>
    %add3A_18 = arith.addf %dot_general3A_15, %add3A : vector<1000x128xf32>
    %swap3A_19 = arith.constant 0 : index
    %swap3A_20 = arith.constant 0 : index
    %swap3A_21 = vector.load %arg6[%swap3A_19, %swap3A_20] : memref<1000x128xf32, #tpu.memory_space<vmem>>, vector<1000x128xf32>
    tpu.vector_store %arg6[%swap3A_19, %swap3A_20], %add3A_18 {strides = array<i32>} : memref<1000x128xf32, #tpu.memory_space<vmem>>, vector<1000x128xf32>,
    return
  }
  func.func @transform_0(%arg0: i32) -> (i32, i32) {
    %c0_i32 = arith.constant 0 : i32
    %c0_i32_0 = arith.constant 0 : i32
    return %arg0, %c0_i32 : i32, i32
  }
  func.func @transform_1(%arg0: i32) -> (i32, i32) {
    %c0_i32 = arith.constant 0 : i32
    %c0_i32_0 = arith.constant 0 : i32
    %c0_i32_1 = arith.constant 0 : i32
    return %c0_i32, %c0_i32_0 : i32, i32
  }
  func.func @transform_2(%arg0: i32) -> (i32, i32) {
    %c0_i32 = arith.constant 0 : i32
    %c0_i32_0 = arith.constant 0 : i32
    %c0_i32_1 = arith.constant 0 : i32
    return %c0_i32, %c0_i32_0 : i32, i32
  }
  func.func @transform_3(%arg0: i32) -> i32 {
    %c0_i32 = arith.constant 0 : i32
    %c0_i32_0 = arith.constant 0 : i32
    return %c0_i32 : i32
  }
  func.func @transform_4(%arg0: i32) -> (i32, i32) {
    %c0_i32 = arith.constant 0 : i32
    %c0_i32_0 = arith.constant 0 : i32
    return %arg0, %c0_i32 : i32, i32
  }
  func.func @transform_5(%arg0: i32) -> (i32, i32) {
    %c0_i32 = arith.constant 0 : i32
    %c0_i32_0 = arith.constant 0 : i32
    return %arg0, %c0_i32 : i32, i32
  }
}

module attributes {stable_mosaic.version = 14 : i64} {
  func.func @_edge_body(%arg0: i32, %arg1: memref<2000x128xf32, #tpu.memory_space<vmem>>, %arg2: memref<2000x128xf32, #tpu.memory_space<vmem>>, %arg3: memref<128x128xf32, #tpu.memory_space<vmem>>, %arg4: memref<128x128xf32, #tpu.memory_space<vmem>>, %arg5: memref<128xf32, #tpu.memory_space<vmem>>, %arg6: memref<128xf32, #tpu.memory_space<vmem>>, %arg7: memref<128xf32, #tpu.memory_space<vmem>>, %arg8: memref<2000x128xf32, #tpu.memory_space<vmem>>, %arg9: memref<2000x128xf32, #tpu.memory_space<vmem>>) attributes {dimension_semantics = [#tpu.dimension_semantics<arbitrary>], iteration_bounds = array<i64: 160>, scalar_prefetch = 0 : i64, scratch_operands = 0 : i64, tpu.core_type = #tpu.core_type<tc>, window_params = [{transform_indices = @transform_0, window_bounds = array<i64: 2000, 128>}, {transform_indices = @transform_1, window_bounds = array<i64: 2000, 128>}, {pipeline_mode = #tpu.pipeline_mode<synchronous>, transform_indices = @transform_2, window_bounds = array<i64: 128, 128>}, {pipeline_mode = #tpu.pipeline_mode<synchronous>, transform_indices = @transform_3, window_bounds = array<i64: 128, 128>}, {pipeline_mode = #tpu.pipeline_mode<synchronous>, transform_indices = @transform_4, window_bounds = array<i64: 128>}, {pipeline_mode = #tpu.pipeline_mode<synchronous>, transform_indices = @transform_5, window_bounds = array<i64: 128>}, {pipeline_mode = #tpu.pipeline_mode<synchronous>, transform_indices = @transform_6, window_bounds = array<i64: 128>}, {transform_indices = @transform_7, window_bounds = array<i64: 2000, 128>}, {transform_indices = @transform_8, window_bounds = array<i64: 2000, 128>}]} {
    %get3A = arith.constant 0 : index
    %get3A_0 = arith.constant 0 : index
    %get3A_1 = vector.load %arg2[%get3A, %get3A_0] : memref<2000x128xf32, #tpu.memory_space<vmem>>, vector<2000x128xf32>
    %get3A_2 = arith.constant 0 : index
    %get3A_3 = arith.constant 0 : index
    %get3A_4 = vector.load %arg1[%get3A_2, %get3A_3] : memref<2000x128xf32, #tpu.memory_space<vmem>>, vector<2000x128xf32>
    %get3A_5 = arith.constant 0 : index
    %get3A_6 = arith.constant 0 : index
    %get3A_7 = vector.load %arg3[%get3A_5, %get3A_6] : memref<128x128xf32, #tpu.memory_space<vmem>>, vector<128x128xf32>
    %convert_element_type3A = arith.truncf %get3A_1 : vector<2000x128xf32> to vector<2000x128xbf16>
    %convert_element_type3A_8 = arith.truncf %get3A_7 : vector<128x128xf32> to vector<128x128xbf16>
    %dot_general3A = arith.constant dense<0.000000e+00> : vector<2000x128xf32>
    %dot_general3A_9 = tpu.matmul %convert_element_type3A, %convert_element_type3A_8, %dot_general3A {dimension_numbers = #tpu.dot_dimension_numbers<[1], [0], [0], [1], [0, 0, 1, 1], [], []>, transpose_lhs_hint = false} : vector<2000x128xbf16>, vector<128x128xbf16>, vector<2000x128xf32> -> vector<2000x128xf32>
    %add3A = arith.addf %get3A_4, %dot_general3A_9 : vector<2000x128xf32>
    %max3A = arith.constant 0.000000e+00 : f32
    %max3A_10 = vector.broadcast %max3A : f32 to vector<2000x128xf32>
    %max3A_11 = arith.maximumf %add3A, %max3A_10 : vector<2000x128xf32>
    %get3A_12 = arith.constant 0 : index
    %get3A_13 = arith.constant 0 : index
    %get3A_14 = vector.load %arg4[%get3A_12, %get3A_13] : memref<128x128xf32, #tpu.memory_space<vmem>>, vector<128x128xf32>
    %convert_element_type3A_15 = arith.truncf %max3A_11 : vector<2000x128xf32> to vector<2000x128xbf16>
    %convert_element_type3A_16 = arith.truncf %get3A_14 : vector<128x128xf32> to vector<128x128xbf16>
    %dot_general3A_17 = arith.constant dense<0.000000e+00> : vector<2000x128xf32>
    %dot_general3A_18 = tpu.matmul %convert_element_type3A_15, %convert_element_type3A_16, %dot_general3A_17 {dimension_numbers = #tpu.dot_dimension_numbers<[1], [0], [0], [1], [0, 0, 1, 1], [], []>, transpose_lhs_hint = false} : vector<2000x128xbf16>, vector<128x128xbf16>, vector<2000x128xf32> -> vector<2000x128xf32>
    %get3A_19 = arith.constant 0 : index
    %get3A_20 = vector.load %arg5[%get3A_19] : memref<128xf32, #tpu.memory_space<vmem>>, vector<128xf32>
    %broadcast_in_dim3A = vector.shape_cast %get3A_20 : vector<128xf32> to vector<1x128xf32>
    %add3A_21 = vector.broadcast %broadcast_in_dim3A : vector<1x128xf32> to vector<2000x128xf32>
    %add3A_22 = arith.addf %dot_general3A_18, %add3A_21 : vector<2000x128xf32>
    %get3A_23 = arith.constant 0 : index
    %get3A_24 = vector.load %arg6[%get3A_23] : memref<128xf32, #tpu.memory_space<vmem>>, vector<128xf32>
    %get3A_25 = arith.constant 0 : index
    %get3A_26 = vector.load %arg7[%get3A_25] : memref<128xf32, #tpu.memory_space<vmem>>, vector<128xf32>
    %reduce_sum3A = arith.constant dense<0.000000e+00> : vector<2000xf32>
    %reduce_sum3A_27 = vector.multi_reduction <add>, %add3A_22, %reduce_sum3A [1] : vector<2000x128xf32> to vector<2000xf32>
    %broadcast_in_dim3A_28 = vector.shape_cast %reduce_sum3A_27 : vector<2000xf32> to vector<2000x1xf32>
    %div3A = arith.constant 1.280000e+02 : f32
    %div3A_29 = vector.broadcast %div3A : f32 to vector<2000x1xf32>
    %div3A_30 = arith.divf %broadcast_in_dim3A_28, %div3A_29 : vector<2000x1xf32>
    %sub3A = vector.broadcast %div3A_30 : vector<2000x1xf32> to vector<2000x128xf32>
    %sub3A_31 = arith.subf %add3A_22, %sub3A : vector<2000x128xf32>
    %sub3A_32 = vector.broadcast %div3A_30 : vector<2000x1xf32> to vector<2000x128xf32>
    %sub3A_33 = arith.subf %add3A_22, %sub3A_32 : vector<2000x128xf32>
    %mul3A = arith.mulf %sub3A_31, %sub3A_33 : vector<2000x128xf32>
    %reduce_sum3A_34 = arith.constant dense<0.000000e+00> : vector<2000xf32>
    %reduce_sum3A_35 = vector.multi_reduction <add>, %mul3A, %reduce_sum3A_34 [1] : vector<2000x128xf32> to vector<2000xf32>
    %broadcast_in_dim3A_36 = vector.shape_cast %reduce_sum3A_35 : vector<2000xf32> to vector<2000x1xf32>
    %div3A_37 = arith.constant 1.280000e+02 : f32
    %div3A_38 = vector.broadcast %div3A_37 : f32 to vector<2000x1xf32>
    %div3A_39 = arith.divf %broadcast_in_dim3A_36, %div3A_38 : vector<2000x1xf32>
    %sub3A_40 = vector.broadcast %div3A_30 : vector<2000x1xf32> to vector<2000x128xf32>
    %sub3A_41 = arith.subf %add3A_22, %sub3A_40 : vector<2000x128xf32>
    %add3A_42 = arith.constant 9.99999974E-6 : f32
    %add3A_43 = vector.broadcast %add3A_42 : f32 to vector<2000x1xf32>
    %add3A_44 = arith.addf %div3A_39, %add3A_43 : vector<2000x1xf32>
    %rsqrt3A = math.rsqrt %add3A_44 : vector<2000x1xf32>
    %mul3A_45 = vector.broadcast %rsqrt3A : vector<2000x1xf32> to vector<2000x128xf32>
    %mul3A_46 = arith.mulf %sub3A_41, %mul3A_45 : vector<2000x128xf32>
    %broadcast_in_dim3A_47 = vector.shape_cast %get3A_24 : vector<128xf32> to vector<1x128xf32>
    %mul3A_48 = vector.broadcast %broadcast_in_dim3A_47 : vector<1x128xf32> to vector<2000x128xf32>
    %mul3A_49 = arith.mulf %mul3A_46, %mul3A_48 : vector<2000x128xf32>
    %broadcast_in_dim3A_50 = vector.shape_cast %get3A_26 : vector<128xf32> to vector<1x128xf32>
    %add3A_51 = vector.broadcast %broadcast_in_dim3A_50 : vector<1x128xf32> to vector<2000x128xf32>
    %add3A_52 = arith.addf %mul3A_49, %add3A_51 : vector<2000x128xf32>
    %swap3A = arith.constant 0 : index
    %swap3A_53 = arith.constant 0 : index
    %swap3A_54 = vector.load %arg8[%swap3A, %swap3A_53] : memref<2000x128xf32, #tpu.memory_space<vmem>>, vector<2000x128xf32>
    tpu.vector_store %arg8[%swap3A, %swap3A_53], %add3A_52 {strides = array<i32>} : memref<2000x128xf32, #tpu.memory_space<vmem>>, vector<2000x128xf32>,
    %add3A_55 = arith.addf %get3A_1, %add3A_52 : vector<2000x128xf32>
    %swap3A_56 = arith.constant 0 : index
    %swap3A_57 = arith.constant 0 : index
    %swap3A_58 = vector.load %arg9[%swap3A_56, %swap3A_57] : memref<2000x128xf32, #tpu.memory_space<vmem>>, vector<2000x128xf32>
    tpu.vector_store %arg9[%swap3A_56, %swap3A_57], %add3A_55 {strides = array<i32>} : memref<2000x128xf32, #tpu.memory_space<vmem>>, vector<2000x128xf32>,
    return
  }
  func.func @transform_0(%arg0: i32) -> (i32, i32) {
    %c0_i32 = arith.constant 0 : i32
    %c0_i32_0 = arith.constant 0 : i32
    return %arg0, %c0_i32 : i32, i32
  }
  func.func @transform_1(%arg0: i32) -> (i32, i32) {
    %c0_i32 = arith.constant 0 : i32
    %c0_i32_0 = arith.constant 0 : i32
    return %arg0, %c0_i32 : i32, i32
  }
  func.func @transform_2(%arg0: i32) -> (i32, i32) {
    %c0_i32 = arith.constant 0 : i32
    %c0_i32_0 = arith.constant 0 : i32
    %c0_i32_1 = arith.constant 0 : i32
    return %c0_i32, %c0_i32_0 : i32, i32
  }
  func.func @transform_3(%arg0: i32) -> (i32, i32) {
    %c0_i32 = arith.constant 0 : i32
    %c0_i32_0 = arith.constant 0 : i32
    %c0_i32_1 = arith.constant 0 : i32
    return %c0_i32, %c0_i32_0 : i32, i32
  }
  func.func @transform_4(%arg0: i32) -> i32 {
    %c0_i32 = arith.constant 0 : i32
    %c0_i32_0 = arith.constant 0 : i32
    return %c0_i32 : i32
  }
  func.func @transform_5(%arg0: i32) -> i32 {
    %c0_i32 = arith.constant 0 : i32
    %c0_i32_0 = arith.constant 0 : i32
    return %c0_i32 : i32
  }
  func.func @transform_6(%arg0: i32) -> i32 {
    %c0_i32 = arith.constant 0 : i32
    %c0_i32_0 = arith.constant 0 : i32
    return %c0_i32 : i32
  }
  func.func @transform_7(%arg0: i32) -> (i32, i32) {
    %c0_i32 = arith.constant 0 : i32
    %c0_i32_0 = arith.constant 0 : i32
    return %arg0, %c0_i32 : i32, i32
  }
  func.func @transform_8(%arg0: i32) -> (i32, i32) {
    %c0_i32 = arith.constant 0 : i32
    %c0_i32_0 = arith.constant 0 : i32
    return %arg0, %c0_i32 : i32, i32
  }
}

module attributes {stable_mosaic.version = 14 : i64} {
  func.func @_node_body(%arg0: i32, %arg1: memref<1000x128xf32, #tpu.memory_space<vmem>>, %arg2: memref<1000x128xf32, #tpu.memory_space<vmem>>, %arg3: memref<1000x128xf32, #tpu.memory_space<vmem>>, %arg4: memref<128x128xf32, #tpu.memory_space<vmem>>, %arg5: memref<128x128xf32, #tpu.memory_space<vmem>>, %arg6: memref<128xf32, #tpu.memory_space<vmem>>, %arg7: memref<128x128xf32, #tpu.memory_space<vmem>>, %arg8: memref<128xf32, #tpu.memory_space<vmem>>, %arg9: memref<128xf32, #tpu.memory_space<vmem>>, %arg10: memref<128xf32, #tpu.memory_space<vmem>>, %arg11: memref<1000x128xf32, #tpu.memory_space<vmem>>) attributes {dimension_semantics = [#tpu.dimension_semantics<arbitrary>], iteration_bounds = array<i64: 10>, scalar_prefetch = 0 : i64, scratch_operands = 0 : i64, tpu.core_type = #tpu.core_type<tc>, window_params = [{transform_indices = @transform_0, window_bounds = array<i64: 1000, 128>}, {transform_indices = @transform_1, window_bounds = array<i64: 1000, 128>}, {transform_indices = @transform_2, window_bounds = array<i64: 1000, 128>}, {pipeline_mode = #tpu.pipeline_mode<synchronous>, transform_indices = @transform_3, window_bounds = array<i64: 128, 128>}, {pipeline_mode = #tpu.pipeline_mode<synchronous>, transform_indices = @transform_4, window_bounds = array<i64: 128, 128>}, {pipeline_mode = #tpu.pipeline_mode<synchronous>, transform_indices = @transform_5, window_bounds = array<i64: 128>}, {pipeline_mode = #tpu.pipeline_mode<synchronous>, transform_indices = @transform_6, window_bounds = array<i64: 128, 128>}, {pipeline_mode = #tpu.pipeline_mode<synchronous>, transform_indices = @transform_7, window_bounds = array<i64: 128>}, {pipeline_mode = #tpu.pipeline_mode<synchronous>, transform_indices = @transform_8, window_bounds = array<i64: 128>}, {pipeline_mode = #tpu.pipeline_mode<synchronous>, transform_indices = @transform_9, window_bounds = array<i64: 128>}, {transform_indices = @transform_10, window_bounds = array<i64: 1000, 128>}]} {
    %get3A = arith.constant 0 : index
    %get3A_0 = arith.constant 0 : index
    %get3A_1 = vector.load %arg1[%get3A, %get3A_0] : memref<1000x128xf32, #tpu.memory_space<vmem>>, vector<1000x128xf32>
    %get3A_2 = arith.constant 0 : index
    %get3A_3 = arith.constant 0 : index
    %get3A_4 = vector.load %arg2[%get3A_2, %get3A_3] : memref<1000x128xf32, #tpu.memory_space<vmem>>, vector<1000x128xf32>
    %get3A_5 = arith.constant 0 : index
    %get3A_6 = arith.constant 0 : index
    %get3A_7 = vector.load %arg3[%get3A_5, %get3A_6] : memref<1000x128xf32, #tpu.memory_space<vmem>>, vector<1000x128xf32>
    %add3A = arith.addf %get3A_4, %get3A_7 : vector<1000x128xf32>
    %get3A_8 = arith.constant 0 : index
    %get3A_9 = arith.constant 0 : index
    %get3A_10 = vector.load %arg4[%get3A_8, %get3A_9] : memref<128x128xf32, #tpu.memory_space<vmem>>, vector<128x128xf32>
    %convert_element_type3A = arith.truncf %get3A_1 : vector<1000x128xf32> to vector<1000x128xbf16>
    %convert_element_type3A_11 = arith.truncf %get3A_10 : vector<128x128xf32> to vector<128x128xbf16>
    %dot_general3A = arith.constant dense<0.000000e+00> : vector<1000x128xf32>
    %dot_general3A_12 = tpu.matmul %convert_element_type3A, %convert_element_type3A_11, %dot_general3A {dimension_numbers = #tpu.dot_dimension_numbers<[1], [0], [0], [1], [0, 0, 1, 1], [], []>, transpose_lhs_hint = false} : vector<1000x128xbf16>, vector<128x128xbf16>, vector<1000x128xf32> -> vector<1000x128xf32>
    %get3A_13 = arith.constant 0 : index
    %get3A_14 = arith.constant 0 : index
    %get3A_15 = vector.load %arg5[%get3A_13, %get3A_14] : memref<128x128xf32, #tpu.memory_space<vmem>>, vector<128x128xf32>
    %convert_element_type3A_16 = arith.truncf %add3A : vector<1000x128xf32> to vector<1000x128xbf16>
    %convert_element_type3A_17 = arith.truncf %get3A_15 : vector<128x128xf32> to vector<128x128xbf16>
    %dot_general3A_18 = arith.constant dense<0.000000e+00> : vector<1000x128xf32>
    %dot_general3A_19 = tpu.matmul %convert_element_type3A_16, %convert_element_type3A_17, %dot_general3A_18 {dimension_numbers = #tpu.dot_dimension_numbers<[1], [0], [0], [1], [0, 0, 1, 1], [], []>, transpose_lhs_hint = false} : vector<1000x128xbf16>, vector<128x128xbf16>, vector<1000x128xf32> -> vector<1000x128xf32>
    %add3A_20 = arith.addf %dot_general3A_12, %dot_general3A_19 : vector<1000x128xf32>
    %get3A_21 = arith.constant 0 : index
    %get3A_22 = vector.load %arg6[%get3A_21] : memref<128xf32, #tpu.memory_space<vmem>>, vector<128xf32>
    %broadcast_in_dim3A = vector.shape_cast %get3A_22 : vector<128xf32> to vector<1x128xf32>
    %add3A_23 = vector.broadcast %broadcast_in_dim3A : vector<1x128xf32> to vector<1000x128xf32>
    %add3A_24 = arith.addf %add3A_20, %add3A_23 : vector<1000x128xf32>
    %max3A = arith.constant 0.000000e+00 : f32
    %max3A_25 = vector.broadcast %max3A : f32 to vector<1000x128xf32>
    %max3A_26 = arith.maximumf %add3A_24, %max3A_25 : vector<1000x128xf32>
    %get3A_27 = arith.constant 0 : index
    %get3A_28 = arith.constant 0 : index
    %get3A_29 = vector.load %arg7[%get3A_27, %get3A_28] : memref<128x128xf32, #tpu.memory_space<vmem>>, vector<128x128xf32>
    %convert_element_type3A_30 = arith.truncf %max3A_26 : vector<1000x128xf32> to vector<1000x128xbf16>
    %convert_element_type3A_31 = arith.truncf %get3A_29 : vector<128x128xf32> to vector<128x128xbf16>
    %dot_general3A_32 = arith.constant dense<0.000000e+00> : vector<1000x128xf32>
    %dot_general3A_33 = tpu.matmul %convert_element_type3A_30, %convert_element_type3A_31, %dot_general3A_32 {dimension_numbers = #tpu.dot_dimension_numbers<[1], [0], [0], [1], [0, 0, 1, 1], [], []>, transpose_lhs_hint = false} : vector<1000x128xbf16>, vector<128x128xbf16>, vector<1000x128xf32> -> vector<1000x128xf32>
    %get3A_34 = arith.constant 0 : index
    %get3A_35 = vector.load %arg8[%get3A_34] : memref<128xf32, #tpu.memory_space<vmem>>, vector<128xf32>
    %broadcast_in_dim3A_36 = vector.shape_cast %get3A_35 : vector<128xf32> to vector<1x128xf32>
    %add3A_37 = vector.broadcast %broadcast_in_dim3A_36 : vector<1x128xf32> to vector<1000x128xf32>
    %add3A_38 = arith.addf %dot_general3A_33, %add3A_37 : vector<1000x128xf32>
    %get3A_39 = arith.constant 0 : index
    %get3A_40 = vector.load %arg9[%get3A_39] : memref<128xf32, #tpu.memory_space<vmem>>, vector<128xf32>
    %get3A_41 = arith.constant 0 : index
    %get3A_42 = vector.load %arg10[%get3A_41] : memref<128xf32, #tpu.memory_space<vmem>>, vector<128xf32>
    %reduce_sum3A = arith.constant dense<0.000000e+00> : vector<1000xf32>
    %reduce_sum3A_43 = vector.multi_reduction <add>, %add3A_38, %reduce_sum3A [1] : vector<1000x128xf32> to vector<1000xf32>
    %broadcast_in_dim3A_44 = vector.shape_cast %reduce_sum3A_43 : vector<1000xf32> to vector<1000x1xf32>
    %div3A = arith.constant 1.280000e+02 : f32
    %div3A_45 = vector.broadcast %div3A : f32 to vector<1000x1xf32>
    %div3A_46 = arith.divf %broadcast_in_dim3A_44, %div3A_45 : vector<1000x1xf32>
    %sub3A = vector.broadcast %div3A_46 : vector<1000x1xf32> to vector<1000x128xf32>
    %sub3A_47 = arith.subf %add3A_38, %sub3A : vector<1000x128xf32>
    %sub3A_48 = vector.broadcast %div3A_46 : vector<1000x1xf32> to vector<1000x128xf32>
    %sub3A_49 = arith.subf %add3A_38, %sub3A_48 : vector<1000x128xf32>
    %mul3A = arith.mulf %sub3A_47, %sub3A_49 : vector<1000x128xf32>
    %reduce_sum3A_50 = arith.constant dense<0.000000e+00> : vector<1000xf32>
    %reduce_sum3A_51 = vector.multi_reduction <add>, %mul3A, %reduce_sum3A_50 [1] : vector<1000x128xf32> to vector<1000xf32>
    %broadcast_in_dim3A_52 = vector.shape_cast %reduce_sum3A_51 : vector<1000xf32> to vector<1000x1xf32>
    %div3A_53 = arith.constant 1.280000e+02 : f32
    %div3A_54 = vector.broadcast %div3A_53 : f32 to vector<1000x1xf32>
    %div3A_55 = arith.divf %broadcast_in_dim3A_52, %div3A_54 : vector<1000x1xf32>
    %sub3A_56 = vector.broadcast %div3A_46 : vector<1000x1xf32> to vector<1000x128xf32>
    %sub3A_57 = arith.subf %add3A_38, %sub3A_56 : vector<1000x128xf32>
    %add3A_58 = arith.constant 9.99999974E-6 : f32
    %add3A_59 = vector.broadcast %add3A_58 : f32 to vector<1000x1xf32>
    %add3A_60 = arith.addf %div3A_55, %add3A_59 : vector<1000x1xf32>
    %rsqrt3A = math.rsqrt %add3A_60 : vector<1000x1xf32>
    %mul3A_61 = vector.broadcast %rsqrt3A : vector<1000x1xf32> to vector<1000x128xf32>
    %mul3A_62 = arith.mulf %sub3A_57, %mul3A_61 : vector<1000x128xf32>
    %broadcast_in_dim3A_63 = vector.shape_cast %get3A_40 : vector<128xf32> to vector<1x128xf32>
    %mul3A_64 = vector.broadcast %broadcast_in_dim3A_63 : vector<1x128xf32> to vector<1000x128xf32>
    %mul3A_65 = arith.mulf %mul3A_62, %mul3A_64 : vector<1000x128xf32>
    %broadcast_in_dim3A_66 = vector.shape_cast %get3A_42 : vector<128xf32> to vector<1x128xf32>
    %add3A_67 = vector.broadcast %broadcast_in_dim3A_66 : vector<1x128xf32> to vector<1000x128xf32>
    %add3A_68 = arith.addf %mul3A_65, %add3A_67 : vector<1000x128xf32>
    %add3A_69 = arith.addf %get3A_1, %add3A_68 : vector<1000x128xf32>
    %swap3A = arith.constant 0 : index
    %swap3A_70 = arith.constant 0 : index
    %swap3A_71 = vector.load %arg11[%swap3A, %swap3A_70] : memref<1000x128xf32, #tpu.memory_space<vmem>>, vector<1000x128xf32>
    tpu.vector_store %arg11[%swap3A, %swap3A_70], %add3A_69 {strides = array<i32>} : memref<1000x128xf32, #tpu.memory_space<vmem>>, vector<1000x128xf32>,
    return
  }
  func.func @transform_0(%arg0: i32) -> (i32, i32) {
    %c0_i32 = arith.constant 0 : i32
    %c0_i32_0 = arith.constant 0 : i32
    return %arg0, %c0_i32 : i32, i32
  }
  func.func @transform_1(%arg0: i32) -> (i32, i32) {
    %c0_i32 = arith.constant 0 : i32
    %c0_i32_0 = arith.constant 0 : i32
    return %arg0, %c0_i32 : i32, i32
  }
  func.func @transform_2(%arg0: i32) -> (i32, i32) {
    %c0_i32 = arith.constant 0 : i32
    %c0_i32_0 = arith.constant 0 : i32
    return %arg0, %c0_i32 : i32, i32
  }
  func.func @transform_3(%arg0: i32) -> (i32, i32) {
    %c0_i32 = arith.constant 0 : i32
    %c0_i32_0 = arith.constant 0 : i32
    %c0_i32_1 = arith.constant 0 : i32
    return %c0_i32, %c0_i32_0 : i32, i32
  }
  func.func @transform_4(%arg0: i32) -> (i32, i32) {
    %c0_i32 = arith.constant 0 : i32
    %c0_i32_0 = arith.constant 0 : i32
    %c0_i32_1 = arith.constant 0 : i32
    return %c0_i32, %c0_i32_0 : i32, i32
  }
  func.func @transform_5(%arg0: i32) -> i32 {
    %c0_i32 = arith.constant 0 : i32
    %c0_i32_0 = arith.constant 0 : i32
    return %c0_i32 : i32
  }
  func.func @transform_6(%arg0: i32) -> (i32, i32) {
    %c0_i32 = arith.constant 0 : i32
    %c0_i32_0 = arith.constant 0 : i32
    %c0_i32_1 = arith.constant 0 : i32
    return %c0_i32, %c0_i32_0 : i32, i32
  }
  func.func @transform_7(%arg0: i32) -> i32 {
    %c0_i32 = arith.constant 0 : i32
    %c0_i32_0 = arith.constant 0 : i32
    return %c0_i32 : i32
  }
  func.func @transform_8(%arg0: i32) -> i32 {
    %c0_i32 = arith.constant 0 : i32
    %c0_i32_0 = arith.constant 0 : i32
    return %c0_i32 : i32
  }
  func.func @transform_9(%arg0: i32) -> i32 {
    %c0_i32 = arith.constant 0 : i32
    %c0_i32_0 = arith.constant 0 : i32
    return %c0_i32 : i32
  }
  func.func @transform_10(%arg0: i32) -> (i32, i32) {
    %c0_i32 = arith.constant 0 : i32
    %c0_i32_0 = arith.constant 0 : i32
    return %arg0, %c0_i32 : i32, i32
  }
}

</mosaic_0001>

<sc_bundles>
// kernel: kernel.10.cloned.1.call-start
scs
__scs_entry_jumppad:
0x0: {  	(pc) =	sbr.rel $0x88, $3  }
0x1: {  	(tag) =	ssettag $0x0;
	lr =	simm.s32 $0x1  }
0x2: {  	[smem:$0x3F92] =	sst lr;
	_ =	strace $0xD0000000  }
0x3: {  	_ = 	snop  }
0x4: {  	_ = 	snop  }
0x5: {  	_ = 	snop  }
0x6: {  	_ = 	snop  }
0x7: {  	_ = 	snop  }
__scs_overlays_trampoline_lowered:
0x8: {  	[smem:$0x3FA1] =	sst s0  }
0x9: {  	[smem:$0x3FA2] =	sst s1  }
0xa: {  	[smem:$0x3FA3] =	sst s2  }
0xb: {  	[smem:$0x3FA4] =	sst s3  }
0xc: {  	[smem:$0x3FA5] =	sst s4  }
0xd: {  	[smem:$0x3FA6] =	sst s5  }
0xe: {  	[smem:$0x3FA7] =	sst s6  }
0xf: {  	[smem:$0x3FA8] =	sst s7  }
0x10: {  	[smem:$0x3FA9] =	sst s8  }
0x11: {  	[smem:$0x3FAA] =	sst s9;
	s0 =	simm.s32 @!p0 $0x0  }
0x12: {  	s1 =	sld [smem:$0x3F90];
	s0 =	simm.s32 @p0 $0x1  }
0x13: {  	[smem:$0x3FAB] =	sst s0;
	s0 =	simm.s32 @!p1 $0x0  }
0x14: {  	s2 =	sld [smem:$0x3F8F];
	s0 =	simm.s32 @p1 $0x1  }
0x15: {  	[smem:$0x3FAC] =	sst s0;
	s0 =	simm.s32 @!p2 $0x0  }
0x16: {  	s3 =	sld [smem:$0x3FDB];
	s0 =	simm.s32 @p2 $0x1  }
0x17: {  	s4 =	simm.s32 $0x1BF5;
	[smem:$0x3FAE] =	sst s0  }
0x18: {  	s0 =	sld [smem:$0x3F91];
	_ =	swait.ge [sflag:s4], $0x0  }
0x19: {  	s7 =	sld [smem:$0x3F92]  }
0x1a: {  	s8 =	sadd.s32 $0xFFFFE003, lr  }
0x1b: {  	s9 =	sadd.s32 $0xFFFFFEF7, lr;
	s5 =	simm.s32 $0xFFFFFFFF;
	p2 =	slt.u32 s8, $0xFFFFF086  }
0x1c: {  	p1 =	slt.u32 s9, $0xF7A;
	s5 =	simm.s32 @!p2 $0x0  }
0x1d: {  	s5 =	simm.s32 @p1 $0x1;
	p0 =	seq.s32 s7, s2  }
0x1e: {  	s7 =	smul.u32 @!p0 $0xF7A, s2;
	p2 =	seq.s32 @!p0 s5, $0x0  }
0x1f: {  	s9 =	smul.u32 $0xF7A, s1;
	s8 =	simm.s32 @!p0 $0x1BF5;
	p2 =	por !p2, p0  }
0x20: {  	[sflag:s8] =	ssyncset.s32 @!p0 $0xFFFFF086;
	s6 =	sadd.s32 @!p0 s3, s7;
	s7 =	simm.s32 @!p0 $0x108  }
0x21: {  	s3 =	sadd.s32 s3, s9;
	s6 =	sadd.s32 @!p0 $0x88, s6;
	s7 =	simm.s32 @p2 $0x1082  }
0x22: {  	[simem:s7], [sflag:s8] =	dma.local @!p0 [hbm:s6], $0xF7A  }
0x23: {  	s9 =	sor.u32 $0xD0000000, s2;
	s6 =	simm.s32 $0x108;
	_ =	swait.ge @!p0 [sflag:s8], $0x0  }
0x24: {  	s3 =	sadd.s32 $0x88, s3;
	s6 =	simm.s32 @!p1 $0x1082;
	[sflag:s4] =	ssyncset.s32 $0xFFFFF086  }
0x25: {  	[simem:s6], [sflag:s4] =	dma.local [hbm:s3], $0xF7A  }
0x26: {  	[smem:$0x3F92] =	sst s1;
	(tag) =	ssettag s2;
	_ =	strace s9  }
0x27: {  	s1 =	sld [smem:$0x3FA2]  }
0x28: {  	s2 =	sld [smem:$0x3FA3]  }
0x29: {  	s4 =	sld [smem:$0x3FA5]  }
0x2a: {  	p0 =	seq.s32 s5, $0x0;
	s5 =	sld [smem:$0x3FA6]  }
0x2b: {  	s6 =	sld [smem:$0x3FA7]  }
0x2c: {  	s7 =	sld [smem:$0x3FA8]  }
0x2d: {  	s3 =	simm.s32 $0x108;
	s8 =	sld [smem:$0x3FA9]  }
0x2e: {  	s3 =	simm.s32 @!p0 $0x1082;
	s9 =	sld [smem:$0x3FAA]  }
0x2f: {  	lr =	sadd.s32 s0, s3;
	s0 =	sld [smem:$0x3FA1]  }
0x30: {  	s3 =	sld [smem:$0x3FA4]  }
0x31: {  	[smem:$0x3FAD] =	sst s10  }
0x32: {  	s10 =	sld [smem:$0x3FAB];
	_ =	sdelay $0x3  }
0x33: {  	p0 =	seq.s32 s10, $0x1;
	s10 =	sld [smem:$0x3FAD];
	_ =	sdelay $0x3  }
0x34: {  	[smem:$0x3FAD] =	sst s10  }
0x35: {  	s10 =	sld [smem:$0x3FAC];
	_ =	sdelay $0x3  }
0x36: {  	p1 =	seq.s32 s10, $0x1;
	s10 =	sld [smem:$0x3FAD];
	_ =	sdelay $0x3  }
0x37: {  	[smem:$0x3FAD] =	sst s10  }
0x38: {  	s10 =	sld [smem:$0x3FAE]  }
0x39: {  	_ = 	snop;
	(pc) =	sbr.ind lr, $3  }
0x3a: {  	_ = 	snop  }
0x3b: {  	_ = 	snop  }
0x3c: {  	p2 =	seq.s32 s10, $0x1;
	s10 =	sld [smem:$0x3FAD]  }
0x3d: {  	_ =	shalt  }
0x3e: {  	_ =	shalt  }
0x3f: {  	_ =	shalt  }
0x40: {  	_ =	shalt  }
0x41: {  	_ =	shalt  }
0x42: {  	_ =	shalt  }
0x43: {  	_ =	shalt  }
0x44: {  	_ =	shalt  }
0x45: {  	_ =	shalt  }
0x46: {  	_ =	shalt  }
0x47: {  	_ =	shalt  }
0x48: {  	_ =	shalt  }
0x49: {  	_ =	shalt  }
0x4a: {  	_ =	shalt  }
0x4b: {  	_ =	shalt  }
0x4c: {  	_ =	shalt  }
0x4d: {  	_ =	shalt  }
0x4e: {  	_ =	shalt  }
0x4f: {  	_ =	shalt  }
0x50: {  	_ =	shalt  }
0x51: {  	_ =	shalt  }
0x52: {  	_ =	shalt  }
0x53: {  	_ =	shalt  }
0x54: {  	_ =	shalt  }
0x55: {  	_ =	shalt  }
0x56: {  	_ =	shalt  }
0x57: {  	_ =	shalt  }
0x58: {  	_ =	shalt  }
0x59: {  	_ =	shalt  }
0x5a: {  	_ =	shalt  }
0x5b: {  	_ =	shalt  }
0x5c: {  	_ =	shalt  }
0x5d: {  	_ =	shalt  }
0x5e: {  	_ =	shalt  }
0x5f: {  	_ =	shalt  }
0x60: {  	_ =	shalt  }
0x61: {  	_ =	shalt  }
0x62: {  	_ =	shalt  }
0x63: {  	_ =	shalt  }
0x64: {  	_ =	shalt  }
0x65: {  	_ =	shalt  }
0x66: {  	_ =	shalt  }
0x67: {  	_ =	shalt  }
0x68: {  	_ =	shalt  }
0x69: {  	_ =	shalt  }
0x6a: {  	_ =	shalt  }
0x6b: {  	_ =	shalt  }
0x6c: {  	_ =	shalt  }
0x6d: {  	_ =	shalt  }
0x6e: {  	_ =	shalt  }
0x6f: {  	_ =	shalt  }
0x70: {  	_ =	shalt  }
0x71: {  	_ =	shalt  }
0x72: {  	_ =	shalt  }
0x73: {  	_ =	shalt  }
0x74: {  	_ =	shalt  }
0x75: {  	_ =	shalt  }
0x76: {  	_ =	shalt  }
0x77: {  	_ =	shalt  }
0x78: {  	_ =	shalt  }
0x79: {  	_ =	shalt  }
0x7a: {  	_ =	shalt  }
0x7b: {  	_ =	shalt  }
0x7c: {  	_ =	shalt  }
0x7d: {  	_ =	shalt  }
0x7e: {  	_ =	shalt  }
0x7f: {  	_ =	shalt  }
0x80: {  	_ =	shalt  }
0x81: {  	_ =	shalt  }
0x82: {  	_ =	shalt  }
0x83: {  	_ =	shalt  }
0x84: {  	_ =	shalt  }
0x85: {  	_ =	shalt  }
0x86: {  	_ =	shalt  }
0x87: {  	_ =	shalt  }
.Lfunc_end0:
.L_simem_size_0:
called_computation.1_lowered:
.L_overlay_start_0:
0x88: {  	s2 =	sld [smem:$0x3FD9]  }
0x89: {  	s3 =	sld [smem:$0x3FFE];
	_ =	sdelay $0x1  }
0x8a: {  	s1 =	srdreg.scid  }
0x8b: {  	s0 =	sand.u32 $0x1, s1  }
0x8c: {  	s16 =	sshll.u32 s0, $0xA;
	s2 =	sadd.s32 s3, s2  }
0x8d: {  	s2 =	sadd.s32 s2, s16  }
0x8e: {  	[smem:$0x3FB9] =	sst s2  }
0x8f: {  	_ = 	snop  }
0x90: {  	(tm) =	ssettm $0x1  }
0x91: {  	s17 =	sld [smem:$0x3FFB];
	_ =	sdelay $0x3  }
0x92: {  	_ =	strace s17  }
0x93: {  	s2 =	sld [smem:$0x3FFC];
	_ =	sdelay $0x3  }
0x94: {  	_ =	strace s2  }
0x95: {  	s2 =	sld [smem:$0x3FFD];
	_ =	sdelay $0x3  }
0x96: {  	_ =	strace s2  }
0x97: {  	_ =	strace $0x8FFFFFFF  }
0x98: {  	s18 =	sld [smem:$0x3FDB];
	_ =	sdelay $0x1  }
0x99: {  	s19 =	simm.s32 $_scs_section_size  }
0x9a: {  	s4 =	simm.s32 $_size__tile_overlayer_lowered;
	s5 =	simm.s32 $_tile_overlayer_lowered  }
0x9b: {  	s22 =	simm.s32 $0x1BFF;
	s21 =	sshll.u32 s5, $0x1;
	s2 =	sadd.s32 s19, s18  }
0x9c: {  	s6 =	simm.s32 $0x0;
	s20 =	sshll.u32 s4, $0x1;
	s4 =	sadd.s32 s21, s2  }
0x9d: {  	[timem:s6], [sflag:s22] =	dma.local [hbm:s4], s20  }
0x9e: {  	_ =	swait.ge [sflag:s22], s20  }
0x9f: {  	s3 =	ssub.s32 $0x0, s20;
	[sflag:s22] =	ssyncset.done $0x0  }
0xa0: {  	[sflag:s22] =	ssyncadd.s32 s3;
	_ =	sdelay $0x1  }
0xa1: {  	s23 =	simm.s32 $0x1B8B  }
0xa2: {  	_ =	swait.ge [sflag:s23], $0x1  }
0xa3: {  	[sflag:s23] =	ssyncset.done $0x0  }
0xa4: {  	s25 =	simm.s32 $0x1B8E;
	s24 =	sld [smem:$0x3FFE];
	[sflag:s23] =	ssyncadd.s32 $0xFFFFFFFF  }
0xa5: {  	s26 =	simm.s32 $execute0_lowered;
	[smem:$0x3FD2] =	sst s25  }
0xa6: {  	s4 =	sshll.u32 s26, $0x1;
	_ =	strace $0x80000049;
	[dreg:$0x1] =	wrdreg $0xFFFFFFFF  }
0xa7: {  	s28 =	simm.s32 $_size_execute0_lowered;
	s2 =	sadd.s32 s2, s4;
	[dreg:$0x0] =	wrdreg $0x0  }
0xa8: {  	s4 =	sshll.u32 s28, $0x1;
	[dreg:$0x2] =	wrdreg s2  }
0xa9: {  	[dreg:$0x3] =	wrdreg s4  }
0xaa: {  	[dreg:$0x4] =	wrdreg $0xC0  }
0xab: {  	_ =	task [dreg:s6], $0x5FFFF  }
0xac: {  	[dreg:$0x1] =	wrdreg $0xFFFFFFFF  }
0xad: {  	[dreg:$0x0] =	wrdreg $0x60  }
0xae: {  	[dreg:$0x2] =	wrdreg s24  }
0xaf: {  	[dreg:$0x3] =	wrdreg $0xA4000  }
0xb0: {  	[dreg:$0x4] =	wrdreg $0x9  }
0xb1: {  	_ =	task.clear_ibuf [dreg:s6], $0x5FFFF;
	_ =	strace $0x90000049  }
0xb2: {  	s29 =	simm.s32 $0x9;
	_ =	strace $0x8000004B  }
0xb3: {  	_ =	swait.ge [sflag:s29], $0x1  }
0xb4: {  	[sflag:s29] =	ssyncadd.s32 $0xFFFFFFFF  }
0xb5: {  	_ =	strace $0x9000004B  }
0xb6: {  	_ =	sfence  }
0xb7: {  	s30 =	sld [smem:$0x0];
	_ =	sdelay $0x2  }
0xb8: {  	s31 =	sshll.u32 s1, $0xD;
	s1 =	sshrl.u32 s1, $0x2  }
0xb9: {  	s3 =	sand.u32 $0x4000, s31;
	s1 =	sadd.s32 s1, s30  }
0xba: {  	s0 =	sor.u32 s3, s0;
	s1 =	sshll.u32 s1, $0x11  }
0xbb: {  	s0 =	sor.u32 s1, s0  }
0xbc: {  	s0 =	sadd.s32 $0x8F2B, s0  }
0xbd: {  	[sflag:s0] =	ssyncadd.remote.s32 $0x1  }
0xbe: {  	_ =	sfence.sel $0xFFFF  }
0xbf: {  	[dreg:$0x0] =	wrdreg $0xFFFFFFFF;
	(pc) =	sbr.abs _section_cstart, $3  }
0xc0: {  	[dreg:$0x1] =	wrdreg $0xFFFFFFFF  }
0xc1: {  	_ =	task.clear_ibuf [dreg:s6], $0x2FFFF;
	_ =	strace $0x9FFFFFFF  }
0xc2: {  	(tm) =	ssettm $0x7FFFFFFF  }
0xc3: {  	_ =	shalt  }
tec
execute0_lowered:
.L_overlay_start_1:
0x0: {  	(tag) =	ssettag $0x1  }
0x1: {  	s0 =	rddreg [dreg:$0x0]  }
0x2: {  	s2 =	rddreg [dreg:$0x1]  }
0x3: {  	s4 =	srdreg.scid;
	s1 =	stileid.u32  }
0x4: {  	s3 =	simm.s32 $0x0;
	s5 =	sand.u32 $0x1, s4;
	s25 =	smul.u32 $0x1F400, s1  }
0x5: {  	[smem:$0x7FF] =	sst s3;
	s6 =	smul.u32 $0x138800, s5  }
0x6: {  	s24 =	sshll.u32 s1, $0x1;
	s8 =	sadd.s32 $0x513C00, s0;
	s10 =	smul.u32 $0x7D000, s1  }
0x7: {  	s7 =	sor.u32 s5, s24;
	s26 =	ssub.s32 $0x2, s5;
	s4 =	sadd.s32 s25, s6  }
0x8: {  	s9 =	sshll.u32 s7, $0xB;
	s10 =	sshrl.u32 s10, $0x2;
	s4 =	sshrl.u32 s4, $0x3  }
0x9: {  	s9 =	sadd.s32 s9, s0;
	s0 =	sadd.s32 s4, s0;
	s4 =	sadd.s32 s10, s2  }
0xa: {  	_ =	strace $0x8000004A;
	s11 =	sshrl.u32 s26, $0x1;
	s10 =	sadd.s32 $0x1400, s4  }
0xb: {  	s6 =	ssub.s32 s26, s11;
	s11 =	sadd.s32 $0x2800, s4;
	[dreg:$0x3] =	wrdreg s10  }
0xc: {  	s12 =	sadd.s32 $0x3C00, s4;
	[dreg:$0x4] =	wrdreg s11  }
0xd: {  	s13 =	sadd.s32 $0x5000, s4;
	[dreg:$0x5] =	wrdreg s12  }
0xe: {  	s14 =	sadd.s32 $0x6400, s4;
	[dreg:$0x6] =	wrdreg s13  }
0xf: {  	s15 =	sadd.s32 $0x7800, s4;
	[dreg:$0x7] =	wrdreg s14  }
0x10: {  	s20 =	smul.u32 $0x4E200, s1;
	s16 =	sadd.s32 $0x8C00, s4;
	[dreg:$0x8] =	wrdreg s15  }
0x11: {  	p0 =	sgt.u32 s1, $0x9;
	s17 =	sadd.s32 $0xA000, s4;
	[dreg:$0x9] =	wrdreg s16  }
0x12: {  	s5 =	smul.u32 $0x27100, s5;
	s18 =	sadd.s32 $0xB400, s4;
	[dreg:$0xa] =	wrdreg s17  }
0x13: {  	s7 =	smul.u32 $0x27100, s7;
	s19 =	sadd.s32 $0xC800, s4;
	[dreg:$0xb] =	wrdreg s18  }
0x14: {  	s21 =	sadd.s32 $0xDC00, s4;
	s22 =	sadd.s32 $0xF000, s4;
	[dreg:$0xc] =	wrdreg s19  }
0x15: {  	s23 =	sadd.s32 $0x10400, s4;
	s24 =	sadd.s32 $0x11800, s4;
	[dreg:$0xd] =	wrdreg s21  }
0x16: {  	s25 =	sadd.s32 $0x12C00, s4;
	s26 =	sadd.s32 $0x14000, s4;
	[dreg:$0xe] =	wrdreg s22  }
0x17: {  	s28 =	sadd.s32 $0x16800, s4;
	s29 =	sadd.s32 $0x17C00, s4;
	[dreg:$0xf] =	wrdreg s23  }
0x18: {  	s30 =	sadd.s32 $0x19000, s4;
	s31 =	sadd.s32 $0x1A400, s4;
	[dreg:$0x10] =	wrdreg s24  }
0x19: {  	s10 =	sadd.s32 s20, s8;
	s19 =	sadd.s32 s8, s7;
	[dreg:$0x11] =	wrdreg s25  }
0x1a: {  	[dreg:$0x12] =	wrdreg s26;
	s22 =	sadd.s32 $0x503C00, s9;
	s23 =	sadd.s32 $0x3A00, s0  }
0x1b: {  	s24 =	smax.u32 s6, $0x1;
	s21 =	stileid.u32;
	s26 =	sadd.s32 $0x15400, s4  }
0x1c: {  	s0 =	sadd.s32 $0x1B800, s4;
	s6 =	sadd.s32 $0x1E000, s4;
	s7 =	simm.s32 $0x9000  }
0x1d: {  	s8 =	simm.s32 $0x2;
	s9 =	simm.s32 $0x4000;
	s11 =	simm.s32 $0x50  }
0x1e: {  	s12 =	simm.s32 $0x3E00;
	s13 =	simm.s32 $0x0;
	s5 =	sadd.s32 s5, s10  }
0x1f: {  	v0 =	vimm.f32 $0.0e+00;
	s10 =	simm.s32 $0x1;
	s25 =	sadd.s32 $0x500, s5;
	s5 =	sadd.s32 $0x1CC00, s4  }
.LBB2_1:
0x20: {  	s14 =	simm.s32 $0x0;
	s15 =	simm.s32 $0x200  }
.LBB2_2:
0x21: {  	p1 =	sne.s32 s15, $0x4E00;
	[tilespmem:s14+$0x9070] =	vst v0  }
0x22: {  	[tilespmem:s14+$0x9000] =	vst v0  }
0x23: {  	[tilespmem:s14+$0x9010] =	vst v0  }
.Ltmp0:
0x24: {  	[tilespmem:s14+$0x9020] =	vst v0;
	(pc) =	sbr.rel @p1 .LBB2_2-.Ltmp0, $4  }
0x25: {  	[tilespmem:s14+$0x9030] =	vst v0  }
0x26: {  	[tilespmem:s14+$0x9040] =	vst v0  }
0x27: {  	[tilespmem:s14+$0x9050] =	vst v0  }
0x28: {  	[tilespmem:s14+$0x9060] =	vst v0;
	s14 =	sshra.s32 s15, $0x2;
	s15 =	sadd.s32 $0x200, s15  }
0x29: {  	[tilespmem:s14+$0x9070] =	vst v0  }
0x2a: {  	[tilespmem:s14+$0x9000] =	vst v0  }
0x2b: {  	[tilespmem:s14+$0x9010] =	vst v0  }
.Ltmp1:
0x2c: {  	[tilespmem:s14+$0x9020] =	vst v0;
	(pc) =	sbr.rel @p0 .LBB2_5-.Ltmp1, $4  }
0x2d: {  	[tilespmem:s14+$0x9030] =	vst v0  }
0x2e: {  	[tilespmem:s14+$0x9040] =	vst v0  }
0x2f: {  	[tilespmem:s14+$0x9050] =	vst v0  }
0x30: {  	[tilespmem:s14+$0x9060] =	vst v0  }
0x31: {  	[spmem:s4] =	stream.linear.scatter [tilespmem:s7], [sflag:$0x2], $0x1400, $0x38;
	[tilespmem:$0x1DC80] =	vst v63  }
0x32: {  	_ =	swait.ge [sflag:s8], $0x1400  }
0x33: {  	[sflag:s8] =	ssyncset.done $0x0  }
0x34: {  	s1 =	rddreg [dreg:$0x3];
	[sflag:s8] =	ssyncadd.s32 $0xFFFFEC00  }
0x35: {  	[spmem:s1] =	stream.linear.scatter [tilespmem:s7], [sflag:$0x2], $0x1400, $0x38;
	[tilespmem:$0x1DC80] =	vst v63  }
0x36: {  	_ =	swait.ge [sflag:s8], $0x1400  }
0x37: {  	[sflag:s8] =	ssyncset.done $0x0  }
0x38: {  	s17 =	rddreg [dreg:$0x4];
	[sflag:s8] =	ssyncadd.s32 $0xFFFFEC00  }
0x39: {  	[spmem:s17] =	stream.linear.scatter [tilespmem:s7], [sflag:$0x2], $0x1400, $0x38;
	[tilespmem:$0x1DC80] =	vst v63  }
0x3a: {  	_ =	swait.ge [sflag:s8], $0x1400  }
0x3b: {  	[sflag:s8] =	ssyncset.done $0x0  }
0x3c: {  	s18 =	rddreg [dreg:$0x5];
	[sflag:s8] =	ssyncadd.s32 $0xFFFFEC00  }
0x3d: {  	[spmem:s18] =	stream.linear.scatter [tilespmem:s7], [sflag:$0x2], $0x1400, $0x38;
	[tilespmem:$0x1DC80] =	vst v63  }
0x3e: {  	_ =	swait.ge [sflag:s8], $0x1400  }
0x3f: {  	[sflag:s8] =	ssyncset.done $0x0  }
0x40: {  	s20 =	rddreg [dreg:$0x6];
	[sflag:s8] =	ssyncadd.s32 $0xFFFFEC00  }
0x41: {  	[spmem:s20] =	stream.linear.scatter [tilespmem:s7], [sflag:$0x2], $0x1400, $0x38;
	[tilespmem:$0x1DC80] =	vst v63  }
0x42: {  	_ =	swait.ge [sflag:s8], $0x1400  }
0x43: {  	[sflag:s8] =	ssyncset.done $0x0  }
0x44: {  	s14 =	rddreg [dreg:$0x7];
	[sflag:s8] =	ssyncadd.s32 $0xFFFFEC00  }
0x45: {  	[spmem:s14] =	stream.linear.scatter [tilespmem:s7], [sflag:$0x2], $0x1400, $0x38;
	[tilespmem:$0x1DC80] =	vst v63  }
0x46: {  	_ =	swait.ge [sflag:s8], $0x1400  }
0x47: {  	[sflag:s8] =	ssyncset.done $0x0  }
0x48: {  	s15 =	rddreg [dreg:$0x8];
	[sflag:s8] =	ssyncadd.s32 $0xFFFFEC00  }
0x49: {  	[spmem:s15] =	stream.linear.scatter [tilespmem:s7], [sflag:$0x2], $0x1400, $0x38;
	[tilespmem:$0x1DC80] =	vst v63  }
0x4a: {  	_ =	swait.ge [sflag:s8], $0x1400  }
0x4b: {  	[sflag:s8] =	ssyncset.done $0x0  }
0x4c: {  	s16 =	rddreg [dreg:$0x9];
	[sflag:s8] =	ssyncadd.s32 $0xFFFFEC00  }
0x4d: {  	[spmem:s16] =	stream.linear.scatter [tilespmem:s7], [sflag:$0x2], $0x1400, $0x38;
	[tilespmem:$0x1DC80] =	vst v63  }
0x4e: {  	_ =	swait.ge [sflag:s8], $0x1400  }
0x4f: {  	[sflag:s8] =	ssyncset.done $0x0  }
0x50: {  	s17 =	rddreg [dreg:$0xa];
	[sflag:s8] =	ssyncadd.s32 $0xFFFFEC00  }
0x51: {  	[spmem:s17] =	stream.linear.scatter [tilespmem:s7], [sflag:$0x2], $0x1400, $0x38;
	[tilespmem:$0x1DC80] =	vst v63  }
0x52: {  	_ =	swait.ge [sflag:s8], $0x1400  }
0x53: {  	[sflag:s8] =	ssyncset.done $0x0  }
0x54: {  	s18 =	rddreg [dreg:$0xb];
	[sflag:s8] =	ssyncadd.s32 $0xFFFFEC00  }
0x55: {  	[spmem:s18] =	stream.linear.scatter [tilespmem:s7], [sflag:$0x2], $0x1400, $0x38;
	[tilespmem:$0x1DC80] =	vst v63  }
0x56: {  	_ =	swait.ge [sflag:s8], $0x1400  }
0x57: {  	[sflag:s8] =	ssyncset.done $0x0  }
0x58: {  	s20 =	rddreg [dreg:$0xc];
	[sflag:s8] =	ssyncadd.s32 $0xFFFFEC00  }
0x59: {  	[spmem:s20] =	stream.linear.scatter [tilespmem:s7], [sflag:$0x2], $0x1400, $0x38;
	[tilespmem:$0x1DC80] =	vst v63  }
0x5a: {  	_ =	swait.ge [sflag:s8], $0x1400  }
0x5b: {  	[sflag:s8] =	ssyncset.done $0x0  }
0x5c: {  	s14 =	rddreg [dreg:$0xd];
	[sflag:s8] =	ssyncadd.s32 $0xFFFFEC00  }
0x5d: {  	[spmem:s14] =	stream.linear.scatter [tilespmem:s7], [sflag:$0x2], $0x1400, $0x38;
	[tilespmem:$0x1DC80] =	vst v63  }
0x5e: {  	_ =	swait.ge [sflag:s8], $0x1400  }
0x5f: {  	[sflag:s8] =	ssyncset.done $0x0  }
0x60: {  	s15 =	rddreg [dreg:$0xe];
	[sflag:s8] =	ssyncadd.s32 $0xFFFFEC00  }
0x61: {  	[spmem:s15] =	stream.linear.scatter [tilespmem:s7], [sflag:$0x2], $0x1400, $0x38;
	[tilespmem:$0x1DC80] =	vst v63  }
0x62: {  	_ =	swait.ge [sflag:s8], $0x1400  }
0x63: {  	[sflag:s8] =	ssyncset.done $0x0  }
0x64: {  	s16 =	rddreg [dreg:$0xf];
	[sflag:s8] =	ssyncadd.s32 $0xFFFFEC00  }
0x65: {  	[spmem:s16] =	stream.linear.scatter [tilespmem:s7], [sflag:$0x2], $0x1400, $0x38;
	[tilespmem:$0x1DC80] =	vst v63  }
0x66: {  	_ =	swait.ge [sflag:s8], $0x1400  }
0x67: {  	[sflag:s8] =	ssyncset.done $0x0  }
0x68: {  	s17 =	rddreg [dreg:$0x10];
	[sflag:s8] =	ssyncadd.s32 $0xFFFFEC00  }
0x69: {  	[spmem:s17] =	stream.linear.scatter [tilespmem:s7], [sflag:$0x2], $0x1400, $0x38;
	[tilespmem:$0x1DC80] =	vst v63  }
0x6a: {  	_ =	swait.ge [sflag:s8], $0x1400  }
0x6b: {  	[sflag:s8] =	ssyncset.done $0x0  }
0x6c: {  	s18 =	rddreg [dreg:$0x11];
	[sflag:s8] =	ssyncadd.s32 $0xFFFFEC00  }
0x6d: {  	[spmem:s18] =	stream.linear.scatter [tilespmem:s7], [sflag:$0x2], $0x1400, $0x38;
	[tilespmem:$0x1DC80] =	vst v63  }
0x6e: {  	_ =	swait.ge [sflag:s8], $0x1400  }
0x6f: {  	[sflag:s8] =	ssyncset.done $0x0  }
0x70: {  	s20 =	rddreg [dreg:$0x12];
	[sflag:s8] =	ssyncadd.s32 $0xFFFFEC00  }
0x71: {  	[spmem:s20] =	stream.linear.scatter [tilespmem:s7], [sflag:$0x2], $0x1400, $0x38;
	[tilespmem:$0x1DC80] =	vst v63  }
0x72: {  	_ =	swait.ge [sflag:s8], $0x1400  }
0x73: {  	[sflag:s8] =	ssyncset.done $0x0  }
0x74: {  	[sflag:s8] =	ssyncadd.s32 $0xFFFFEC00  }
0x75: {  	[spmem:s26] =	stream.linear.scatter [tilespmem:s7], [sflag:$0x2], $0x1400, $0x38;
	[tilespmem:$0x1DC80] =	vst v63  }
0x76: {  	_ =	swait.ge [sflag:s8], $0x1400  }
0x77: {  	[sflag:s8] =	ssyncset.done $0x0  }
0x78: {  	[sflag:s8] =	ssyncadd.s32 $0xFFFFEC00  }
0x79: {  	[spmem:s28] =	stream.linear.scatter [tilespmem:s7], [sflag:$0x2], $0x1400, $0x38;
	[tilespmem:$0x1DC80] =	vst v63  }
0x7a: {  	_ =	swait.ge [sflag:s8], $0x1400  }
0x7b: {  	[sflag:s8] =	ssyncset.done $0x0  }
0x7c: {  	[sflag:s8] =	ssyncadd.s32 $0xFFFFEC00  }
0x7d: {  	[spmem:s29] =	stream.linear.scatter [tilespmem:s7], [sflag:$0x2], $0x1400, $0x38;
	[tilespmem:$0x1DC80] =	vst v63  }
0x7e: {  	_ =	swait.ge [sflag:s8], $0x1400  }
0x7f: {  	[sflag:s8] =	ssyncset.done $0x0  }
0x80: {  	[sflag:s8] =	ssyncadd.s32 $0xFFFFEC00  }
0x81: {  	[spmem:s30] =	stream.linear.scatter [tilespmem:s7], [sflag:$0x2], $0x1400, $0x38;
	[tilespmem:$0x1DC80] =	vst v63  }
0x82: {  	_ =	swait.ge [sflag:s8], $0x1400  }
0x83: {  	[sflag:s8] =	ssyncset.done $0x0  }
0x84: {  	[sflag:s8] =	ssyncadd.s32 $0xFFFFEC00  }
0x85: {  	[spmem:s31] =	stream.linear.scatter [tilespmem:s7], [sflag:$0x2], $0x1400, $0x38;
	[tilespmem:$0x1DC80] =	vst v63  }
0x86: {  	_ =	swait.ge [sflag:s8], $0x1400  }
0x87: {  	[sflag:s8] =	ssyncset.done $0x0  }
0x88: {  	[sflag:s8] =	ssyncadd.s32 $0xFFFFEC00  }
0x89: {  	[spmem:s0] =	stream.linear.scatter [tilespmem:s7], [sflag:$0x2], $0x1400, $0x38;
	[tilespmem:$0x1DC80] =	vst v63  }
0x8a: {  	_ =	swait.ge [sflag:s8], $0x1400  }
0x8b: {  	[sflag:s8] =	ssyncset.done $0x0  }
0x8c: {  	[sflag:s8] =	ssyncadd.s32 $0xFFFFEC00  }
0x8d: {  	[spmem:s5] =	stream.linear.scatter [tilespmem:s7], [sflag:$0x2], $0x1400, $0x38;
	[tilespmem:$0x1DC80] =	vst v63  }
0x8e: {  	_ =	swait.ge [sflag:s8], $0x1400  }
0x8f: {  	[sflag:s8] =	ssyncset.done $0x0  }
0x90: {  	[sflag:s8] =	ssyncadd.s32 $0xFFFFEC00  }
0x91: {  	[spmem:s6] =	stream.linear.scatter [tilespmem:s7], [sflag:$0x2], $0x1400, $0x38;
	[tilespmem:$0x1DC80] =	vst v63  }
0x92: {  	_ =	swait.ge [sflag:s8], $0x1400  }
0x93: {  	[sflag:s8] =	ssyncset.done $0x0  }
0x94: {  	[sflag:s8] =	ssyncadd.s32 $0xFFFFEC00  }
.LBB2_5:
0x95: {  	[bflag:$0x0] =	sbarrier.arrive $0xFFFF;
	s14 =	simm.s32 $0x0  }
0x96: {  	[tilespmem:s14], [sflag:$0x2] =	stream.linear.gather [hbm4b:s22+s14], $0x3E80, $0x38;
	[tilespmem:$0x1DC80] =	vst v63  }
0x97: {  	s15 =	sand.u32 $0x1, s14;
	_ =	swait.ge [sflag:s8], $0x3E80  }
0x98: {  	s16 =	sxor.u32 $0x1, s15;
	[sflag:s8] =	ssyncset.done $0x0  }
0x99: {  	s16 =	smul.u32 $0xA000, s16;
	[sflag:s8] =	ssyncadd.s32 $0xFFFFC180  }
0x9a: {  	[tilespmem:s9], [sflag:$0x1] =	stream.linear.gather [hbm4b:s19+s14], $0x2800, $0x38;
	[tilespmem:$0x1DC80] =	vst v63  }
0x9b: {  	s15 =	smul.u32 $0xA000, s15;
	_ =	swait.ge [sflag:s10], $0x2800  }
0x9c: {  	s20 =	simm.s32 $0x1;
	s16 =	sshrl.u32 s16, $0x2;
	[sflag:s10] =	ssyncset.done $0x0  }
0x9d: {  	s15 =	sshrl.u32 s15, $0x2;
	s16 =	sor.u32 $0x4000, s16;
	[sflag:s10] =	ssyncadd.s32 $0xFFFFD800  }
0x9e: {  	[tilespmem:s16], [sflag:$0x1] =	stream.linear.gather [hbm4b:s25+s3], $0x2800, $0x38;
	[tilespmem:$0x1DC80] =	vst v63  }
0x9f: {  	s17 =	simm.s32 $0x2;
	s15 =	sor.u32 $0x4000, s15;
	s16 =	sand.u32 $0x1, s20  }
0xa0: {  	[spmem:s2] =	stream.indirect.scatter.add.f32 [tilespmem:s15], [sflag:$0x2], $0x80, s14, s11, $0xb8;
	[tilespmem:$0x1DC80] =	vst v63  }
0xa1: {  	s14 =	sadd.s32 $0x500, s25;
	s15 =	simm.s32 $0x80;
	_ =	swait.ge [sflag:s8], $0x2800  }
.LBB2_6:
0xa2: {  	s18 =	sxor.u32 $0x1, s16  }
0xa3: {  	[sflag:s8] =	ssyncset.done $0x0;
	s1 =	smov.u32 s17;
	s20 =	sadd.s32 $0x1, s17  }
0xa4: {  	p1 =	sne.s32 s17, $0x7B;
	s17 =	smul.u32 $0xA000, s18;
	[sflag:s8] =	ssyncadd.s32 $0xFFFFD800  }
0xa5: {  	_ =	swait.ge [sflag:s10], $0x2800  }
0xa6: {  	s16 =	smul.u32 $0xA000, s16;
	[sflag:s10] =	ssyncset.done $0x0;
	s17 =	sshrl.u32 s17, $0x2  }
0xa7: {  	[sflag:s10] =	ssyncadd.s32 $0xFFFFD800;
	s17 =	sor.u32 $0x4000, s17  }
0xa8: {  	[tilespmem:s17], [sflag:$0x1] =	stream.linear.gather [hbm4b:s14+s3], $0x2800, $0x38;
	[tilespmem:$0x1DC80] =	vst v63  }
.Ltmp2:
0xa9: {  	_ = 	snop;
	(pc) =	sbr.rel @p1 .LBB2_6-.Ltmp2, $4  }
0xaa: {  	s16 =	sshrl.u32 s16, $0x2  }
0xab: {  	s16 =	sor.u32 $0x4000, s16;
	s14 =	sadd.s32 $0x500, s14;
	s17 =	smov.u32 s20  }
0xac: {  	[spmem:s2] =	stream.indirect.scatter.add.f32 [tilespmem:s16], [sflag:$0x2], $0x80, s15, s11, $0xb8;
	[tilespmem:$0x1DC80] =	vst v63  }
0xad: {  	s16 =	sand.u32 $0x1, s1;
	s15 =	sadd.s32 $0x80, s15;
	_ =	swait.ge [sflag:s8], $0x2800  }
0xae: {  	s1 =	sxor.u32 $0x1, s16;
	[sflag:s8] =	ssyncset.done $0x0  }
0xaf: {  	s1 =	smul.u32 $0xA000, s1;
	[sflag:s8] =	ssyncadd.s32 $0xFFFFD800  }
0xb0: {  	s18 =	smul.u32 $0xA000, s16;
	_ =	swait.ge [sflag:s10], $0x2800  }
0xb1: {  	[sflag:s10] =	ssyncset.done $0x0;
	s1 =	sshrl.u32 s1, $0x2  }
0xb2: {  	s20 =	sshrl.u32 s18, $0x2;
	[sflag:s10] =	ssyncadd.s32 $0xFFFFD800;
	s1 =	sor.u32 $0x4000, s1  }
0xb3: {  	[tilespmem:s1], [sflag:$0x1] =	stream.linear.gather [hbm4b:s14+s3], $0x2800, $0x38;
	[tilespmem:$0x1DC80] =	vst v63  }
0xb4: {  	s1 =	sor.u32 $0x4000, s20  }
0xb5: {  	[spmem:s2] =	stream.indirect.scatter.add.f32 [tilespmem:s1], [sflag:$0x2], $0x80, s15, s11, $0xb8;
	[tilespmem:$0x1DC80] =	vst v63  }
0xb6: {  	_ =	swait.ge [sflag:s8], $0x2800  }
0xb7: {  	[sflag:s8] =	ssyncset.done $0x0  }
0xb8: {  	[sflag:s8] =	ssyncadd.s32 $0xFFFFD800  }
0xb9: {  	_ =	swait.ge [sflag:s10], $0x2800  }
0xba: {  	[sflag:s10] =	ssyncset.done $0x0  }
0xbb: {  	[sflag:s10] =	ssyncadd.s32 $0xFFFFD800  }
0xbc: {  	[spmem:s2] =	stream.indirect.scatter.add.f32 [tilespmem:s9], [sflag:$0x2], $0x80, s12, s11, $0xb8;
	[tilespmem:$0x1DC80] =	vst v63  }
0xbd: {  	_ =	swait.ge [sflag:s8], $0x2800  }
0xbe: {  	s13 =	sadd.s32 $0x1, s13;
	[sflag:s8] =	ssyncset.done $0x0  }
0xbf: {  	p1 =	sne.s32 s13, s24;
	s1 =	sshll.u32 @!p0 s21, $0x6;
	[sflag:s8] =	ssyncadd.s32 $0xFFFFD800  }
0xc0: {  	s14 =	sshrl.u32 @!p0 s4, $0x3;
	s1 =	sor.u32 @!p0 $0x1C02, s1;
	[bflag:$0x0] =	sbarrier.arrive $0xFFFF  }
0xc1: {  	[hbm:s23], [sflag:s1] =	dma.local @!p0 [spmem:s14], $0x3E80  }
.Ltmp3:
0xc2: {  	_ = 	snop;
	(pc) =	sbr.rel @p1 .LBB2_1-.Ltmp3, $4  }
0xc3: {  	s1 =	simm.s32 @!p0 $0x2  }
0xc4: {  	_ =	swait.ge @!p0 [sflag:s1], $0x3E80  }
0xc5: {  	[sflag:s1] =	ssyncset.done @!p0 $0x0  }
0xc6: {  	[sflag:s1] =	ssyncadd.s32 @!p0 $0xFFFFC180  }
0xc7: {  	_ =	sfence.sel $0x180000  }
0xc8: {  	[bflag:$0x0] =	sbarrier.arrive $0xFFFF  }
0xc9: {  	_ =	strace $0x9000004A  }
0xca: {  	[bflag:$0x2] =	sbarrier.arrive $0xFFFF  }
0xcb: {  	p0 =	sne.s32 s21, $0x0;
	s0 =	rddreg [dreg:$0x2]  }
0xcc: {  	s0 =	sadd.s32 @!p0 $0x100000, s0  }
0xcd: {  	[sflag:s0] =	ssyncadd.tile.s32 @!p0 $0x1;
	_ =	shalt  }
.Lfunc_end2:
_tile_overlayer_lowered:
.L_overlay_start_2:
0xce: {  	(tag) =	ssettag $0x2  }
0xcf: {  	s0 =	rddreg [dreg:$0x0];
	s2 =	stileid.u32  }
0xd0: {  	s1 =	rddreg [dreg:$0x1];
	p0 =	sne.s32 s2, $0x0  }
0xd1: {  	s3 =	rddreg [dreg:$0x2];
	[bflag:$0x3] =	sbarrier.arrive $0xFFFF;
	s2 =	simm.s32 @!p0 $0x1C02  }
0xd2: {  	[timem:s3], [sflag:s2] =	dma.local @!p0 [hbm:s0], s1  }
0xd3: {  	s0 =	simm.s32 @!p0 $0x2  }
0xd4: {  	_ =	swait.ge @!p0 [sflag:s0], s1  }
0xd5: {  	s1 =	ssub.s32 @!p0 $0x0, s1;
	[sflag:s0] =	ssyncset.done @!p0 $0x0  }
0xd6: {  	[sflag:s0] =	ssyncadd.s32 @!p0 s1  }
0xd7: {  	[bflag:$0x3] =	sbarrier.arrive $0xFFFF  }
0xd8: {  	_ =	shalt  }

// kernel: kernel.7.cloned.1.call-start
scs
__scs_entry_jumppad:
0x0: {  	(pc) =	sbr.rel $0x88, $3  }
0x1: {  	(tag) =	ssettag $0x0;
	lr =	simm.s32 $0x1  }
0x2: {  	[smem:$0x3F92] =	sst lr;
	_ =	strace $0xD0000000  }
0x3: {  	_ = 	snop  }
0x4: {  	_ = 	snop  }
0x5: {  	_ = 	snop  }
0x6: {  	_ = 	snop  }
0x7: {  	_ = 	snop  }
__scs_overlays_trampoline_lowered:
0x8: {  	[smem:$0x3FA1] =	sst s0  }
0x9: {  	[smem:$0x3FA2] =	sst s1  }
0xa: {  	[smem:$0x3FA3] =	sst s2  }
0xb: {  	[smem:$0x3FA4] =	sst s3  }
0xc: {  	[smem:$0x3FA5] =	sst s4  }
0xd: {  	[smem:$0x3FA6] =	sst s5  }
0xe: {  	[smem:$0x3FA7] =	sst s6  }
0xf: {  	[smem:$0x3FA8] =	sst s7  }
0x10: {  	[smem:$0x3FA9] =	sst s8  }
0x11: {  	[smem:$0x3FAA] =	sst s9;
	s0 =	simm.s32 @!p0 $0x0  }
0x12: {  	s1 =	sld [smem:$0x3F90];
	s0 =	simm.s32 @p0 $0x1  }
0x13: {  	[smem:$0x3FAB] =	sst s0;
	s0 =	simm.s32 @!p1 $0x0  }
0x14: {  	s2 =	sld [smem:$0x3F8F];
	s0 =	simm.s32 @p1 $0x1  }
0x15: {  	[smem:$0x3FAC] =	sst s0;
	s0 =	simm.s32 @!p2 $0x0  }
0x16: {  	s3 =	sld [smem:$0x3FDB];
	s0 =	simm.s32 @p2 $0x1  }
0x17: {  	s4 =	simm.s32 $0x1BF5;
	[smem:$0x3FAE] =	sst s0  }
0x18: {  	s0 =	sld [smem:$0x3F91];
	_ =	swait.ge [sflag:s4], $0x0  }
0x19: {  	s7 =	sld [smem:$0x3F92]  }
0x1a: {  	s8 =	sadd.s32 $0xFFFFE003, lr  }
0x1b: {  	s9 =	sadd.s32 $0xFFFFFEF7, lr;
	s5 =	simm.s32 $0xFFFFFFFF;
	p2 =	slt.u32 s8, $0xFFFFF086  }
0x1c: {  	p1 =	slt.u32 s9, $0xF7A;
	s5 =	simm.s32 @!p2 $0x0  }
0x1d: {  	s5 =	simm.s32 @p1 $0x1;
	p0 =	seq.s32 s7, s2  }
0x1e: {  	s7 =	smul.u32 @!p0 $0xF7A, s2;
	p2 =	seq.s32 @!p0 s5, $0x0  }
0x1f: {  	s9 =	smul.u32 $0xF7A, s1;
	s8 =	simm.s32 @!p0 $0x1BF5;
	p2 =	por !p2, p0  }
0x20: {  	[sflag:s8] =	ssyncset.s32 @!p0 $0xFFFFF086;
	s6 =	sadd.s32 @!p0 s3, s7;
	s7 =	simm.s32 @!p0 $0x108  }
0x21: {  	s3 =	sadd.s32 s3, s9;
	s6 =	sadd.s32 @!p0 $0x88, s6;
	s7 =	simm.s32 @p2 $0x1082  }
0x22: {  	[simem:s7], [sflag:s8] =	dma.local @!p0 [hbm:s6], $0xF7A  }
0x23: {  	s9 =	sor.u32 $0xD0000000, s2;
	s6 =	simm.s32 $0x108;
	_ =	swait.ge @!p0 [sflag:s8], $0x0  }
0x24: {  	s3 =	sadd.s32 $0x88, s3;
	s6 =	simm.s32 @!p1 $0x1082;
	[sflag:s4] =	ssyncset.s32 $0xFFFFF086  }
0x25: {  	[simem:s6], [sflag:s4] =	dma.local [hbm:s3], $0xF7A  }
0x26: {  	[smem:$0x3F92] =	sst s1;
	(tag) =	ssettag s2;
	_ =	strace s9  }
0x27: {  	s1 =	sld [smem:$0x3FA2]  }
0x28: {  	s2 =	sld [smem:$0x3FA3]  }
0x29: {  	s4 =	sld [smem:$0x3FA5]  }
0x2a: {  	p0 =	seq.s32 s5, $0x0;
	s5 =	sld [smem:$0x3FA6]  }
0x2b: {  	s6 =	sld [smem:$0x3FA7]  }
0x2c: {  	s7 =	sld [smem:$0x3FA8]  }
0x2d: {  	s3 =	simm.s32 $0x108;
	s8 =	sld [smem:$0x3FA9]  }
0x2e: {  	s3 =	simm.s32 @!p0 $0x1082;
	s9 =	sld [smem:$0x3FAA]  }
0x2f: {  	lr =	sadd.s32 s0, s3;
	s0 =	sld [smem:$0x3FA1]  }
0x30: {  	s3 =	sld [smem:$0x3FA4]  }
0x31: {  	[smem:$0x3FAD] =	sst s10  }
0x32: {  	s10 =	sld [smem:$0x3FAB];
	_ =	sdelay $0x3  }
0x33: {  	p0 =	seq.s32 s10, $0x1;
	s10 =	sld [smem:$0x3FAD];
	_ =	sdelay $0x3  }
0x34: {  	[smem:$0x3FAD] =	sst s10  }
0x35: {  	s10 =	sld [smem:$0x3FAC];
	_ =	sdelay $0x3  }
0x36: {  	p1 =	seq.s32 s10, $0x1;
	s10 =	sld [smem:$0x3FAD];
	_ =	sdelay $0x3  }
0x37: {  	[smem:$0x3FAD] =	sst s10  }
0x38: {  	s10 =	sld [smem:$0x3FAE]  }
0x39: {  	_ = 	snop;
	(pc) =	sbr.ind lr, $3  }
0x3a: {  	_ = 	snop  }
0x3b: {  	_ = 	snop  }
0x3c: {  	p2 =	seq.s32 s10, $0x1;
	s10 =	sld [smem:$0x3FAD]  }
0x3d: {  	_ =	shalt  }
0x3e: {  	_ =	shalt  }
0x3f: {  	_ =	shalt  }
0x40: {  	_ =	shalt  }
0x41: {  	_ =	shalt  }
0x42: {  	_ =	shalt  }
0x43: {  	_ =	shalt  }
0x44: {  	_ =	shalt  }
0x45: {  	_ =	shalt  }
0x46: {  	_ =	shalt  }
0x47: {  	_ =	shalt  }
0x48: {  	_ =	shalt  }
0x49: {  	_ =	shalt  }
0x4a: {  	_ =	shalt  }
0x4b: {  	_ =	shalt  }
0x4c: {  	_ =	shalt  }
0x4d: {  	_ =	shalt  }
0x4e: {  	_ =	shalt  }
0x4f: {  	_ =	shalt  }
0x50: {  	_ =	shalt  }
0x51: {  	_ =	shalt  }
0x52: {  	_ =	shalt  }
0x53: {  	_ =	shalt  }
0x54: {  	_ =	shalt  }
0x55: {  	_ =	shalt  }
0x56: {  	_ =	shalt  }
0x57: {  	_ =	shalt  }
0x58: {  	_ =	shalt  }
0x59: {  	_ =	shalt  }
0x5a: {  	_ =	shalt  }
0x5b: {  	_ =	shalt  }
0x5c: {  	_ =	shalt  }
0x5d: {  	_ =	shalt  }
0x5e: {  	_ =	shalt  }
0x5f: {  	_ =	shalt  }
0x60: {  	_ =	shalt  }
0x61: {  	_ =	shalt  }
0x62: {  	_ =	shalt  }
0x63: {  	_ =	shalt  }
0x64: {  	_ =	shalt  }
0x65: {  	_ =	shalt  }
0x66: {  	_ =	shalt  }
0x67: {  	_ =	shalt  }
0x68: {  	_ =	shalt  }
0x69: {  	_ =	shalt  }
0x6a: {  	_ =	shalt  }
0x6b: {  	_ =	shalt  }
0x6c: {  	_ =	shalt  }
0x6d: {  	_ =	shalt  }
0x6e: {  	_ =	shalt  }
0x6f: {  	_ =	shalt  }
0x70: {  	_ =	shalt  }
0x71: {  	_ =	shalt  }
0x72: {  	_ =	shalt  }
0x73: {  	_ =	shalt  }
0x74: {  	_ =	shalt  }
0x75: {  	_ =	shalt  }
0x76: {  	_ =	shalt  }
0x77: {  	_ =	shalt  }
0x78: {  	_ =	shalt  }
0x79: {  	_ =	shalt  }
0x7a: {  	_ =	shalt  }
0x7b: {  	_ =	shalt  }
0x7c: {  	_ =	shalt  }
0x7d: {  	_ =	shalt  }
0x7e: {  	_ =	shalt  }
0x7f: {  	_ =	shalt  }
0x80: {  	_ =	shalt  }
0x81: {  	_ =	shalt  }
0x82: {  	_ =	shalt  }
0x83: {  	_ =	shalt  }
0x84: {  	_ =	shalt  }
0x85: {  	_ =	shalt  }
0x86: {  	_ =	shalt  }
0x87: {  	_ =	shalt  }
.Lfunc_end0:
.L_simem_size_0:
called_computation_lowered:
.L_overlay_start_0:
0x88: {  	s2 =	sld [smem:$0x3FD9]  }
0x89: {  	s3 =	sld [smem:$0x3FFE];
	_ =	sdelay $0x1  }
0x8a: {  	s1 =	srdreg.scid  }
0x8b: {  	s0 =	sand.u32 $0x1, s1  }
0x8c: {  	s14 =	sshll.u32 s0, $0xA;
	s2 =	sadd.s32 s3, s2  }
0x8d: {  	s2 =	sadd.s32 s2, s14  }
0x8e: {  	[smem:$0x3FB9] =	sst s2  }
0x8f: {  	_ = 	snop  }
0x90: {  	s2 =	sld [smem:$0x3FD0];
	_ =	sdelay $0x2  }
0x91: {  	s15 =	simm.s32 $0xA;
	s4 =	simm.s32 $0x10  }
0x92: {  	[smem:s4], [sflag:s15] =	dma.local [hbm:s2], $0x1  }
0x93: {  	_ =	swait.eq [sflag:s15], $0x1  }
0x94: {  	[sflag:s15] =	ssyncset.done $0x0  }
0x95: {  	s16 =	sld [smem:$0x10];
	[sflag:s15] =	ssyncadd.s32 $0xFFFFFFFF  }
0x96: {  	s17 =	sld [smem:$0x11];
	(tm) =	ssettm $0x1  }
0x97: {  	s18 =	sld [smem:$0x3FFB];
	_ =	sdelay $0x3  }
0x98: {  	_ =	strace s18  }
0x99: {  	s4 =	sld [smem:$0x3FFC];
	_ =	sdelay $0x3  }
0x9a: {  	_ =	strace s4  }
0x9b: {  	s4 =	sld [smem:$0x3FFD];
	_ =	sdelay $0x3  }
0x9c: {  	_ =	strace s4  }
0x9d: {  	_ =	strace $0x8FFFFFFF  }
0x9e: {  	s19 =	sld [smem:$0x3FDB];
	_ =	sdelay $0x1  }
0x9f: {  	s5 =	simm.s32 $_scs_section_size  }
0xa0: {  	s6 =	simm.s32 $_size__tile_overlayer_lowered;
	s7 =	simm.s32 $_tile_overlayer_lowered  }
0xa1: {  	s22 =	simm.s32 $0x1BFF;
	s21 =	sshll.u32 s7, $0x1;
	s4 =	sadd.s32 s5, s19  }
0xa2: {  	s8 =	simm.s32 $0x0;
	s20 =	sshll.u32 s6, $0x1;
	s6 =	sadd.s32 s21, s4  }
0xa3: {  	[timem:s8], [sflag:s22] =	dma.local [hbm:s6], s20  }
0xa4: {  	_ =	swait.ge [sflag:s22], s20  }
0xa5: {  	s5 =	ssub.s32 $0x0, s20;
	[sflag:s22] =	ssyncset.done $0x0  }
0xa6: {  	[sflag:s22] =	ssyncadd.s32 s5;
	_ =	sdelay $0x1  }
0xa7: {  	s23 =	simm.s32 $0x1B8B  }
0xa8: {  	_ =	swait.ge [sflag:s23], $0x1  }
0xa9: {  	[sflag:s23] =	ssyncset.done $0x0  }
0xaa: {  	s25 =	simm.s32 $0x1B8E;
	s24 =	sld [smem:$0x3FFE];
	[sflag:s23] =	ssyncadd.s32 $0xFFFFFFFF  }
0xab: {  	s26 =	simm.s32 $execute0_lowered;
	[smem:$0x3FD2] =	sst s25  }
0xac: {  	s6 =	sshll.u32 s26, $0x1;
	_ =	strace $0x80000046;
	[dreg:$0x1] =	wrdreg $0xFFFFFFFF  }
0xad: {  	s28 =	simm.s32 $_size_execute0_lowered;
	s4 =	sadd.s32 s4, s6;
	[dreg:$0x0] =	wrdreg $0x0  }
0xae: {  	s6 =	sshll.u32 s28, $0x1;
	[dreg:$0x2] =	wrdreg s4  }
0xaf: {  	[dreg:$0x3] =	wrdreg s6  }
0xb0: {  	[dreg:$0x4] =	wrdreg $0xC0  }
0xb1: {  	_ =	task [dreg:s8], $0x5FFFF  }
0xb2: {  	[dreg:$0x1] =	wrdreg $0xFFFFFFFF  }
0xb3: {  	[dreg:$0x0] =	wrdreg $0x60  }
0xb4: {  	[dreg:$0x2] =	wrdreg s16  }
0xb5: {  	[dreg:$0x3] =	wrdreg s17  }
0xb6: {  	[dreg:$0x4] =	wrdreg s24  }
0xb7: {  	[dreg:$0x5] =	wrdreg $0x9  }
0xb8: {  	_ =	task.clear_ibuf [dreg:s8], $0x6FFFF;
	_ =	strace $0x90000046  }
0xb9: {  	s29 =	simm.s32 $0x9;
	_ =	strace $0x80000048  }
0xba: {  	_ =	swait.ge [sflag:s29], $0x1  }
0xbb: {  	[sflag:s29] =	ssyncadd.s32 $0xFFFFFFFF  }
0xbc: {  	_ =	strace $0x90000048  }
0xbd: {  	_ =	sfence  }
0xbe: {  	s30 =	sld [smem:$0x0];
	_ =	sdelay $0x2  }
0xbf: {  	s31 =	sshll.u32 s1, $0xD;
	s1 =	sshrl.u32 s1, $0x2  }
0xc0: {  	s3 =	sand.u32 $0x4000, s31;
	s1 =	sadd.s32 s1, s30  }
0xc1: {  	s0 =	sor.u32 s3, s0;
	s1 =	sshll.u32 s1, $0x11  }
0xc2: {  	s0 =	sor.u32 s1, s0  }
0xc3: {  	s0 =	sadd.s32 $0x8F2B, s0  }
0xc4: {  	[sflag:s0] =	ssyncadd.remote.s32 $0x1  }
0xc5: {  	_ =	sfence.sel $0xFFFF  }
0xc6: {  	[dreg:$0x0] =	wrdreg $0xFFFFFFFF;
	(pc) =	sbr.abs _section_cstart, $3  }
0xc7: {  	[dreg:$0x1] =	wrdreg $0xFFFFFFFF  }
0xc8: {  	_ =	task.clear_ibuf [dreg:s8], $0x2FFFF;
	_ =	strace $0x9FFFFFFF  }
0xc9: {  	(tm) =	ssettm $0x7FFFFFFF  }
tec
execute0_lowered:
.L_overlay_start_1:
0x0: {  	(tag) =	ssettag $0x1  }
0x1: {  	s1 =	rddreg [dreg:$0x0]  }
0x2: {  	s3 =	rddreg [dreg:$0x1];
	s2 =	srdreg.scid  }
0x3: {  	s0 =	stileid.u32;
	s7 =	rddreg [dreg:$0x2];
	s4 =	simm.s32 $0x0  }
0x4: {  	s12 =	simm.s32 $0x2780;
	s13 =	simm.s32 $0x80;
	s14 =	simm.s32 $0x4F00  }
0x5: {  	s15 =	simm.s32 $0xCF00;
	s16 =	simm.s32 $0x1;
	s17 =	simm.s32 $0x2  }
0x6: {  	s18 =	simm.s32 $0x10;
	s6 =	sand.u32 $0x1, s2;
	s5 =	sshll.u32 s0, $0x1  }
0x7: {  	s19 =	simm.s32 $0x2700;
	s20 =	simm.s32 $0x4E80;
	s8 =	sor.u32 s6, s5  }
0x8: {  	s21 =	simm.s32 $0x0;
	s2 =	rddreg [dreg:$0x3];
	s5 =	smul.u32 $0x138800, s8  }
0x9: {  	[smem:$0x7FF] =	sst s4;
	s9 =	ssub.s32 $0x2, s6;
	s8 =	smul.u32 $0x4F0, s8  }
0xa: {  	_ =	strace $0x80000047;
	s6 =	sadd.s32 $0x21C00, s7;
	s10 =	sshrl.u32 s9, $0x1  }
0xb: {  	s10 =	ssub.s32 s9, s10;
	s11 =	sshrl.u32 s5, $0x3;
	s8 =	sadd.s32 s8, s7  }
0xc: {  	s10 =	smax.u32 s10, $0x1;
	s31 =	sadd.s32 s6, s11;
	s7 =	sadd.s32 $0x17E00, s8  }
0xd: {  	s8 =	sadd.s32 $0xE000, s8;
	s11 =	simm.s32 $0x3;
	s9 =	sadd.s32 $0x27000, s31  }
.LBB2_1:
0xe: {  	[tilespmem:s4], [sflag:$0x3] =	stream.linear.gather [hbm4b:s7+s4], $0x2780, $0x38;
	[tilespmem:$0x14F00] =	vst v63  }
0xf: {  	_ =	swait.ge [sflag:s11], $0x2780  }
0x10: {  	[sflag:s11] =	ssyncset.done $0x0  }
0x11: {  	[sflag:s11] =	ssyncadd.s32 $0xFFFFD880  }
0x12: {  	[tilespmem:s12], [sflag:$0x3] =	stream.linear.gather [hbm4b:s8+s4], $0x2780, $0x38;
	[tilespmem:$0x14F00] =	vst v63  }
0x13: {  	_ =	swait.ge [sflag:s11], $0x2780  }
0x14: {  	[sflag:s11] =	ssyncset.done $0x0  }
0x15: {  	[sflag:s11] =	ssyncadd.s32 $0xFFFFD880  }
0x16: {  	[tilespmem:s14], [sflag:$0x1] =	stream.indirect.gather [hbm4b:s1+s13], $0x80, s4, s13, $0xb8;
	[tilespmem:$0x14F00] =	vst v63  }
0x17: {  	p0 =	por $0x0, $0x0;
	s22 =	simm.s32 $0x0  }
0x18: {  	[tilespmem:s15], [sflag:$0x1] =	stream.indirect.gather [hbm4b:s3+s13], $0x80, s12, s13, $0xb8;
	[tilespmem:$0x14F00] =	vst v63  }
.LBB2_2:
0x19: {  	_ =	swait.ge [sflag:s16], $0x4000  }
0x1a: {  	[sflag:s16] =	ssyncset.done $0x0  }
0x1b: {  	[sflag:s16] =	ssyncadd.s32 $0xFFFFC000  }
0x1c: {  	_ =	swait.ge [sflag:s16], $0x4000  }
0x1d: {  	p1 =	seq.s32 s22, $0x0;
	[sflag:s16] =	ssyncset.done $0x0  }
0x1e: {  	s24 =	simm.s32 @!p1 $0x2;
	[sflag:s16] =	ssyncadd.s32 $0xFFFFC000  }
0x1f: {  	p2 =	seq.s32 @!p1 s22, $0x4D;
	_ =	swait.ge @!p1 [sflag:s24], $0x4000  }
0x20: {  	s23 =	sshll.u32 s22, $0xE;
	p2 =	por p1, !p2;
	[sflag:s24] =	ssyncset.done @!p1 $0x0  }
0x21: {  	s25 =	sand.u32 $0x4000, s23;
	[sflag:s24] =	ssyncadd.s32 @!p1 $0xFFFFC000;
	s24 =	sshll.u32 @p2 s22, $0x7  }
0x22: {  	s26 =	ssub.s32 @p2 $0x8F00, s25;
	s28 =	sadd.s32 @p2 $0x80, s24  }
0x23: {  	[tilespmem:s26], [sflag:$0x1] =	stream.indirect.gather @p2 [hbm4b:s1+s13], $0x80, s28, s13, $0xb8;
	[tilespmem:$0x14F00] =	vst v63  }
0x24: {  	s24 =	sadd.s32 @p2 $0x2800, s24;
	s26 =	ssub.s32 @p2 $0x10F00, s25  }
0x25: {  	[tilespmem:s26], [sflag:$0x1] =	stream.indirect.gather @p2 [hbm4b:s3+s13], $0x80, s24, s13, $0xb8;
	[tilespmem:$0x14F00] =	vst v63  }
0x26: {  	s24 =	simm.s32 $0x1  }
0x27: {  	s24 =	simm.s32 @!p0 $0x0  }
0x28: {  	s24 =	sshll.u32 s24, $0xE  }
0x29: {  	s31 =	sadd.s32 $0x4F40, s24  }
0x2a: {  	s24 =	sadd.s32 $0xCF70, s24;
	v0 =	vmov s31  }
0x2b: {  	v1 =	vmov s24;
	_ =	sdelay $0x2  }
0x2c: {  	s24 =	simm.s32 $0x0  }
0x2d: {  	v2 =	vld.idx.msk [tilespmem:v0+s24+$0xFFFFFFC0 ss:$0x1], $0xffff  }
0x2e: {  	v3 =	vld.idx.msk [tilespmem:v1+s24+$0xFFFFFF90 ss:$0x1], $0xffff;
	_ =	sdelay $0x4  }
0x2f: {  	v2 =	vadd.f32 v3, v2;
	_ =	sdelay $0x1  }
0x30: {  	[tilespmem:v0+s24+$0xFFFFFFC0 ss:$0x1] =	vst.idx.msk $0xffff, v2  }
0x31: {  	v2 =	vld.idx.msk [tilespmem:v0+s24+$0xFFFFFFD0 ss:$0x1], $0xffff  }
0x32: {  	v3 =	vld.idx.msk [tilespmem:v1+s24+$0xFFFFFFA0 ss:$0x1], $0xffff;
	_ =	sdelay $0x4  }
0x33: {  	v2 =	vadd.f32 v3, v2;
	_ =	sdelay $0x1  }
0x34: {  	[tilespmem:v0+s24+$0xFFFFFFD0 ss:$0x1] =	vst.idx.msk $0xffff, v2  }
0x35: {  	v2 =	vld.idx.msk [tilespmem:v0+s24+$0xFFFFFFE0 ss:$0x1], $0xffff  }
0x36: {  	v3 =	vld.idx.msk [tilespmem:v1+s24+$0xFFFFFFB0 ss:$0x1], $0xffff;
	_ =	sdelay $0x4  }
0x37: {  	v2 =	vadd.f32 v3, v2;
	_ =	sdelay $0x1  }
0x38: {  	[tilespmem:v0+s24+$0xFFFFFFE0 ss:$0x1] =	vst.idx.msk $0xffff, v2  }
0x39: {  	v2 =	vld.idx.msk [tilespmem:v0+s24+$0xFFFFFFF0 ss:$0x1], $0xffff  }
0x3a: {  	v3 =	vld.idx.msk [tilespmem:v1+s24+$0xFFFFFFC0 ss:$0x1], $0xffff;
	_ =	sdelay $0x4  }
0x3b: {  	v2 =	vadd.f32 v3, v2;
	_ =	sdelay $0x1  }
0x3c: {  	[tilespmem:v0+s24+$0xFFFFFFF0 ss:$0x1] =	vst.idx.msk $0xffff, v2  }
0x3d: {  	v2 =	vld.idx.msk [tilespmem:v0+s24+$0x0 ss:$0x1], $0xffff  }
0x3e: {  	v3 =	vld.idx.msk [tilespmem:v1+s24+$0xFFFFFFD0 ss:$0x1], $0xffff;
	_ =	sdelay $0x4  }
0x3f: {  	v2 =	vadd.f32 v3, v2;
	_ =	sdelay $0x1  }
0x40: {  	[tilespmem:v0+s24+$0x0 ss:$0x1] =	vst.idx.msk $0xffff, v2  }
0x41: {  	v2 =	vld.idx.msk [tilespmem:v0+s24+$0x10 ss:$0x1], $0xffff  }
0x42: {  	v3 =	vld.idx.msk [tilespmem:v1+s24+$0xFFFFFFE0 ss:$0x1], $0xffff;
	_ =	sdelay $0x4  }
0x43: {  	v2 =	vadd.f32 v3, v2;
	_ =	sdelay $0x1  }
0x44: {  	[tilespmem:v0+s24+$0x10 ss:$0x1] =	vst.idx.msk $0xffff, v2  }
0x45: {  	v2 =	vld.idx.msk [tilespmem:v0+s24+$0x20 ss:$0x1], $0xffff  }
0x46: {  	v3 =	vld.idx.msk [tilespmem:v1+s24+$0xFFFFFFF0 ss:$0x1], $0xffff;
	_ =	sdelay $0x4  }
0x47: {  	v2 =	vadd.f32 v3, v2;
	_ =	sdelay $0x1  }
0x48: {  	[tilespmem:v0+s24+$0x20 ss:$0x1] =	vst.idx.msk $0xffff, v2  }
0x49: {  	s25 =	sadd.s32 $0x4F00, s25;
	s26 =	simm.s32 $0x200;
	v2 =	vld.idx.msk [tilespmem:v0+s24+$0x30 ss:$0x1], $0xffff  }
.LBB2_3:
0x4a: {  	p1 =	sne.s32 s26, $0xFE00;
	v3 =	vld.idx.msk [tilespmem:v1+s24+$0x0 ss:$0x1], $0xffff;
	s28 =	smov.u32 s26;
	s26 =	sadd.s32 $0x200, s26  }
0x4b: {  	_ =	sdelay $0x4  }
0x4c: {  	v2 =	vadd.f32 v3, v2;
	_ =	sdelay $0x1  }
0x4d: {  	[tilespmem:v0+s24+$0x30 ss:$0x1] =	vst.idx.msk $0xffff, v2;
	s24 =	sshra.s32 s28, $0x2  }
0x4e: {  	v2 =	vld.idx.msk [tilespmem:v0+s24+$0xFFFFFFC0 ss:$0x1], $0xffff  }
0x4f: {  	v3 =	vld.idx.msk [tilespmem:v1+s24+$0xFFFFFF90 ss:$0x1], $0xffff;
	_ =	sdelay $0x5  }
0x50: {  	v2 =	vadd.f32 v3, v2;
	_ =	sdelay $0x1  }
0x51: {  	[tilespmem:v0+s24+$0xFFFFFFC0 ss:$0x1] =	vst.idx.msk $0xffff, v2  }
0x52: {  	v2 =	vld.idx.msk [tilespmem:v0+s24+$0xFFFFFFD0 ss:$0x1], $0xffff  }
0x53: {  	v3 =	vld.idx.msk [tilespmem:v1+s24+$0xFFFFFFA0 ss:$0x1], $0xffff;
	_ =	sdelay $0x5  }
0x54: {  	v2 =	vadd.f32 v3, v2;
	_ =	sdelay $0x1  }
0x55: {  	[tilespmem:v0+s24+$0xFFFFFFD0 ss:$0x1] =	vst.idx.msk $0xffff, v2  }
0x56: {  	v2 =	vld.idx.msk [tilespmem:v0+s24+$0xFFFFFFE0 ss:$0x1], $0xffff  }
0x57: {  	v3 =	vld.idx.msk [tilespmem:v1+s24+$0xFFFFFFB0 ss:$0x1], $0xffff;
	_ =	sdelay $0x5  }
0x58: {  	v2 =	vadd.f32 v3, v2;
	_ =	sdelay $0x1  }
0x59: {  	[tilespmem:v0+s24+$0xFFFFFFE0 ss:$0x1] =	vst.idx.msk $0xffff, v2  }
0x5a: {  	v2 =	vld.idx.msk [tilespmem:v0+s24+$0xFFFFFFF0 ss:$0x1], $0xffff  }
0x5b: {  	v3 =	vld.idx.msk [tilespmem:v1+s24+$0xFFFFFFC0 ss:$0x1], $0xffff;
	_ =	sdelay $0x5  }
0x5c: {  	v2 =	vadd.f32 v3, v2;
	_ =	sdelay $0x1  }
0x5d: {  	[tilespmem:v0+s24+$0xFFFFFFF0 ss:$0x1] =	vst.idx.msk $0xffff, v2  }
0x5e: {  	v2 =	vld.idx.msk [tilespmem:v0+s24+$0x0 ss:$0x1], $0xffff  }
0x5f: {  	v3 =	vld.idx.msk [tilespmem:v1+s24+$0xFFFFFFD0 ss:$0x1], $0xffff;
	_ =	sdelay $0x5  }
0x60: {  	v2 =	vadd.f32 v3, v2;
	_ =	sdelay $0x1  }
0x61: {  	[tilespmem:v0+s24+$0x0 ss:$0x1] =	vst.idx.msk $0xffff, v2  }
0x62: {  	v2 =	vld.idx.msk [tilespmem:v0+s24+$0x10 ss:$0x1], $0xffff  }
0x63: {  	v3 =	vld.idx.msk [tilespmem:v1+s24+$0xFFFFFFE0 ss:$0x1], $0xffff;
	_ =	sdelay $0x5  }
0x64: {  	v2 =	vadd.f32 v3, v2;
	_ =	sdelay $0x1  }
0x65: {  	[tilespmem:v0+s24+$0x10 ss:$0x1] =	vst.idx.msk $0xffff, v2  }
0x66: {  	v2 =	vld.idx.msk [tilespmem:v0+s24+$0x20 ss:$0x1], $0xffff  }
0x67: {  	v3 =	vld.idx.msk [tilespmem:v1+s24+$0xFFFFFFF0 ss:$0x1], $0xffff;
	_ =	sdelay $0x4  }
.Ltmp0:
0x68: {  	(pc) =	sbr.rel @p1 .LBB2_3-.Ltmp0, $3  }
0x69: {  	v2 =	vadd.f32 v3, v2;
	_ =	sdelay $0x1  }
0x6a: {  	[tilespmem:v0+s24+$0x20 ss:$0x1] =	vst.idx.msk $0xffff, v2  }
0x6b: {  	v2 =	vld.idx.msk [tilespmem:v0+s24+$0x30 ss:$0x1], $0xffff  }
0x6c: {  	_ =	sdelay $0x3  }
0x6d: {  	v1 =	vld.idx.msk [tilespmem:v1+s24+$0x0 ss:$0x1], $0xffff;
	_ =	sdelay $0x1  }
0x6e: {  	s22 =	sadd.s32 $0x1, s22  }
0x6f: {  	p1 =	sne.s32 s22, $0x4E  }
.Ltmp1:
0x70: {  	_ = 	snop;
	(pc) =	sbr.rel @p1 .LBB2_2-.Ltmp1, $4  }
0x71: {  	s23 =	sadd.s32 s5, s23;
	v1 =	vadd.f32 v1, v2  }
0x72: {  	s23 =	sshrl.u32 s23, $0x3  }
0x73: {  	p0 =	por !p0, !p0;
	s23 =	sadd.s32 s6, s23;
	[tilespmem:v0+s24+$0x30 ss:$0x1] =	vst.idx.msk $0xffff, v1  }
0x74: {  	[hbm4b:s23+s4] =	stream.linear.scatter [tilespmem:s25], [sflag:$0x2], $0x4000, $0x38;
	[tilespmem:$0x14F00] =	vst v63  }
0x75: {  	_ =	swait.ge [sflag:s17], $0x4000  }
0x76: {  	[sflag:s17] =	ssyncset.done $0x0  }
0x77: {  	[sflag:s17] =	ssyncadd.s32 $0xFFFFC000  }
0x78: {  	[tilespmem:s14], [sflag:$0x1] =	stream.indirect.gather [hbm4b:s1+s18], $0x80, s19, s18, $0xb8;
	[tilespmem:$0x14F00] =	vst v63  }
0x79: {  	_ = 	snop  }
0x7a: {  	[tilespmem:s15], [sflag:$0x1] =	stream.indirect.gather [hbm4b:s3+s18], $0x80, s20, s18, $0xb8;
	[tilespmem:$0x14F00] =	vst v63  }
0x7b: {  	_ =	swait.ge [sflag:s16], $0x800  }
0x7c: {  	[sflag:s16] =	ssyncset.done $0x0  }
0x7d: {  	[sflag:s16] =	ssyncadd.s32 $0xFFFFF800  }
0x7e: {  	_ =	swait.ge [sflag:s16], $0x800  }
0x7f: {  	[sflag:s16] =	ssyncset.done $0x0  }
0x80: {  	s22 =	simm.s32 $0x0;
	[sflag:s16] =	ssyncadd.s32 $0xFFFFF800  }
0x81: {  	v7 =	vld [tilespmem:s22+$0xCF00]  }
0x82: {  	v11 =	vld [tilespmem:s22+$0xCF10]  }
0x83: {  	v5 =	vld [tilespmem:s22+$0xCF20]  }
0x84: {  	v4 =	vld [tilespmem:s22+$0xCF30]  }
0x85: {  	v3 =	vld [tilespmem:s22+$0xCF40]  }
0x86: {  	v2 =	vld [tilespmem:s22+$0xCF50]  }
0x87: {  	v1 =	vld [tilespmem:s22+$0xCF60]  }
0x88: {  	v0 =	vld [tilespmem:s22+$0xCF70]  }
0x89: {  	v12 =	vld [tilespmem:s22+$0x4F00]  }
0x8a: {  	v13 =	vld [tilespmem:s22+$0x4F10]  }
0x8b: {  	v10 =	vld [tilespmem:s22+$0x4F20]  }
0x8c: {  	v9 =	vld [tilespmem:s22+$0x4F30]  }
0x8d: {  	v8 =	vld [tilespmem:s22+$0x4F40]  }
0x8e: {  	v6 =	vld [tilespmem:s22+$0x4F50];
	v12 =	vadd.f32 v7, v12  }
0x8f: {  	s23 =	simm.s32 $0x200;
	v11 =	vadd.f32 v11, v13;
	v7 =	vld [tilespmem:s22+$0x4F60]  }
.LBB2_6:
0x90: {  	s24 =	sshra.s32 s23, $0x2;
	p0 =	sne.s32 s23, $0x1E00;
	[tilespmem:s22+$0x4F00] =	vst v12;
	v5 =	vadd.f32 v5, v10;
	v10 =	vld [tilespmem:s22+$0x4F70]  }
0x91: {  	v12 =	vld [tilespmem:s24+$0xCF00];
	[tilespmem:s22+$0x4F10] =	vst v11;
	v4 =	vadd.f32 v4, v9  }
0x92: {  	v11 =	vld [tilespmem:s24+$0xCF10];
	[tilespmem:s22+$0x4F20] =	vst v5;
	v3 =	vadd.f32 v3, v8  }
0x93: {  	v5 =	vld [tilespmem:s24+$0xCF20];
	[tilespmem:s22+$0x4F30] =	vst v4;
	v2 =	vadd.f32 v2, v6  }
0x94: {  	v4 =	vld [tilespmem:s24+$0xCF30];
	[tilespmem:s22+$0x4F40] =	vst v3;
	v1 =	vadd.f32 v1, v7  }
0x95: {  	v3 =	vld [tilespmem:s24+$0xCF40];
	[tilespmem:s22+$0x4F50] =	vst v2;
	v0 =	vadd.f32 v0, v10  }
0x96: {  	v2 =	vld [tilespmem:s24+$0xCF50];
	[tilespmem:s22+$0x4F60] =	vst v1  }
0x97: {  	v1 =	vld [tilespmem:s24+$0xCF60];
	[tilespmem:s22+$0x4F70] =	vst v0;
	s22 =	smov.u32 s24  }
0x98: {  	v0 =	vld [tilespmem:s22+$0xCF70]  }
0x99: {  	v6 =	vld [tilespmem:s22+$0x4F00]  }
0x9a: {  	v7 =	vld [tilespmem:s22+$0x4F10]  }
.Ltmp2:
0x9b: {  	v10 =	vld [tilespmem:s22+$0x4F20];
	(pc) =	sbr.rel @p0 .LBB2_6-.Ltmp2, $4  }
0x9c: {  	v9 =	vld [tilespmem:s22+$0x4F30]  }
0x9d: {  	v8 =	vld [tilespmem:s22+$0x4F40]  }
0x9e: {  	v12 =	vadd.f32 v12, v6;
	v6 =	vld [tilespmem:s22+$0x4F50]  }
0x9f: {  	s23 =	sadd.s32 $0x200, s23;
	v11 =	vadd.f32 v11, v7;
	v7 =	vld [tilespmem:s22+$0x4F60]  }
0xa0: {  	[tilespmem:s22+$0x4F00] =	vst v12;
	v5 =	vadd.f32 v5, v10;
	v63 =	vld [tilespmem:s22+$0x4F70]  }
0xa1: {  	[tilespmem:s22+$0x4F10] =	vst v11;
	v4 =	vadd.f32 v4, v9  }
0xa2: {  	[tilespmem:s22+$0x4F20] =	vst v5;
	v3 =	vadd.f32 v3, v8  }
0xa3: {  	[tilespmem:s22+$0x4F30] =	vst v4;
	v2 =	vadd.f32 v2, v6  }
0xa4: {  	[tilespmem:s22+$0x4F40] =	vst v3;
	v1 =	vadd.f32 v1, v7  }
0xa5: {  	s21 =	sadd.s32 $0x1, s21;
	[tilespmem:s22+$0x4F50] =	vst v2;
	v0 =	vadd.f32 v0, v63  }
0xa6: {  	p0 =	sne.s32 s21, s10;
	[tilespmem:s22+$0x4F60] =	vst v1  }
.Ltmp3:
0xa7: {  	[tilespmem:s22+$0x4F70] =	vst v0;
	(pc) =	sbr.rel @p0 .LBB2_1-.Ltmp3, $4  }
0xa8: {  	[hbm4b:s9+s4] =	stream.linear.scatter [tilespmem:s14], [sflag:$0x3], $0x800, $0x38;
	[tilespmem:$0x14F00] =	vst v63  }
0xa9: {  	_ =	swait.ge [sflag:s11], $0x800  }
0xaa: {  	[sflag:s11] =	ssyncset.done $0x0  }
0xab: {  	[sflag:s11] =	ssyncadd.s32 $0xFFFFF800  }
0xac: {  	_ =	sfence.sel $0x180000  }
0xad: {  	[bflag:$0x0] =	sbarrier.arrive $0xFFFF  }
0xae: {  	p0 =	sne.s32 s0, $0x0;
	_ =	strace $0x90000047  }
0xaf: {  	s0 =	sadd.s32 @!p0 $0x100000, s2;
	[bflag:$0x2] =	sbarrier.arrive $0xFFFF  }
0xb0: {  	[sflag:s0] =	ssyncadd.tile.s32 @!p0 $0x1;
	_ =	shalt  }
.Lfunc_end2:
_tile_overlayer_lowered:
.L_overlay_start_2:
0xb1: {  	(tag) =	ssettag $0x2  }
0xb2: {  	s0 =	rddreg [dreg:$0x0];
	s2 =	stileid.u32  }
0xb3: {  	s1 =	rddreg [dreg:$0x1];
	p0 =	sne.s32 s2, $0x0  }
0xb4: {  	s3 =	rddreg [dreg:$0x2];
	[bflag:$0x3] =	sbarrier.arrive $0xFFFF;
	s2 =	simm.s32 @!p0 $0x1C03  }
0xb5: {  	[timem:s3], [sflag:s2] =	dma.local @!p0 [hbm:s0], s1  }
0xb6: {  	s0 =	simm.s32 @!p0 $0x3  }
0xb7: {  	_ =	swait.ge @!p0 [sflag:s0], s1  }
0xb8: {  	s1 =	ssub.s32 @!p0 $0x0, s1;
	[sflag:s0] =	ssyncset.done @!p0 $0x0  }
0xb9: {  	[sflag:s0] =	ssyncadd.s32 @!p0 s1  }
0xba: {  	[bflag:$0x3] =	sbarrier.arrive $0xFFFF  }
0xbb: {  	_ =	shalt  }

</sc_bundles>
